<compile_context>
chip_gen: v7x
topology: tpu7x:2x2x1
jax: 0.10.2.dev20260603
libtpu: 0.0.44.dev20260713+nightly
codegen_flags: <defaults>
</compile_context>

<pallas_src>
import functools

import jax
import jax.numpy as jnp
from jax import lax
from jax.experimental import pallas as pl
from jax.experimental.pallas import tpu as pltpu
from jax.experimental.pallas import tpu_sc as plsc

N = 10000
E = 160000
F = 256
HALF = 128
G = 64
C = 64
NP = 10240
EPAD = 163840
NSUB = 16
NCORE = 2
K = 128
EPT = EPAD // NSUB
NBLK = EPT // K
RPT = NP // NSUB
GRP = 2
NGRP = NBLK // GRP
DEGW = 128
R = 512
NG = NP // R


def _sc_agg_body(table, src2, dst, zrows, agg_out,
                 src_all, dgrp, r0, r1, agg_sh, g0, g1, s0, s1):
    c = lax.axis_index("c")
    s = lax.axis_index("s")
    rows = [r0, r1]
    gsems = [g0, g1]
    ssems = [s0, s1]
    pltpu.sync_copy(zrows, r0)
    for m in range(RPT // K):
        pltpu.sync_copy(r0, agg_sh.at[pl.ds(s * RPT + m * K, K)])
    pltpu.sync_copy(src2.at[c * NSUB + s], src_all)
    plsc.subcore_barrier()

    def quad(q, carry):
        gh = [pltpu.async_copy(
                  table.at[src_all.at[pl.ds((q * GRP + b) * K, K)]],
                  rows[b], gsems[b]) for b in range(GRP)]
        pltpu.sync_copy(dst.at[s, q], dgrp)
        sh = []
        for b in range(GRP):
            gh[b].wait()
            sh.append(pltpu.async_copy(rows[b], agg_sh.at[dgrp.at[b]],
                                       ssems[b], add=True))
        for b in range(GRP):
            sh[b].wait()
        return carry

    lax.fori_loop(0, NGRP, quad, 0)
    plsc.subcore_barrier()
    for m in range(RPT // K):
        pltpu.sync_copy(agg_sh.at[pl.ds(s * RPT + m * K, K)], r0)
        pltpu.sync_copy(r0, agg_out.at[pl.ds(c * NP + s * RPT + m * K, K)])


def _make_sc_agg():
    return pl.kernel(
        _sc_agg_body,
        mesh=plsc.VectorSubcoreMesh(core_axis_name="c", subcore_axis_name="s"),
        out_type=jax.ShapeDtypeStruct((NCORE * NP, HALF), jnp.float32),
        scratch_types=[
            pltpu.VMEM((EPT + 2 * K,), jnp.int32),
            pltpu.VMEM((GRP, K), jnp.int32),
            pltpu.VMEM((K, HALF), jnp.float32),
            pltpu.VMEM((K, HALF), jnp.float32),
            pltpu.VMEM_SHARED((NP, HALF), jnp.float32),
            pltpu.SemaphoreType.DMA,
            pltpu.SemaphoreType.DMA,
            pltpu.SemaphoreType.DMA,
            pltpu.SemaphoreType.DMA,
        ],
    )


def _sc_deg_body(dst, zdeg, ones, deg_out, dst_all, onesv, dbuf, deg_sh, sem):
    c = lax.axis_index("c")
    s = lax.axis_index("s")
    pltpu.sync_copy(zdeg, dbuf)
    for m in range(RPT // K):
        pltpu.sync_copy(dbuf, deg_sh.at[pl.ds(s * RPT + m * K, K)])
    pltpu.sync_copy(ones, onesv)
    pltpu.sync_copy(dst.at[s], dst_all)
    plsc.subcore_barrier()

    def body(j, carry):
        pltpu.sync_copy(onesv, deg_sh.at[dst_all.at[j]], add=True)
        return carry

    lax.fori_loop(0, NBLK // NCORE, lambda j, car: body(j * NCORE + c, car), 0)
    plsc.subcore_barrier()
    for m in range(RPT // K):
        pltpu.sync_copy(deg_sh.at[pl.ds(s * RPT + m * K, K)], dbuf)
        pltpu.sync_copy(dbuf, deg_out.at[pl.ds(c * NP + s * RPT + m * K, K)])


def _make_sc_deg():
    return pl.kernel(
        _sc_deg_body,
        mesh=plsc.VectorSubcoreMesh(core_axis_name="c", subcore_axis_name="s"),
        out_type=jax.ShapeDtypeStruct((NCORE * NP, DEGW), jnp.float32),
        scratch_types=[
            pltpu.VMEM((NBLK, K), jnp.int32),
            pltpu.VMEM((K, DEGW), jnp.float32),
            pltpu.VMEM((K, DEGW), jnp.float32),
            pltpu.VMEM_SHARED((NP, DEGW), jnp.float32),
            pltpu.SemaphoreType.DMA,
        ],
    )


def _sage_tc_body(h_ref, a_ref, d_ref, ws_ref, wn_ref, b_ref, o_ref):
    r = 1.0 / jnp.maximum(d_ref[0, :, 0:1] + d_ref[1, :, 0:1], 1.0)
    o = (jnp.dot(h_ref[0], ws_ref[0:HALF, :], preferred_element_type=jnp.float32)
         + jnp.dot(h_ref[1], ws_ref[HALF:F, :], preferred_element_type=jnp.float32)
         + jnp.dot(a_ref[0] * r, wn_ref[0:HALF, :], preferred_element_type=jnp.float32)
         + jnp.dot(a_ref[1] * r, wn_ref[HALF:F, :], preferred_element_type=jnp.float32)
         + b_ref[...])
    o = jnp.maximum(o, 0.0)
    o_ref[0] = o[:, 0:HALF]
    o_ref[1] = o[:, HALF:F]


def _sage_tc(h2, agg2, deg, Ws, Wn, b):
    return pl.pallas_call(
        _sage_tc_body,
        grid=(NG,),
        in_specs=[
            pl.BlockSpec((2, R, HALF), lambda i: (0, i, 0)),
            pl.BlockSpec((2, R, HALF), lambda i: (0, i, 0)),
            pl.BlockSpec((2, R, DEGW), lambda i: (0, i, 0)),
            pl.BlockSpec((F, F), lambda i: (0, 0)),
            pl.BlockSpec((F, F), lambda i: (0, 0)),
            pl.BlockSpec((1, F), lambda i: (0, 0)),
        ],
        out_specs=pl.BlockSpec((2, R, HALF), lambda i: (0, i, 0)),
        out_shape=jax.ShapeDtypeStruct((2, NP, HALF), jnp.float32),
    )(h2, agg2, deg, Ws, Wn, b)


def _pool_body(b_ref, h_ref, w1_ref, b1_ref, w2_ref, b2_ref, o_ref, acc, cnt):
    i = pl.program_id(0)

    @pl.when(i == 0)
    def _():
        acc[...] = jnp.zeros_like(acc)
        cnt[...] = jnp.zeros_like(cnt)

    hcat = jnp.concatenate([h_ref[0], h_ref[1]], axis=1)
    bid = b_ref[0]
    oh = (lax.broadcasted_iota(jnp.int32, (G, R), 0) == bid).astype(jnp.float32)
    acc[...] += jnp.dot(oh, hcat, preferred_element_type=jnp.float32)
    cnt[...] = cnt[...] + jnp.sum(oh, axis=1, keepdims=True)

    @pl.when(i == NG - 1)
    def _():
        pooled = acc[...] / jnp.maximum(cnt[...][:, 0:1], 1.0)
        hmid = jnp.maximum(
            jnp.dot(pooled, w1_ref[...], preferred_element_type=jnp.float32)
            + b1_ref[...], 0.0)
        o_ref[...] = (jnp.dot(hmid, w2_ref[...], preferred_element_type=jnp.float32)
                      + b2_ref[...])


def _pool_tc(batch3, h2, W1, b1, W2, b2):
    return pl.pallas_call(
        _pool_body,
        grid=(NG,),
        in_specs=[
            pl.BlockSpec((1, 1, R), lambda i: (i, 0, 0)),
            pl.BlockSpec((2, R, HALF), lambda i: (0, i, 0)),
            pl.BlockSpec((F, F), lambda i: (0, 0)),
            pl.BlockSpec((1, F), lambda i: (0, 0)),
            pl.BlockSpec((F, C), lambda i: (0, 0)),
            pl.BlockSpec((1, C), lambda i: (0, 0)),
        ],
        out_specs=pl.BlockSpec((G, C), lambda i: (0, 0)),
        out_shape=jax.ShapeDtypeStruct((G, C), jnp.float32),
        scratch_shapes=[
            pltpu.VMEM((G, F), jnp.float32),
            pltpu.VMEM((G, HALF), jnp.float32),
        ],
    )(batch3, h2, W1, b1, W2, b2)


def kernel(x, edge_index, batch, W1_self, b1_self, W1_neigh, b1_neigh,
           W2_self, b2_self, W2_neigh, b2_neigh, W3_self, b3_self, W3_neigh,
           b3_neigh, W_lin1, b_lin1, W_lin2, b_lin2):
    f32 = jnp.float32
    src = edge_index[0]
    dst = edge_index[1]

    xp = jnp.pad(x, ((0, NP - N), (0, 0)))
    h = jnp.stack([xp[:, 0:HALF], xp[:, HALF:F]])
    srcp = jnp.pad(src, (0, EPAD - E))
    dstp = jnp.pad(dst, (0, EPAD - E), constant_values=N)
    src2 = jnp.pad(
        jnp.concatenate([srcp, srcp + NP]).reshape(2 * NSUB, EPT),
        ((0, 0), (0, 2 * K)))
    dst3 = dstp.reshape(NSUB, NBLK, K)
    dst4 = dstp.reshape(NSUB, NGRP, GRP, K)
    zrows = jnp.zeros((K, HALF), f32)
    zdeg = jnp.zeros((K, DEGW), f32)
    ones = jnp.ones((K, DEGW), f32)
    batch3 = jnp.pad(batch, (0, NP - N), constant_values=G).reshape(NG, 1, R)

    sc_agg = _make_sc_agg()
    deg = _make_sc_deg()(dst3, zdeg, ones).reshape(2, NP, DEGW)
    layers = [
        (W1_self, b1_self, W1_neigh, b1_neigh),
        (W2_self, b2_self, W2_neigh, b2_neigh),
        (W3_self, b3_self, W3_neigh, b3_neigh),
    ]
    for Ws, bs, Wn, bn in layers:
        table = h.reshape(NCORE * NP, HALF)
        aggf = sc_agg(table, src2, dst4, zrows)
        h = _sage_tc(h, aggf.reshape(2, NP, HALF), deg, Ws, Wn,
                     (bs + bn).reshape(1, F))

    return _pool_tc(batch3, h, W_lin1, b_lin1.reshape(1, F),
                    W_lin2, b_lin2.reshape(1, C))

# --- scband reference (transcript-rebuilt; emitter-appended) ---
"""Pipeline reference for scband-graph-sage-2-63488206570087 (READ-ONLY COPY).

The authoritative reference and input builder live on the scoring server;
editing this copy changes nothing except your own understanding.
"""

import jax, jax.numpy as jnp
import numpy as np

N = 10000
E = 160000
F_IN = 256
H = 256
C = 64
G = 64


def _glorot(key, shape):
    fan_in, fan_out = shape[0], shape[1]
    s = (6.0 / (fan_in + fan_out)) ** 0.5
    return jax.random.uniform(key, shape, dtype=jnp.float32, minval=-s, maxval=s)


def setup_inputs(seed: int = 0):
    key = jax.random.key(seed)
    ks = jax.random.split(key, 16)
    inp = {}
    inp["x"] = jax.random.normal(ks[0], (N, F_IN), dtype=jnp.float32)
    inp["edge_index"] = jax.random.randint(ks[1], (2, E), 0, N, dtype=jnp.int32)
    inp["batch"] = jnp.sort(jax.random.randint(ks[2], (N,), 0, G, dtype=jnp.int32))
    inp["W1_self"] = _glorot(ks[3], (F_IN, H))
    inp["b1_self"] = jnp.zeros((H,), jnp.float32)
    inp["W1_neigh"] = _glorot(ks[4], (F_IN, H))
    inp["b1_neigh"] = jnp.zeros((H,), jnp.float32)
    inp["W2_self"] = _glorot(ks[5], (H, H))
    inp["b2_self"] = jnp.zeros((H,), jnp.float32)
    inp["W2_neigh"] = _glorot(ks[6], (H, H))
    inp["b2_neigh"] = jnp.zeros((H,), jnp.float32)
    inp["W3_self"] = _glorot(ks[7], (H, H))
    inp["b3_self"] = jnp.zeros((H,), jnp.float32)
    inp["W3_neigh"] = _glorot(ks[8], (H, H))
    inp["b3_neigh"] = jnp.zeros((H,), jnp.float32)
    inp["W_lin1"] = _glorot(ks[9], (H, H))
    inp["b_lin1"] = jnp.zeros((H,), jnp.float32)
    inp["W_lin2"] = _glorot(ks[10], (H, C))
    inp["b_lin2"] = jnp.zeros((C,), jnp.float32)
    return inp


def _sage(x, src, dst, Ws, bs, Wn, bn):
    # SAGE mean-aggregation MPNN layer: self transform + mean of neighbor messages
    msgs = jnp.take(x, src, axis=0)
    agg = jax.ops.segment_sum(msgs, dst, num_segments=N)
    deg = jax.ops.segment_sum(jnp.ones((src.shape[0],), x.dtype), dst, num_segments=N)
    mean = agg / jnp.clip(deg, 1.0)[:, None]
    return x @ Ws + bs + mean @ Wn + bn


def reference(x, edge_index, batch, W1_self, b1_self, W1_neigh, b1_neigh, W2_self, b2_self, W2_neigh, b2_neigh, W3_self, b3_self, W3_neigh, b3_neigh, W_lin1, b_lin1, W_lin2, b_lin2):
    src, dst = edge_index[0], edge_index[1]
    h = jax.nn.relu(_sage(x, src, dst, W1_self, b1_self, W1_neigh, b1_neigh))
    h = jax.nn.relu(_sage(h, src, dst, W2_self, b2_self, W2_neigh, b2_neigh))
    h = jax.nn.relu(_sage(h, src, dst, W3_self, b3_self, W3_neigh, b3_neigh))
    pooled_sum = jax.ops.segment_sum(h, batch, num_segments=G)
    counts = jax.ops.segment_sum(jnp.ones((N,), h.dtype), batch, num_segments=G)
    pooled = pooled_sum / jnp.clip(counts, 1.0)[:, None]
    h = jax.nn.relu(pooled @ W_lin1 + b_lin1)
    # dropout p=0.5 is identity in eval mode
    out = h @ W_lin2 + b_lin2
    return out

if __name__ == "__main__":
    import jax
    _d = setup_inputs()
    print(jax.jit(kernel)(*tuple(_d.values())))

</pallas_src>

<mosaic_0001>
#map = affine_map<(d0, d1) -> (0, 0, 0)>
#map1 = affine_map<(d0, d1) -> (0, 0)>
module attributes {stable_mosaic.version = 14 : i64} {
  func.func @_sc_deg_body(%arg0: i32, %arg1: i32, %arg2: memref<16x80x128xi32, #tpu.memory_space<hbm>>, %arg3: memref<128x128xf32, #tpu.memory_space<hbm>>, %arg4: memref<128x128xf32, #tpu.memory_space<hbm>>, %arg5: memref<20480x128xf32, #tpu.memory_space<hbm>>, %arg6: memref<80x128xi32, #tpu.memory_space<vmem>>, %arg7: memref<128x128xf32, #tpu.memory_space<vmem>>, %arg8: memref<128x128xf32, #tpu.memory_space<vmem>>, %arg9: memref<10240x128xf32, #tpu.memory_space<vmem_shared>>, %arg10: memref<!tpu.dma_semaphore, #tpu.memory_space<semaphore_mem>>) attributes {dimension_semantics = [#tpu.dimension_semantics<core_parallel>, #tpu.dimension_semantics<subcore_parallel>], iteration_bounds = array<i64: 2, 16>, scalar_prefetch = 0 : i64, scratch_operands = 5 : i64, tpu.core_type = #tpu.core_type<sc_vector_subcore>, window_params = [{transform_indices = #map}, {transform_indices = #map1}, {transform_indices = #map1}, {transform_indices = #map1}]} {
    "tpu.region"() ({
      %run_scoped3A = tpu.sem_alloc : memref<!tpu.dma_semaphore, #tpu.memory_space<semaphore_mem>>
      tpu.enqueue_dma source(%arg3 : memref<128x128xf32, #tpu.memory_space<hbm>>) target(%arg8 : memref<128x128xf32, #tpu.memory_space<vmem>>) target_semaphore(%run_scoped3A : memref<!tpu.dma_semaphore, #tpu.memory_space<semaphore_mem>>)
      tpu.wait_dma2 semaphore(%run_scoped3A : memref<!tpu.dma_semaphore, #tpu.memory_space<semaphore_mem>>) src(%arg3 : memref<128x128xf32, #tpu.memory_space<hbm>>) dst(%arg8 : memref<128x128xf32, #tpu.memory_space<vmem>>)
      tpu.yield
    }) : () -> ()
    %mul3A = arith.constant 640 : i32
    %mul3A_0 = arith.muli %arg1, %mul3A : i32
    %add3A = arith.constant 0 : i32
    %add3A_1 = arith.addi %mul3A_0, %add3A : i32
    "tpu.region"() ({
      %run_scoped3A = tpu.sem_alloc : memref<!tpu.dma_semaphore, #tpu.memory_space<semaphore_mem>>
      %dma_start3A = arith.constant 0 : i32
      %dma_start3A_79 = tpu.memref_slice %arg9[%add3A_1, %dma_start3A] : memref<10240x128xf32, #tpu.memory_space<vmem_shared>> -> memref<128x128xf32, #tpu.memory_space<vmem_shared>>
      %dma_start3A_80 = arith.constant 0 : i32
      %dma_start3A_81 = tpu.memref_slice %arg9[%add3A_1, %dma_start3A_80] : memref<10240x128xf32, #tpu.memory_space<vmem_shared>> -> memref<128x128xf32, #tpu.memory_space<vmem_shared>>
      tpu.enqueue_dma source(%arg8 : memref<128x128xf32, #tpu.memory_space<vmem>>) target(%dma_start3A_81 : memref<128x128xf32, #tpu.memory_space<vmem_shared>>) target_semaphore(%run_scoped3A : memref<!tpu.dma_semaphore, #tpu.memory_space<semaphore_mem>>)
      %dma_wait3A = arith.constant 0 : i32
      %dma_wait3A_82 = tpu.memref_slice %arg9[%add3A_1, %dma_wait3A] : memref<10240x128xf32, #tpu.memory_space<vmem_shared>> -> memref<128x128xf32, #tpu.memory_space<vmem_shared>>
      %dma_wait3A_83 = arith.constant 0 : i32
      %dma_wait3A_84 = tpu.memref_slice %arg9[%add3A_1, %dma_wait3A_83] : memref<10240x128xf32, #tpu.memory_space<vmem_shared>> -> memref<128x128xf32, #tpu.memory_space<vmem_shared>>
      tpu.wait_dma2 semaphore(%run_scoped3A : memref<!tpu.dma_semaphore, #tpu.memory_space<semaphore_mem>>) src(%arg8 : memref<128x128xf32, #tpu.memory_space<vmem>>) dst(%dma_wait3A_84 : memref<128x128xf32, #tpu.memory_space<vmem_shared>>)
      tpu.yield
    }) : () -> ()
    %mul3A_2 = arith.constant 640 : i32
    %mul3A_3 = arith.muli %arg1, %mul3A_2 : i32
    %add3A_4 = arith.constant 128 : i32
    %add3A_5 = arith.addi %mul3A_3, %add3A_4 : i32
    "tpu.region"() ({
      %run_scoped3A = tpu.sem_alloc : memref<!tpu.dma_semaphore, #tpu.memory_space<semaphore_mem>>
      %dma_start3A = arith.constant 0 : i32
      %dma_start3A_79 = tpu.memref_slice %arg9[%add3A_5, %dma_start3A] : memref<10240x128xf32, #tpu.memory_space<vmem_shared>> -> memref<128x128xf32, #tpu.memory_space<vmem_shared>>
      %dma_start3A_80 = arith.constant 0 : i32
      %dma_start3A_81 = tpu.memref_slice %arg9[%add3A_5, %dma_start3A_80] : memref<10240x128xf32, #tpu.memory_space<vmem_shared>> -> memref<128x128xf32, #tpu.memory_space<vmem_shared>>
      tpu.enqueue_dma source(%arg8 : memref<128x128xf32, #tpu.memory_space<vmem>>) target(%dma_start3A_81 : memref<128x128xf32, #tpu.memory_space<vmem_shared>>) target_semaphore(%run_scoped3A : memref<!tpu.dma_semaphore, #tpu.memory_space<semaphore_mem>>)
      %dma_wait3A = arith.constant 0 : i32
      %dma_wait3A_82 = tpu.memref_slice %arg9[%add3A_5, %dma_wait3A] : memref<10240x128xf32, #tpu.memory_space<vmem_shared>> -> memref<128x128xf32, #tpu.memory_space<vmem_shared>>
      %dma_wait3A_83 = arith.constant 0 : i32
      %dma_wait3A_84 = tpu.memref_slice %arg9[%add3A_5, %dma_wait3A_83] : memref<10240x128xf32, #tpu.memory_space<vmem_shared>> -> memref<128x128xf32, #tpu.memory_space<vmem_shared>>
      tpu.wait_dma2 semaphore(%run_scoped3A : memref<!tpu.dma_semaphore, #tpu.memory_space<semaphore_mem>>) src(%arg8 : memref<128x128xf32, #tpu.memory_space<vmem>>) dst(%dma_wait3A_84 : memref<128x128xf32, #tpu.memory_space<vmem_shared>>)
      tpu.yield
    }) : () -> ()
    %mul3A_6 = arith.constant 640 : i32
    %mul3A_7 = arith.muli %arg1, %mul3A_6 : i32
    %add3A_8 = arith.constant 256 : i32
    %add3A_9 = arith.addi %mul3A_7, %add3A_8 : i32
    "tpu.region"() ({
      %run_scoped3A = tpu.sem_alloc : memref<!tpu.dma_semaphore, #tpu.memory_space<semaphore_mem>>
      %dma_start3A = arith.constant 0 : i32
      %dma_start3A_79 = tpu.memref_slice %arg9[%add3A_9, %dma_start3A] : memref<10240x128xf32, #tpu.memory_space<vmem_shared>> -> memref<128x128xf32, #tpu.memory_space<vmem_shared>>
      %dma_start3A_80 = arith.constant 0 : i32
      %dma_start3A_81 = tpu.memref_slice %arg9[%add3A_9, %dma_start3A_80] : memref<10240x128xf32, #tpu.memory_space<vmem_shared>> -> memref<128x128xf32, #tpu.memory_space<vmem_shared>>
      tpu.enqueue_dma source(%arg8 : memref<128x128xf32, #tpu.memory_space<vmem>>) target(%dma_start3A_81 : memref<128x128xf32, #tpu.memory_space<vmem_shared>>) target_semaphore(%run_scoped3A : memref<!tpu.dma_semaphore, #tpu.memory_space<semaphore_mem>>)
      %dma_wait3A = arith.constant 0 : i32
      %dma_wait3A_82 = tpu.memref_slice %arg9[%add3A_9, %dma_wait3A] : memref<10240x128xf32, #tpu.memory_space<vmem_shared>> -> memref<128x128xf32, #tpu.memory_space<vmem_shared>>
      %dma_wait3A_83 = arith.constant 0 : i32
      %dma_wait3A_84 = tpu.memref_slice %arg9[%add3A_9, %dma_wait3A_83] : memref<10240x128xf32, #tpu.memory_space<vmem_shared>> -> memref<128x128xf32, #tpu.memory_space<vmem_shared>>
      tpu.wait_dma2 semaphore(%run_scoped3A : memref<!tpu.dma_semaphore, #tpu.memory_space<semaphore_mem>>) src(%arg8 : memref<128x128xf32, #tpu.memory_space<vmem>>) dst(%dma_wait3A_84 : memref<128x128xf32, #tpu.memory_space<vmem_shared>>)
      tpu.yield
    }) : () -> ()
    %mul3A_10 = arith.constant 640 : i32
    %mul3A_11 = arith.muli %arg1, %mul3A_10 : i32
    %add3A_12 = arith.constant 384 : i32
    %add3A_13 = arith.addi %mul3A_11, %add3A_12 : i32
    "tpu.region"() ({
      %run_scoped3A = tpu.sem_alloc : memref<!tpu.dma_semaphore, #tpu.memory_space<semaphore_mem>>
      %dma_start3A = arith.constant 0 : i32
      %dma_start3A_79 = tpu.memref_slice %arg9[%add3A_13, %dma_start3A] : memref<10240x128xf32, #tpu.memory_space<vmem_shared>> -> memref<128x128xf32, #tpu.memory_space<vmem_shared>>
      %dma_start3A_80 = arith.constant 0 : i32
      %dma_start3A_81 = tpu.memref_slice %arg9[%add3A_13, %dma_start3A_80] : memref<10240x128xf32, #tpu.memory_space<vmem_shared>> -> memref<128x128xf32, #tpu.memory_space<vmem_shared>>
      tpu.enqueue_dma source(%arg8 : memref<128x128xf32, #tpu.memory_space<vmem>>) target(%dma_start3A_81 : memref<128x128xf32, #tpu.memory_space<vmem_shared>>) target_semaphore(%run_scoped3A : memref<!tpu.dma_semaphore, #tpu.memory_space<semaphore_mem>>)
      %dma_wait3A = arith.constant 0 : i32
      %dma_wait3A_82 = tpu.memref_slice %arg9[%add3A_13, %dma_wait3A] : memref<10240x128xf32, #tpu.memory_space<vmem_shared>> -> memref<128x128xf32, #tpu.memory_space<vmem_shared>>
      %dma_wait3A_83 = arith.constant 0 : i32
      %dma_wait3A_84 = tpu.memref_slice %arg9[%add3A_13, %dma_wait3A_83] : memref<10240x128xf32, #tpu.memory_space<vmem_shared>> -> memref<128x128xf32, #tpu.memory_space<vmem_shared>>
      tpu.wait_dma2 semaphore(%run_scoped3A : memref<!tpu.dma_semaphore, #tpu.memory_space<semaphore_mem>>) src(%arg8 : memref<128x128xf32, #tpu.memory_space<vmem>>) dst(%dma_wait3A_84 : memref<128x128xf32, #tpu.memory_space<vmem_shared>>)
      tpu.yield
    }) : () -> ()
    %mul3A_14 = arith.constant 640 : i32
    %mul3A_15 = arith.muli %arg1, %mul3A_14 : i32
    %add3A_16 = arith.constant 512 : i32
    %add3A_17 = arith.addi %mul3A_15, %add3A_16 : i32
    "tpu.region"() ({
      %run_scoped3A = tpu.sem_alloc : memref<!tpu.dma_semaphore, #tpu.memory_space<semaphore_mem>>
      %dma_start3A = arith.constant 0 : i32
      %dma_start3A_79 = tpu.memref_slice %arg9[%add3A_17, %dma_start3A] : memref<10240x128xf32, #tpu.memory_space<vmem_shared>> -> memref<128x128xf32, #tpu.memory_space<vmem_shared>>
      %dma_start3A_80 = arith.constant 0 : i32
      %dma_start3A_81 = tpu.memref_slice %arg9[%add3A_17, %dma_start3A_80] : memref<10240x128xf32, #tpu.memory_space<vmem_shared>> -> memref<128x128xf32, #tpu.memory_space<vmem_shared>>
      tpu.enqueue_dma source(%arg8 : memref<128x128xf32, #tpu.memory_space<vmem>>) target(%dma_start3A_81 : memref<128x128xf32, #tpu.memory_space<vmem_shared>>) target_semaphore(%run_scoped3A : memref<!tpu.dma_semaphore, #tpu.memory_space<semaphore_mem>>)
      %dma_wait3A = arith.constant 0 : i32
      %dma_wait3A_82 = tpu.memref_slice %arg9[%add3A_17, %dma_wait3A] : memref<10240x128xf32, #tpu.memory_space<vmem_shared>> -> memref<128x128xf32, #tpu.memory_space<vmem_shared>>
      %dma_wait3A_83 = arith.constant 0 : i32
      %dma_wait3A_84 = tpu.memref_slice %arg9[%add3A_17, %dma_wait3A_83] : memref<10240x128xf32, #tpu.memory_space<vmem_shared>> -> memref<128x128xf32, #tpu.memory_space<vmem_shared>>
      tpu.wait_dma2 semaphore(%run_scoped3A : memref<!tpu.dma_semaphore, #tpu.memory_space<semaphore_mem>>) src(%arg8 : memref<128x128xf32, #tpu.memory_space<vmem>>) dst(%dma_wait3A_84 : memref<128x128xf32, #tpu.memory_space<vmem_shared>>)
      tpu.yield
    }) : () -> ()
    "tpu.region"() ({
      %run_scoped3A = tpu.sem_alloc : memref<!tpu.dma_semaphore, #tpu.memory_space<semaphore_mem>>
      tpu.enqueue_dma source(%arg4 : memref<128x128xf32, #tpu.memory_space<hbm>>) target(%arg7 : memref<128x128xf32, #tpu.memory_space<vmem>>) target_semaphore(%run_scoped3A : memref<!tpu.dma_semaphore, #tpu.memory_space<semaphore_mem>>)
      tpu.wait_dma2 semaphore(%run_scoped3A : memref<!tpu.dma_semaphore, #tpu.memory_space<semaphore_mem>>) src(%arg4 : memref<128x128xf32, #tpu.memory_space<hbm>>) dst(%arg7 : memref<128x128xf32, #tpu.memory_space<vmem>>)
      tpu.yield
    }) : () -> ()
    "tpu.region"() ({
      %run_scoped3A = tpu.sem_alloc : memref<!tpu.dma_semaphore, #tpu.memory_space<semaphore_mem>>
      %dma_start3A = arith.constant 0 : i32
      %dma_start3A_79 = arith.constant 0 : i32
      %dma_start3A_80 = tpu.memref_slice %arg2[%arg1, %dma_start3A, %dma_start3A_79] : memref<16x80x128xi32, #tpu.memory_space<hbm>> -> memref<1x80x128xi32, #tpu.memory_space<hbm>>
      %dma_start3A_81 = tpu.memref_squeeze %dma_start3A_80 : memref<1x80x128xi32, #tpu.memory_space<hbm>> -> memref<80x128xi32, #tpu.memory_space<hbm>>
      %dma_start3A_82 = arith.constant 0 : i32
      %dma_start3A_83 = arith.constant 0 : i32
      %dma_start3A_84 = tpu.memref_slice %arg2[%arg1, %dma_start3A_82, %dma_start3A_83] : memref<16x80x128xi32, #tpu.memory_space<hbm>> -> memref<1x80x128xi32, #tpu.memory_space<hbm>>
      %dma_start3A_85 = tpu.memref_squeeze %dma_start3A_84 : memref<1x80x128xi32, #tpu.memory_space<hbm>> -> memref<80x128xi32, #tpu.memory_space<hbm>>
      tpu.enqueue_dma source(%dma_start3A_85 : memref<80x128xi32, #tpu.memory_space<hbm>>) target(%arg6 : memref<80x128xi32, #tpu.memory_space<vmem>>) target_semaphore(%run_scoped3A : memref<!tpu.dma_semaphore, #tpu.memory_space<semaphore_mem>>)
      %dma_wait3A = arith.constant 0 : i32
      %dma_wait3A_86 = arith.constant 0 : i32
      %dma_wait3A_87 = tpu.memref_slice %arg2[%arg1, %dma_wait3A, %dma_wait3A_86] : memref<16x80x128xi32, #tpu.memory_space<hbm>> -> memref<1x80x128xi32, #tpu.memory_space<hbm>>
      %dma_wait3A_88 = tpu.memref_squeeze %dma_wait3A_87 : memref<1x80x128xi32, #tpu.memory_space<hbm>> -> memref<80x128xi32, #tpu.memory_space<hbm>>
      %dma_wait3A_89 = arith.constant 0 : i32
      %dma_wait3A_90 = arith.constant 0 : i32
      %dma_wait3A_91 = tpu.memref_slice %arg2[%arg1, %dma_wait3A_89, %dma_wait3A_90] : memref<16x80x128xi32, #tpu.memory_space<hbm>> -> memref<1x80x128xi32, #tpu.memory_space<hbm>>
      %dma_wait3A_92 = tpu.memref_squeeze %dma_wait3A_91 : memref<1x80x128xi32, #tpu.memory_space<hbm>> -> memref<80x128xi32, #tpu.memory_space<hbm>>
      tpu.wait_dma2 semaphore(%run_scoped3A : memref<!tpu.dma_semaphore, #tpu.memory_space<semaphore_mem>>) src(%dma_wait3A_92 : memref<80x128xi32, #tpu.memory_space<hbm>>) dst(%arg6 : memref<80x128xi32, #tpu.memory_space<vmem>>)
      tpu.yield
    }) : () -> ()
    %barrier3A = arith.constant 0 : index
    tpu.barrier barrier_id(%barrier3A)
    %scan3A = arith.constant 0 : i32
    %scan3A_18 = arith.constant 0 : i32
    %scan3A_19 = arith.constant 40 : i32
    %scan3A_20 = arith.addi %scan3A_18, %scan3A_19 : i32
    %scan3A_21 = arith.constant 1 : i32
    scf.for %scan3A_79 = %scan3A_18 to %scan3A_20 step %scan3A_21  : i32 {
      %mul3A_80 = arith.constant 2 : i32
      %mul3A_81 = arith.muli %scan3A_79, %mul3A_80 : i32
      %add3A_82 = arith.addi %mul3A_81, %arg0 : i32
      "tpu.region"() ({
        %run_scoped3A = tpu.sem_alloc : memref<!tpu.dma_semaphore, #tpu.memory_space<semaphore_mem>>
        %dma_start3A = arith.constant 0 : i32
        %dma_start3A_83 = tpu.memref_slice %arg6[%add3A_82, %dma_start3A] : memref<80x128xi32, #tpu.memory_space<vmem>> -> memref<1x128xi32, #tpu.memory_space<vmem>>
        %dma_start3A_84 = tpu.memref_squeeze %dma_start3A_83 : memref<1x128xi32, #tpu.memory_space<vmem>> -> memref<128xi32, #tpu.memory_space<vmem>>
        %dma_start3A_85 = arith.constant 0 : i32
        %dma_start3A_86 = arith.constant 0 : i32
        %dma_start3A_87 = tpu.memref_slice %arg9[%dma_start3A_85, %dma_start3A_86] : memref<10240x128xf32, #tpu.memory_space<vmem_shared>> -> memref<10240x128xf32, #tpu.memory_space<vmem_shared>>
        tpu.enqueue_indirect_dma source(%arg7 : memref<128x128xf32, #tpu.memory_space<vmem>>) target(%dma_start3A_87 : memref<10240x128xf32, #tpu.memory_space<vmem_shared>>) offsets(%dma_start3A_84 : memref<128xi32, #tpu.memory_space<vmem>>) semaphore(%run_scoped3A : memref<!tpu.dma_semaphore, #tpu.memory_space<semaphore_mem>>) {add = true}
        %dma_wait3A = arith.constant 0 : i32
        %dma_wait3A_88 = tpu.memref_slice %arg6[%add3A_82, %dma_wait3A] : memref<80x128xi32, #tpu.memory_space<vmem>> -> memref<1x128xi32, #tpu.memory_space<vmem>>
        %dma_wait3A_89 = tpu.memref_squeeze %dma_wait3A_88 : memref<1x128xi32, #tpu.memory_space<vmem>> -> memref<128xi32, #tpu.memory_space<vmem>>
        %dma_wait3A_90 = arith.constant 0 : i32
        %dma_wait3A_91 = arith.constant 0 : i32
        %dma_wait3A_92 = tpu.memref_slice %arg9[%dma_wait3A_90, %dma_wait3A_91] : memref<10240x128xf32, #tpu.memory_space<vmem_shared>> -> memref<10240x128xf32, #tpu.memory_space<vmem_shared>>
        tpu.wait_indirect_dma semaphore(%run_scoped3A : memref<!tpu.dma_semaphore, #tpu.memory_space<semaphore_mem>>) src(%arg7 : memref<128x128xf32, #tpu.memory_space<vmem>>) dst(%dma_wait3A_92 : memref<10240x128xf32, #tpu.memory_space<vmem_shared>>)
        tpu.yield
      }) : () -> ()
    }
    %scan3A_22 = arith.constant 40 : i32
    %barrier3A_23 = arith.constant 0 : index
    tpu.barrier barrier_id(%barrier3A_23)
    %mul3A_24 = arith.constant 640 : i32
    %mul3A_25 = arith.muli %arg1, %mul3A_24 : i32
    %add3A_26 = arith.constant 0 : i32
    %add3A_27 = arith.addi %mul3A_25, %add3A_26 : i32
    "tpu.region"() ({
      %run_scoped3A = tpu.sem_alloc : memref<!tpu.dma_semaphore, #tpu.memory_space<semaphore_mem>>
      %dma_start3A = arith.constant 0 : i32
      %dma_start3A_79 = tpu.memref_slice %arg9[%add3A_27, %dma_start3A] : memref<10240x128xf32, #tpu.memory_space<vmem_shared>> -> memref<128x128xf32, #tpu.memory_space<vmem_shared>>
      %dma_start3A_80 = arith.constant 0 : i32
      %dma_start3A_81 = tpu.memref_slice %arg9[%add3A_27, %dma_start3A_80] : memref<10240x128xf32, #tpu.memory_space<vmem_shared>> -> memref<128x128xf32, #tpu.memory_space<vmem_shared>>
      tpu.enqueue_dma source(%dma_start3A_81 : memref<128x128xf32, #tpu.memory_space<vmem_shared>>) target(%arg8 : memref<128x128xf32, #tpu.memory_space<vmem>>) target_semaphore(%run_scoped3A : memref<!tpu.dma_semaphore, #tpu.memory_space<semaphore_mem>>)
      %dma_wait3A = arith.constant 0 : i32
      %dma_wait3A_82 = tpu.memref_slice %arg9[%add3A_27, %dma_wait3A] : memref<10240x128xf32, #tpu.memory_space<vmem_shared>> -> memref<128x128xf32, #tpu.memory_space<vmem_shared>>
      %dma_wait3A_83 = arith.constant 0 : i32
      %dma_wait3A_84 = tpu.memref_slice %arg9[%add3A_27, %dma_wait3A_83] : memref<10240x128xf32, #tpu.memory_space<vmem_shared>> -> memref<128x128xf32, #tpu.memory_space<vmem_shared>>
      tpu.wait_dma2 semaphore(%run_scoped3A : memref<!tpu.dma_semaphore, #tpu.memory_space<semaphore_mem>>) src(%dma_wait3A_84 : memref<128x128xf32, #tpu.memory_space<vmem_shared>>) dst(%arg8 : memref<128x128xf32, #tpu.memory_space<vmem>>)
      tpu.yield
    }) : () -> ()
    %mul3A_28 = arith.constant 10240 : i32
    %mul3A_29 = arith.muli %arg0, %mul3A_28 : i32
    %mul3A_30 = arith.constant 640 : i32
    %mul3A_31 = arith.muli %arg1, %mul3A_30 : i32
    %add3A_32 = arith.addi %mul3A_29, %mul3A_31 : i32
    %add3A_33 = arith.constant 0 : i32
    %add3A_34 = arith.addi %add3A_32, %add3A_33 : i32
    "tpu.region"() ({
      %run_scoped3A = tpu.sem_alloc : memref<!tpu.dma_semaphore, #tpu.memory_space<semaphore_mem>>
      %dma_start3A = arith.constant 0 : i32
      %dma_start3A_79 = tpu.memref_slice %arg5[%add3A_34, %dma_start3A] : memref<20480x128xf32, #tpu.memory_space<hbm>> -> memref<128x128xf32, #tpu.memory_space<hbm>>
      %dma_start3A_80 = arith.constant 0 : i32
      %dma_start3A_81 = tpu.memref_slice %arg5[%add3A_34, %dma_start3A_80] : memref<20480x128xf32, #tpu.memory_space<hbm>> -> memref<128x128xf32, #tpu.memory_space<hbm>>
      tpu.enqueue_dma source(%arg8 : memref<128x128xf32, #tpu.memory_space<vmem>>) target(%dma_start3A_81 : memref<128x128xf32, #tpu.memory_space<hbm>>) target_semaphore(%run_scoped3A : memref<!tpu.dma_semaphore, #tpu.memory_space<semaphore_mem>>)
      %dma_wait3A = arith.constant 0 : i32
      %dma_wait3A_82 = tpu.memref_slice %arg5[%add3A_34, %dma_wait3A] : memref<20480x128xf32, #tpu.memory_space<hbm>> -> memref<128x128xf32, #tpu.memory_space<hbm>>
      %dma_wait3A_83 = arith.constant 0 : i32
      %dma_wait3A_84 = tpu.memref_slice %arg5[%add3A_34, %dma_wait3A_83] : memref<20480x128xf32, #tpu.memory_space<hbm>> -> memref<128x128xf32, #tpu.memory_space<hbm>>
      tpu.wait_dma2 semaphore(%run_scoped3A : memref<!tpu.dma_semaphore, #tpu.memory_space<semaphore_mem>>) src(%arg8 : memref<128x128xf32, #tpu.memory_space<vmem>>) dst(%dma_wait3A_84 : memref<128x128xf32, #tpu.memory_space<hbm>>)
      tpu.yield
    }) : () -> ()
    %mul3A_35 = arith.constant 640 : i32
    %mul3A_36 = arith.muli %arg1, %mul3A_35 : i32
    %add3A_37 = arith.constant 128 : i32
    %add3A_38 = arith.addi %mul3A_36, %add3A_37 : i32
    "tpu.region"() ({
      %run_scoped3A = tpu.sem_alloc : memref<!tpu.dma_semaphore, #tpu.memory_space<semaphore_mem>>
      %dma_start3A = arith.constant 0 : i32
      %dma_start3A_79 = tpu.memref_slice %arg9[%add3A_38, %dma_start3A] : memref<10240x128xf32, #tpu.memory_space<vmem_shared>> -> memref<128x128xf32, #tpu.memory_space<vmem_shared>>
      %dma_start3A_80 = arith.constant 0 : i32
      %dma_start3A_81 = tpu.memref_slice %arg9[%add3A_38, %dma_start3A_80] : memref<10240x128xf32, #tpu.memory_space<vmem_shared>> -> memref<128x128xf32, #tpu.memory_space<vmem_shared>>
      tpu.enqueue_dma source(%dma_start3A_81 : memref<128x128xf32, #tpu.memory_space<vmem_shared>>) target(%arg8 : memref<128x128xf32, #tpu.memory_space<vmem>>) target_semaphore(%run_scoped3A : memref<!tpu.dma_semaphore, #tpu.memory_space<semaphore_mem>>)
      %dma_wait3A = arith.constant 0 : i32
      %dma_wait3A_82 = tpu.memref_slice %arg9[%add3A_38, %dma_wait3A] : memref<10240x128xf32, #tpu.memory_space<vmem_shared>> -> memref<128x128xf32, #tpu.memory_space<vmem_shared>>
      %dma_wait3A_83 = arith.constant 0 : i32
      %dma_wait3A_84 = tpu.memref_slice %arg9[%add3A_38, %dma_wait3A_83] : memref<10240x128xf32, #tpu.memory_space<vmem_shared>> -> memref<128x128xf32, #tpu.memory_space<vmem_shared>>
      tpu.wait_dma2 semaphore(%run_scoped3A : memref<!tpu.dma_semaphore, #tpu.memory_space<semaphore_mem>>) src(%dma_wait3A_84 : memref<128x128xf32, #tpu.memory_space<vmem_shared>>) dst(%arg8 : memref<128x128xf32, #tpu.memory_space<vmem>>)
      tpu.yield
    }) : () -> ()
    %mul3A_39 = arith.constant 10240 : i32
    %mul3A_40 = arith.muli %arg0, %mul3A_39 : i32
    %mul3A_41 = arith.constant 640 : i32
    %mul3A_42 = arith.muli %arg1, %mul3A_41 : i32
    %add3A_43 = arith.addi %mul3A_40, %mul3A_42 : i32
    %add3A_44 = arith.constant 128 : i32
    %add3A_45 = arith.addi %add3A_43, %add3A_44 : i32
    "tpu.region"() ({
      %run_scoped3A = tpu.sem_alloc : memref<!tpu.dma_semaphore, #tpu.memory_space<semaphore_mem>>
      %dma_start3A = arith.constant 0 : i32
      %dma_start3A_79 = tpu.memref_slice %arg5[%add3A_45, %dma_start3A] : memref<20480x128xf32, #tpu.memory_space<hbm>> -> memref<128x128xf32, #tpu.memory_space<hbm>>
      %dma_start3A_80 = arith.constant 0 : i32
      %dma_start3A_81 = tpu.memref_slice %arg5[%add3A_45, %dma_start3A_80] : memref<20480x128xf32, #tpu.memory_space<hbm>> -> memref<128x128xf32, #tpu.memory_space<hbm>>
      tpu.enqueue_dma source(%arg8 : memref<128x128xf32, #tpu.memory_space<vmem>>) target(%dma_start3A_81 : memref<128x128xf32, #tpu.memory_space<hbm>>) target_semaphore(%run_scoped3A : memref<!tpu.dma_semaphore, #tpu.memory_space<semaphore_mem>>)
      %dma_wait3A = arith.constant 0 : i32
      %dma_wait3A_82 = tpu.memref_slice %arg5[%add3A_45, %dma_wait3A] : memref<20480x128xf32, #tpu.memory_space<hbm>> -> memref<128x128xf32, #tpu.memory_space<hbm>>
      %dma_wait3A_83 = arith.constant 0 : i32
      %dma_wait3A_84 = tpu.memref_slice %arg5[%add3A_45, %dma_wait3A_83] : memref<20480x128xf32, #tpu.memory_space<hbm>> -> memref<128x128xf32, #tpu.memory_space<hbm>>
      tpu.wait_dma2 semaphore(%run_scoped3A : memref<!tpu.dma_semaphore, #tpu.memory_space<semaphore_mem>>) src(%arg8 : memref<128x128xf32, #tpu.memory_space<vmem>>) dst(%dma_wait3A_84 : memref<128x128xf32, #tpu.memory_space<hbm>>)
      tpu.yield
    }) : () -> ()
    %mul3A_46 = arith.constant 640 : i32
    %mul3A_47 = arith.muli %arg1, %mul3A_46 : i32
    %add3A_48 = arith.constant 256 : i32
    %add3A_49 = arith.addi %mul3A_47, %add3A_48 : i32
    "tpu.region"() ({
      %run_scoped3A = tpu.sem_alloc : memref<!tpu.dma_semaphore, #tpu.memory_space<semaphore_mem>>
      %dma_start3A = arith.constant 0 : i32
      %dma_start3A_79 = tpu.memref_slice %arg9[%add3A_49, %dma_start3A] : memref<10240x128xf32, #tpu.memory_space<vmem_shared>> -> memref<128x128xf32, #tpu.memory_space<vmem_shared>>
      %dma_start3A_80 = arith.constant 0 : i32
      %dma_start3A_81 = tpu.memref_slice %arg9[%add3A_49, %dma_start3A_80] : memref<10240x128xf32, #tpu.memory_space<vmem_shared>> -> memref<128x128xf32, #tpu.memory_space<vmem_shared>>
      tpu.enqueue_dma source(%dma_start3A_81 : memref<128x128xf32, #tpu.memory_space<vmem_shared>>) target(%arg8 : memref<128x128xf32, #tpu.memory_space<vmem>>) target_semaphore(%run_scoped3A : memref<!tpu.dma_semaphore, #tpu.memory_space<semaphore_mem>>)
      %dma_wait3A = arith.constant 0 : i32
      %dma_wait3A_82 = tpu.memref_slice %arg9[%add3A_49, %dma_wait3A] : memref<10240x128xf32, #tpu.memory_space<vmem_shared>> -> memref<128x128xf32, #tpu.memory_space<vmem_shared>>
      %dma_wait3A_83 = arith.constant 0 : i32
      %dma_wait3A_84 = tpu.memref_slice %arg9[%add3A_49, %dma_wait3A_83] : memref<10240x128xf32, #tpu.memory_space<vmem_shared>> -> memref<128x128xf32, #tpu.memory_space<vmem_shared>>
      tpu.wait_dma2 semaphore(%run_scoped3A : memref<!tpu.dma_semaphore, #tpu.memory_space<semaphore_mem>>) src(%dma_wait3A_84 : memref<128x128xf32, #tpu.memory_space<vmem_shared>>) dst(%arg8 : memref<128x128xf32, #tpu.memory_space<vmem>>)
      tpu.yield
    }) : () -> ()
    %mul3A_50 = arith.constant 10240 : i32
    %mul3A_51 = arith.muli %arg0, %mul3A_50 : i32
    %mul3A_52 = arith.constant 640 : i32
    %mul3A_53 = arith.muli %arg1, %mul3A_52 : i32
    %add3A_54 = arith.addi %mul3A_51, %mul3A_53 : i32
    %add3A_55 = arith.constant 256 : i32
    %add3A_56 = arith.addi %add3A_54, %add3A_55 : i32
    "tpu.region"() ({
      %run_scoped3A = tpu.sem_alloc : memref<!tpu.dma_semaphore, #tpu.memory_space<semaphore_mem>>
      %dma_start3A = arith.constant 0 : i32
      %dma_start3A_79 = tpu.memref_slice %arg5[%add3A_56, %dma_start3A] : memref<20480x128xf32, #tpu.memory_space<hbm>> -> memref<128x128xf32, #tpu.memory_space<hbm>>
      %dma_start3A_80 = arith.constant 0 : i32
      %dma_start3A_81 = tpu.memref_slice %arg5[%add3A_56, %dma_start3A_80] : memref<20480x128xf32, #tpu.memory_space<hbm>> -> memref<128x128xf32, #tpu.memory_space<hbm>>
      tpu.enqueue_dma source(%arg8 : memref<128x128xf32, #tpu.memory_space<vmem>>) target(%dma_start3A_81 : memref<128x128xf32, #tpu.memory_space<hbm>>) target_semaphore(%run_scoped3A : memref<!tpu.dma_semaphore, #tpu.memory_space<semaphore_mem>>)
      %dma_wait3A = arith.constant 0 : i32
      %dma_wait3A_82 = tpu.memref_slice %arg5[%add3A_56, %dma_wait3A] : memref<20480x128xf32, #tpu.memory_space<hbm>> -> memref<128x128xf32, #tpu.memory_space<hbm>>
      %dma_wait3A_83 = arith.constant 0 : i32
      %dma_wait3A_84 = tpu.memref_slice %arg5[%add3A_56, %dma_wait3A_83] : memref<20480x128xf32, #tpu.memory_space<hbm>> -> memref<128x128xf32, #tpu.memory_space<hbm>>
      tpu.wait_dma2 semaphore(%run_scoped3A : memref<!tpu.dma_semaphore, #tpu.memory_space<semaphore_mem>>) src(%arg8 : memref<128x128xf32, #tpu.memory_space<vmem>>) dst(%dma_wait3A_84 : memref<128x128xf32, #tpu.memory_space<hbm>>)
      tpu.yield
    }) : () -> ()
    %mul3A_57 = arith.constant 640 : i32
    %mul3A_58 = arith.muli %arg1, %mul3A_57 : i32
    %add3A_59 = arith.constant 384 : i32
    %add3A_60 = arith.addi %mul3A_58, %add3A_59 : i32
    "tpu.region"() ({
      %run_scoped3A = tpu.sem_alloc : memref<!tpu.dma_semaphore, #tpu.memory_space<semaphore_mem>>
      %dma_start3A = arith.constant 0 : i32
      %dma_start3A_79 = tpu.memref_slice %arg9[%add3A_60, %dma_start3A] : memref<10240x128xf32, #tpu.memory_space<vmem_shared>> -> memref<128x128xf32, #tpu.memory_space<vmem_shared>>
      %dma_start3A_80 = arith.constant 0 : i32
      %dma_start3A_81 = tpu.memref_slice %arg9[%add3A_60, %dma_start3A_80] : memref<10240x128xf32, #tpu.memory_space<vmem_shared>> -> memref<128x128xf32, #tpu.memory_space<vmem_shared>>
      tpu.enqueue_dma source(%dma_start3A_81 : memref<128x128xf32, #tpu.memory_space<vmem_shared>>) target(%arg8 : memref<128x128xf32, #tpu.memory_space<vmem>>) target_semaphore(%run_scoped3A : memref<!tpu.dma_semaphore, #tpu.memory_space<semaphore_mem>>)
      %dma_wait3A = arith.constant 0 : i32
      %dma_wait3A_82 = tpu.memref_slice %arg9[%add3A_60, %dma_wait3A] : memref<10240x128xf32, #tpu.memory_space<vmem_shared>> -> memref<128x128xf32, #tpu.memory_space<vmem_shared>>
      %dma_wait3A_83 = arith.constant 0 : i32
      %dma_wait3A_84 = tpu.memref_slice %arg9[%add3A_60, %dma_wait3A_83] : memref<10240x128xf32, #tpu.memory_space<vmem_shared>> -> memref<128x128xf32, #tpu.memory_space<vmem_shared>>
      tpu.wait_dma2 semaphore(%run_scoped3A : memref<!tpu.dma_semaphore, #tpu.memory_space<semaphore_mem>>) src(%dma_wait3A_84 : memref<128x128xf32, #tpu.memory_space<vmem_shared>>) dst(%arg8 : memref<128x128xf32, #tpu.memory_space<vmem>>)
      tpu.yield
    }) : () -> ()
    %mul3A_61 = arith.constant 10240 : i32
    %mul3A_62 = arith.muli %arg0, %mul3A_61 : i32
    %mul3A_63 = arith.constant 640 : i32
    %mul3A_64 = arith.muli %arg1, %mul3A_63 : i32
    %add3A_65 = arith.addi %mul3A_62, %mul3A_64 : i32
    %add3A_66 = arith.constant 384 : i32
    %add3A_67 = arith.addi %add3A_65, %add3A_66 : i32
    "tpu.region"() ({
      %run_scoped3A = tpu.sem_alloc : memref<!tpu.dma_semaphore, #tpu.memory_space<semaphore_mem>>
      %dma_start3A = arith.constant 0 : i32
      %dma_start3A_79 = tpu.memref_slice %arg5[%add3A_67, %dma_start3A] : memref<20480x128xf32, #tpu.memory_space<hbm>> -> memref<128x128xf32, #tpu.memory_space<hbm>>
      %dma_start3A_80 = arith.constant 0 : i32
      %dma_start3A_81 = tpu.memref_slice %arg5[%add3A_67, %dma_start3A_80] : memref<20480x128xf32, #tpu.memory_space<hbm>> -> memref<128x128xf32, #tpu.memory_space<hbm>>
      tpu.enqueue_dma source(%arg8 : memref<128x128xf32, #tpu.memory_space<vmem>>) target(%dma_start3A_81 : memref<128x128xf32, #tpu.memory_space<hbm>>) target_semaphore(%run_scoped3A : memref<!tpu.dma_semaphore, #tpu.memory_space<semaphore_mem>>)
      %dma_wait3A = arith.constant 0 : i32
      %dma_wait3A_82 = tpu.memref_slice %arg5[%add3A_67, %dma_wait3A] : memref<20480x128xf32, #tpu.memory_space<hbm>> -> memref<128x128xf32, #tpu.memory_space<hbm>>
      %dma_wait3A_83 = arith.constant 0 : i32
      %dma_wait3A_84 = tpu.memref_slice %arg5[%add3A_67, %dma_wait3A_83] : memref<20480x128xf32, #tpu.memory_space<hbm>> -> memref<128x128xf32, #tpu.memory_space<hbm>>
      tpu.wait_dma2 semaphore(%run_scoped3A : memref<!tpu.dma_semaphore, #tpu.memory_space<semaphore_mem>>) src(%arg8 : memref<128x128xf32, #tpu.memory_space<vmem>>) dst(%dma_wait3A_84 : memref<128x128xf32, #tpu.memory_space<hbm>>)
      tpu.yield
    }) : () -> ()
    %mul3A_68 = arith.constant 640 : i32
    %mul3A_69 = arith.muli %arg1, %mul3A_68 : i32
    %add3A_70 = arith.constant 512 : i32
    %add3A_71 = arith.addi %mul3A_69, %add3A_70 : i32
    "tpu.region"() ({
      %run_scoped3A = tpu.sem_alloc : memref<!tpu.dma_semaphore, #tpu.memory_space<semaphore_mem>>
      %dma_start3A = arith.constant 0 : i32
      %dma_start3A_79 = tpu.memref_slice %arg9[%add3A_71, %dma_start3A] : memref<10240x128xf32, #tpu.memory_space<vmem_shared>> -> memref<128x128xf32, #tpu.memory_space<vmem_shared>>
      %dma_start3A_80 = arith.constant 0 : i32
      %dma_start3A_81 = tpu.memref_slice %arg9[%add3A_71, %dma_start3A_80] : memref<10240x128xf32, #tpu.memory_space<vmem_shared>> -> memref<128x128xf32, #tpu.memory_space<vmem_shared>>
      tpu.enqueue_dma source(%dma_start3A_81 : memref<128x128xf32, #tpu.memory_space<vmem_shared>>) target(%arg8 : memref<128x128xf32, #tpu.memory_space<vmem>>) target_semaphore(%run_scoped3A : memref<!tpu.dma_semaphore, #tpu.memory_space<semaphore_mem>>)
      %dma_wait3A = arith.constant 0 : i32
      %dma_wait3A_82 = tpu.memref_slice %arg9[%add3A_71, %dma_wait3A] : memref<10240x128xf32, #tpu.memory_space<vmem_shared>> -> memref<128x128xf32, #tpu.memory_space<vmem_shared>>
      %dma_wait3A_83 = arith.constant 0 : i32
      %dma_wait3A_84 = tpu.memref_slice %arg9[%add3A_71, %dma_wait3A_83] : memref<10240x128xf32, #tpu.memory_space<vmem_shared>> -> memref<128x128xf32, #tpu.memory_space<vmem_shared>>
      tpu.wait_dma2 semaphore(%run_scoped3A : memref<!tpu.dma_semaphore, #tpu.memory_space<semaphore_mem>>) src(%dma_wait3A_84 : memref<128x128xf32, #tpu.memory_space<vmem_shared>>) dst(%arg8 : memref<128x128xf32, #tpu.memory_space<vmem>>)
      tpu.yield
    }) : () -> ()
    %mul3A_72 = arith.constant 10240 : i32
    %mul3A_73 = arith.muli %arg0, %mul3A_72 : i32
    %mul3A_74 = arith.constant 640 : i32
    %mul3A_75 = arith.muli %arg1, %mul3A_74 : i32
    %add3A_76 = arith.addi %mul3A_73, %mul3A_75 : i32
    %add3A_77 = arith.constant 512 : i32
    %add3A_78 = arith.addi %add3A_76, %add3A_77 : i32
    "tpu.region"() ({
      %run_scoped3A = tpu.sem_alloc : memref<!tpu.dma_semaphore, #tpu.memory_space<semaphore_mem>>
      %dma_start3A = arith.constant 0 : i32
      %dma_start3A_79 = tpu.memref_slice %arg5[%add3A_78, %dma_start3A] : memref<20480x128xf32, #tpu.memory_space<hbm>> -> memref<128x128xf32, #tpu.memory_space<hbm>>
      %dma_start3A_80 = arith.constant 0 : i32
      %dma_start3A_81 = tpu.memref_slice %arg5[%add3A_78, %dma_start3A_80] : memref<20480x128xf32, #tpu.memory_space<hbm>> -> memref<128x128xf32, #tpu.memory_space<hbm>>
      tpu.enqueue_dma source(%arg8 : memref<128x128xf32, #tpu.memory_space<vmem>>) target(%dma_start3A_81 : memref<128x128xf32, #tpu.memory_space<hbm>>) target_semaphore(%run_scoped3A : memref<!tpu.dma_semaphore, #tpu.memory_space<semaphore_mem>>)
      %dma_wait3A = arith.constant 0 : i32
      %dma_wait3A_82 = tpu.memref_slice %arg5[%add3A_78, %dma_wait3A] : memref<20480x128xf32, #tpu.memory_space<hbm>> -> memref<128x128xf32, #tpu.memory_space<hbm>>
      %dma_wait3A_83 = arith.constant 0 : i32
      %dma_wait3A_84 = tpu.memref_slice %arg5[%add3A_78, %dma_wait3A_83] : memref<20480x128xf32, #tpu.memory_space<hbm>> -> memref<128x128xf32, #tpu.memory_space<hbm>>
      tpu.wait_dma2 semaphore(%run_scoped3A : memref<!tpu.dma_semaphore, #tpu.memory_space<semaphore_mem>>) src(%arg8 : memref<128x128xf32, #tpu.memory_space<vmem>>) dst(%dma_wait3A_84 : memref<128x128xf32, #tpu.memory_space<hbm>>)
      tpu.yield
    }) : () -> ()
    return
  }
}

#map = affine_map<(d0, d1) -> (0, 0)>
#map1 = affine_map<(d0, d1) -> (0, 0, 0, 0)>
module attributes {stable_mosaic.version = 14 : i64} {
  func.func @_sc_agg_body(%arg0: i32, %arg1: i32, %arg2: memref<20480x128xf32, #tpu.memory_space<hbm>>, %arg3: memref<32x10496xi32, #tpu.memory_space<hbm>>, %arg4: memref<16x40x2x128xi32, #tpu.memory_space<hbm>>, %arg5: memref<128x128xf32, #tpu.memory_space<hbm>>, %arg6: memref<20480x128xf32, #tpu.memory_space<hbm>>, %arg7: memref<10496xi32, #tpu.memory_space<vmem>>, %arg8: memref<2x128xi32, #tpu.memory_space<vmem>>, %arg9: memref<128x128xf32, #tpu.memory_space<vmem>>, %arg10: memref<128x128xf32, #tpu.memory_space<vmem>>, %arg11: memref<10240x128xf32, #tpu.memory_space<vmem_shared>>, %arg12: memref<!tpu.dma_semaphore, #tpu.memory_space<semaphore_mem>>, %arg13: memref<!tpu.dma_semaphore, #tpu.memory_space<semaphore_mem>>, %arg14: memref<!tpu.dma_semaphore, #tpu.memory_space<semaphore_mem>>, %arg15: memref<!tpu.dma_semaphore, #tpu.memory_space<semaphore_mem>>) attributes {dimension_semantics = [#tpu.dimension_semantics<core_parallel>, #tpu.dimension_semantics<subcore_parallel>], iteration_bounds = array<i64: 2, 16>, scalar_prefetch = 0 : i64, scratch_operands = 9 : i64, tpu.core_type = #tpu.core_type<sc_vector_subcore>, window_params = [{transform_indices = #map}, {transform_indices = #map}, {transform_indices = #map1}, {transform_indices = #map}, {transform_indices = #map}]} {
    "tpu.region"() ({
      %run_scoped3A = tpu.sem_alloc : memref<!tpu.dma_semaphore, #tpu.memory_space<semaphore_mem>>
      tpu.enqueue_dma source(%arg5 : memref<128x128xf32, #tpu.memory_space<hbm>>) target(%arg9 : memref<128x128xf32, #tpu.memory_space<vmem>>) target_semaphore(%run_scoped3A : memref<!tpu.dma_semaphore, #tpu.memory_space<semaphore_mem>>)
      tpu.wait_dma2 semaphore(%run_scoped3A : memref<!tpu.dma_semaphore, #tpu.memory_space<semaphore_mem>>) src(%arg5 : memref<128x128xf32, #tpu.memory_space<hbm>>) dst(%arg9 : memref<128x128xf32, #tpu.memory_space<vmem>>)
      tpu.yield
    }) : () -> ()
    %mul3A = arith.constant 640 : i32
    %mul3A_0 = arith.muli %arg1, %mul3A : i32
    %add3A = arith.constant 0 : i32
    %add3A_1 = arith.addi %mul3A_0, %add3A : i32
    "tpu.region"() ({
      %run_scoped3A = tpu.sem_alloc : memref<!tpu.dma_semaphore, #tpu.memory_space<semaphore_mem>>
      %dma_start3A = arith.constant 0 : i32
      %dma_start3A_82 = tpu.memref_slice %arg11[%add3A_1, %dma_start3A] : memref<10240x128xf32, #tpu.memory_space<vmem_shared>> -> memref<128x128xf32, #tpu.memory_space<vmem_shared>>
      %dma_start3A_83 = arith.constant 0 : i32
      %dma_start3A_84 = tpu.memref_slice %arg11[%add3A_1, %dma_start3A_83] : memref<10240x128xf32, #tpu.memory_space<vmem_shared>> -> memref<128x128xf32, #tpu.memory_space<vmem_shared>>
      tpu.enqueue_dma source(%arg9 : memref<128x128xf32, #tpu.memory_space<vmem>>) target(%dma_start3A_84 : memref<128x128xf32, #tpu.memory_space<vmem_shared>>) target_semaphore(%run_scoped3A : memref<!tpu.dma_semaphore, #tpu.memory_space<semaphore_mem>>)
      %dma_wait3A = arith.constant 0 : i32
      %dma_wait3A_85 = tpu.memref_slice %arg11[%add3A_1, %dma_wait3A] : memref<10240x128xf32, #tpu.memory_space<vmem_shared>> -> memref<128x128xf32, #tpu.memory_space<vmem_shared>>
      %dma_wait3A_86 = arith.constant 0 : i32
      %dma_wait3A_87 = tpu.memref_slice %arg11[%add3A_1, %dma_wait3A_86] : memref<10240x128xf32, #tpu.memory_space<vmem_shared>> -> memref<128x128xf32, #tpu.memory_space<vmem_shared>>
      tpu.wait_dma2 semaphore(%run_scoped3A : memref<!tpu.dma_semaphore, #tpu.memory_space<semaphore_mem>>) src(%arg9 : memref<128x128xf32, #tpu.memory_space<vmem>>) dst(%dma_wait3A_87 : memref<128x128xf32, #tpu.memory_space<vmem_shared>>)
      tpu.yield
    }) : () -> ()
    %mul3A_2 = arith.constant 640 : i32
    %mul3A_3 = arith.muli %arg1, %mul3A_2 : i32
    %add3A_4 = arith.constant 128 : i32
    %add3A_5 = arith.addi %mul3A_3, %add3A_4 : i32
    "tpu.region"() ({
      %run_scoped3A = tpu.sem_alloc : memref<!tpu.dma_semaphore, #tpu.memory_space<semaphore_mem>>
      %dma_start3A = arith.constant 0 : i32
      %dma_start3A_82 = tpu.memref_slice %arg11[%add3A_5, %dma_start3A] : memref<10240x128xf32, #tpu.memory_space<vmem_shared>> -> memref<128x128xf32, #tpu.memory_space<vmem_shared>>
      %dma_start3A_83 = arith.constant 0 : i32
      %dma_start3A_84 = tpu.memref_slice %arg11[%add3A_5, %dma_start3A_83] : memref<10240x128xf32, #tpu.memory_space<vmem_shared>> -> memref<128x128xf32, #tpu.memory_space<vmem_shared>>
      tpu.enqueue_dma source(%arg9 : memref<128x128xf32, #tpu.memory_space<vmem>>) target(%dma_start3A_84 : memref<128x128xf32, #tpu.memory_space<vmem_shared>>) target_semaphore(%run_scoped3A : memref<!tpu.dma_semaphore, #tpu.memory_space<semaphore_mem>>)
      %dma_wait3A = arith.constant 0 : i32
      %dma_wait3A_85 = tpu.memref_slice %arg11[%add3A_5, %dma_wait3A] : memref<10240x128xf32, #tpu.memory_space<vmem_shared>> -> memref<128x128xf32, #tpu.memory_space<vmem_shared>>
      %dma_wait3A_86 = arith.constant 0 : i32
      %dma_wait3A_87 = tpu.memref_slice %arg11[%add3A_5, %dma_wait3A_86] : memref<10240x128xf32, #tpu.memory_space<vmem_shared>> -> memref<128x128xf32, #tpu.memory_space<vmem_shared>>
      tpu.wait_dma2 semaphore(%run_scoped3A : memref<!tpu.dma_semaphore, #tpu.memory_space<semaphore_mem>>) src(%arg9 : memref<128x128xf32, #tpu.memory_space<vmem>>) dst(%dma_wait3A_87 : memref<128x128xf32, #tpu.memory_space<vmem_shared>>)
      tpu.yield
    }) : () -> ()
    %mul3A_6 = arith.constant 640 : i32
    %mul3A_7 = arith.muli %arg1, %mul3A_6 : i32
    %add3A_8 = arith.constant 256 : i32
    %add3A_9 = arith.addi %mul3A_7, %add3A_8 : i32
    "tpu.region"() ({
      %run_scoped3A = tpu.sem_alloc : memref<!tpu.dma_semaphore, #tpu.memory_space<semaphore_mem>>
      %dma_start3A = arith.constant 0 : i32
      %dma_start3A_82 = tpu.memref_slice %arg11[%add3A_9, %dma_start3A] : memref<10240x128xf32, #tpu.memory_space<vmem_shared>> -> memref<128x128xf32, #tpu.memory_space<vmem_shared>>
      %dma_start3A_83 = arith.constant 0 : i32
      %dma_start3A_84 = tpu.memref_slice %arg11[%add3A_9, %dma_start3A_83] : memref<10240x128xf32, #tpu.memory_space<vmem_shared>> -> memref<128x128xf32, #tpu.memory_space<vmem_shared>>
      tpu.enqueue_dma source(%arg9 : memref<128x128xf32, #tpu.memory_space<vmem>>) target(%dma_start3A_84 : memref<128x128xf32, #tpu.memory_space<vmem_shared>>) target_semaphore(%run_scoped3A : memref<!tpu.dma_semaphore, #tpu.memory_space<semaphore_mem>>)
      %dma_wait3A = arith.constant 0 : i32
      %dma_wait3A_85 = tpu.memref_slice %arg11[%add3A_9, %dma_wait3A] : memref<10240x128xf32, #tpu.memory_space<vmem_shared>> -> memref<128x128xf32, #tpu.memory_space<vmem_shared>>
      %dma_wait3A_86 = arith.constant 0 : i32
      %dma_wait3A_87 = tpu.memref_slice %arg11[%add3A_9, %dma_wait3A_86] : memref<10240x128xf32, #tpu.memory_space<vmem_shared>> -> memref<128x128xf32, #tpu.memory_space<vmem_shared>>
      tpu.wait_dma2 semaphore(%run_scoped3A : memref<!tpu.dma_semaphore, #tpu.memory_space<semaphore_mem>>) src(%arg9 : memref<128x128xf32, #tpu.memory_space<vmem>>) dst(%dma_wait3A_87 : memref<128x128xf32, #tpu.memory_space<vmem_shared>>)
      tpu.yield
    }) : () -> ()
    %mul3A_10 = arith.constant 640 : i32
    %mul3A_11 = arith.muli %arg1, %mul3A_10 : i32
    %add3A_12 = arith.constant 384 : i32
    %add3A_13 = arith.addi %mul3A_11, %add3A_12 : i32
    "tpu.region"() ({
      %run_scoped3A = tpu.sem_alloc : memref<!tpu.dma_semaphore, #tpu.memory_space<semaphore_mem>>
      %dma_start3A = arith.constant 0 : i32
      %dma_start3A_82 = tpu.memref_slice %arg11[%add3A_13, %dma_start3A] : memref<10240x128xf32, #tpu.memory_space<vmem_shared>> -> memref<128x128xf32, #tpu.memory_space<vmem_shared>>
      %dma_start3A_83 = arith.constant 0 : i32
      %dma_start3A_84 = tpu.memref_slice %arg11[%add3A_13, %dma_start3A_83] : memref<10240x128xf32, #tpu.memory_space<vmem_shared>> -> memref<128x128xf32, #tpu.memory_space<vmem_shared>>
      tpu.enqueue_dma source(%arg9 : memref<128x128xf32, #tpu.memory_space<vmem>>) target(%dma_start3A_84 : memref<128x128xf32, #tpu.memory_space<vmem_shared>>) target_semaphore(%run_scoped3A : memref<!tpu.dma_semaphore, #tpu.memory_space<semaphore_mem>>)
      %dma_wait3A = arith.constant 0 : i32
      %dma_wait3A_85 = tpu.memref_slice %arg11[%add3A_13, %dma_wait3A] : memref<10240x128xf32, #tpu.memory_space<vmem_shared>> -> memref<128x128xf32, #tpu.memory_space<vmem_shared>>
      %dma_wait3A_86 = arith.constant 0 : i32
      %dma_wait3A_87 = tpu.memref_slice %arg11[%add3A_13, %dma_wait3A_86] : memref<10240x128xf32, #tpu.memory_space<vmem_shared>> -> memref<128x128xf32, #tpu.memory_space<vmem_shared>>
      tpu.wait_dma2 semaphore(%run_scoped3A : memref<!tpu.dma_semaphore, #tpu.memory_space<semaphore_mem>>) src(%arg9 : memref<128x128xf32, #tpu.memory_space<vmem>>) dst(%dma_wait3A_87 : memref<128x128xf32, #tpu.memory_space<vmem_shared>>)
      tpu.yield
    }) : () -> ()
    %mul3A_14 = arith.constant 640 : i32
    %mul3A_15 = arith.muli %arg1, %mul3A_14 : i32
    %add3A_16 = arith.constant 512 : i32
    %add3A_17 = arith.addi %mul3A_15, %add3A_16 : i32
    "tpu.region"() ({
      %run_scoped3A = tpu.sem_alloc : memref<!tpu.dma_semaphore, #tpu.memory_space<semaphore_mem>>
      %dma_start3A = arith.constant 0 : i32
      %dma_start3A_82 = tpu.memref_slice %arg11[%add3A_17, %dma_start3A] : memref<10240x128xf32, #tpu.memory_space<vmem_shared>> -> memref<128x128xf32, #tpu.memory_space<vmem_shared>>
      %dma_start3A_83 = arith.constant 0 : i32
      %dma_start3A_84 = tpu.memref_slice %arg11[%add3A_17, %dma_start3A_83] : memref<10240x128xf32, #tpu.memory_space<vmem_shared>> -> memref<128x128xf32, #tpu.memory_space<vmem_shared>>
      tpu.enqueue_dma source(%arg9 : memref<128x128xf32, #tpu.memory_space<vmem>>) target(%dma_start3A_84 : memref<128x128xf32, #tpu.memory_space<vmem_shared>>) target_semaphore(%run_scoped3A : memref<!tpu.dma_semaphore, #tpu.memory_space<semaphore_mem>>)
      %dma_wait3A = arith.constant 0 : i32
      %dma_wait3A_85 = tpu.memref_slice %arg11[%add3A_17, %dma_wait3A] : memref<10240x128xf32, #tpu.memory_space<vmem_shared>> -> memref<128x128xf32, #tpu.memory_space<vmem_shared>>
      %dma_wait3A_86 = arith.constant 0 : i32
      %dma_wait3A_87 = tpu.memref_slice %arg11[%add3A_17, %dma_wait3A_86] : memref<10240x128xf32, #tpu.memory_space<vmem_shared>> -> memref<128x128xf32, #tpu.memory_space<vmem_shared>>
      tpu.wait_dma2 semaphore(%run_scoped3A : memref<!tpu.dma_semaphore, #tpu.memory_space<semaphore_mem>>) src(%arg9 : memref<128x128xf32, #tpu.memory_space<vmem>>) dst(%dma_wait3A_87 : memref<128x128xf32, #tpu.memory_space<vmem_shared>>)
      tpu.yield
    }) : () -> ()
    %mul3A_18 = arith.constant 16 : i32
    %mul3A_19 = arith.muli %arg0, %mul3A_18 : i32
    %add3A_20 = arith.addi %mul3A_19, %arg1 : i32
    "tpu.region"() ({
      %run_scoped3A = tpu.sem_alloc : memref<!tpu.dma_semaphore, #tpu.memory_space<semaphore_mem>>
      %dma_start3A = arith.constant 0 : i32
      %dma_start3A_82 = tpu.memref_slice %arg3[%add3A_20, %dma_start3A] : memref<32x10496xi32, #tpu.memory_space<hbm>> -> memref<1x10496xi32, #tpu.memory_space<hbm>>
      %dma_start3A_83 = tpu.memref_squeeze %dma_start3A_82 : memref<1x10496xi32, #tpu.memory_space<hbm>> -> memref<10496xi32, #tpu.memory_space<hbm>>
      %dma_start3A_84 = arith.constant 0 : i32
      %dma_start3A_85 = tpu.memref_slice %arg3[%add3A_20, %dma_start3A_84] : memref<32x10496xi32, #tpu.memory_space<hbm>> -> memref<1x10496xi32, #tpu.memory_space<hbm>>
      %dma_start3A_86 = tpu.memref_squeeze %dma_start3A_85 : memref<1x10496xi32, #tpu.memory_space<hbm>> -> memref<10496xi32, #tpu.memory_space<hbm>>
      tpu.enqueue_dma source(%dma_start3A_86 : memref<10496xi32, #tpu.memory_space<hbm>>) target(%arg7 : memref<10496xi32, #tpu.memory_space<vmem>>) target_semaphore(%run_scoped3A : memref<!tpu.dma_semaphore, #tpu.memory_space<semaphore_mem>>)
      %dma_wait3A = arith.constant 0 : i32
      %dma_wait3A_87 = tpu.memref_slice %arg3[%add3A_20, %dma_wait3A] : memref<32x10496xi32, #tpu.memory_space<hbm>> -> memref<1x10496xi32, #tpu.memory_space<hbm>>
      %dma_wait3A_88 = tpu.memref_squeeze %dma_wait3A_87 : memref<1x10496xi32, #tpu.memory_space<hbm>> -> memref<10496xi32, #tpu.memory_space<hbm>>
      %dma_wait3A_89 = arith.constant 0 : i32
      %dma_wait3A_90 = tpu.memref_slice %arg3[%add3A_20, %dma_wait3A_89] : memref<32x10496xi32, #tpu.memory_space<hbm>> -> memref<1x10496xi32, #tpu.memory_space<hbm>>
      %dma_wait3A_91 = tpu.memref_squeeze %dma_wait3A_90 : memref<1x10496xi32, #tpu.memory_space<hbm>> -> memref<10496xi32, #tpu.memory_space<hbm>>
      tpu.wait_dma2 semaphore(%run_scoped3A : memref<!tpu.dma_semaphore, #tpu.memory_space<semaphore_mem>>) src(%dma_wait3A_91 : memref<10496xi32, #tpu.memory_space<hbm>>) dst(%arg7 : memref<10496xi32, #tpu.memory_space<vmem>>)
      tpu.yield
    }) : () -> ()
    %barrier3A = arith.constant 0 : index
    tpu.barrier barrier_id(%barrier3A)
    %scan3A = arith.constant 0 : i32
    %scan3A_21 = arith.constant 0 : i32
    %scan3A_22 = arith.constant 40 : i32
    %scan3A_23 = arith.addi %scan3A_21, %scan3A_22 : i32
    %scan3A_24 = arith.constant 1 : i32
    scf.for %scan3A_82 = %scan3A_21 to %scan3A_23 step %scan3A_24  : i32 {
      %mul3A_83 = arith.constant 2 : i32
      %mul3A_84 = arith.muli %scan3A_82, %mul3A_83 : i32
      %add3A_85 = arith.constant 0 : i32
      %add3A_86 = arith.addi %mul3A_84, %add3A_85 : i32
      %mul3A_87 = arith.constant 128 : i32
      %mul3A_88 = arith.muli %add3A_86, %mul3A_87 : i32
      %dma_start3A = tpu.memref_slice %arg7[%mul3A_88] : memref<10496xi32, #tpu.memory_space<vmem>> -> memref<128xi32, #tpu.memory_space<vmem>>
      %dma_start3A_89 = arith.constant 0 : i32
      %dma_start3A_90 = arith.constant 0 : i32
      %dma_start3A_91 = tpu.memref_slice %arg2[%dma_start3A_89, %dma_start3A_90] : memref<20480x128xf32, #tpu.memory_space<hbm>> -> memref<20480x128xf32, #tpu.memory_space<hbm>>
      tpu.enqueue_indirect_dma source(%dma_start3A_91 : memref<20480x128xf32, #tpu.memory_space<hbm>>) target(%arg9 : memref<128x128xf32, #tpu.memory_space<vmem>>) offsets(%dma_start3A : memref<128xi32, #tpu.memory_space<vmem>>) semaphore(%arg12 : memref<!tpu.dma_semaphore, #tpu.memory_space<semaphore_mem>>)
      %mul3A_92 = arith.constant 2 : i32
      %mul3A_93 = arith.muli %scan3A_82, %mul3A_92 : i32
      %add3A_94 = arith.constant 1 : i32
      %add3A_95 = arith.addi %mul3A_93, %add3A_94 : i32
      %mul3A_96 = arith.constant 128 : i32
      %mul3A_97 = arith.muli %add3A_95, %mul3A_96 : i32
      %dma_start3A_98 = tpu.memref_slice %arg7[%mul3A_97] : memref<10496xi32, #tpu.memory_space<vmem>> -> memref<128xi32, #tpu.memory_space<vmem>>
      %dma_start3A_99 = arith.constant 0 : i32
      %dma_start3A_100 = arith.constant 0 : i32
      %dma_start3A_101 = tpu.memref_slice %arg2[%dma_start3A_99, %dma_start3A_100] : memref<20480x128xf32, #tpu.memory_space<hbm>> -> memref<20480x128xf32, #tpu.memory_space<hbm>>
      tpu.enqueue_indirect_dma source(%dma_start3A_101 : memref<20480x128xf32, #tpu.memory_space<hbm>>) target(%arg10 : memref<128x128xf32, #tpu.memory_space<vmem>>) offsets(%dma_start3A_98 : memref<128xi32, #tpu.memory_space<vmem>>) semaphore(%arg13 : memref<!tpu.dma_semaphore, #tpu.memory_space<semaphore_mem>>)
      "tpu.region"() ({
        %run_scoped3A = tpu.sem_alloc : memref<!tpu.dma_semaphore, #tpu.memory_space<semaphore_mem>>
        %dma_start3A_137 = arith.constant 0 : i32
        %dma_start3A_138 = arith.constant 0 : i32
        %dma_start3A_139 = tpu.memref_slice %arg4[%arg1, %scan3A_82, %dma_start3A_137, %dma_start3A_138] : memref<16x40x2x128xi32, #tpu.memory_space<hbm>> -> memref<1x1x2x128xi32, #tpu.memory_space<hbm>>
        %dma_start3A_140 = tpu.memref_squeeze %dma_start3A_139 : memref<1x1x2x128xi32, #tpu.memory_space<hbm>> -> memref<2x128xi32, #tpu.memory_space<hbm>>
        %dma_start3A_141 = arith.constant 0 : i32
        %dma_start3A_142 = arith.constant 0 : i32
        %dma_start3A_143 = tpu.memref_slice %arg4[%arg1, %scan3A_82, %dma_start3A_141, %dma_start3A_142] : memref<16x40x2x128xi32, #tpu.memory_space<hbm>> -> memref<1x1x2x128xi32, #tpu.memory_space<hbm>>
        %dma_start3A_144 = tpu.memref_squeeze %dma_start3A_143 : memref<1x1x2x128xi32, #tpu.memory_space<hbm>> -> memref<2x128xi32, #tpu.memory_space<hbm>>
        tpu.enqueue_dma source(%dma_start3A_144 : memref<2x128xi32, #tpu.memory_space<hbm>>) target(%arg8 : memref<2x128xi32, #tpu.memory_space<vmem>>) target_semaphore(%run_scoped3A : memref<!tpu.dma_semaphore, #tpu.memory_space<semaphore_mem>>)
        %dma_wait3A_145 = arith.constant 0 : i32
        %dma_wait3A_146 = arith.constant 0 : i32
        %dma_wait3A_147 = tpu.memref_slice %arg4[%arg1, %scan3A_82, %dma_wait3A_145, %dma_wait3A_146] : memref<16x40x2x128xi32, #tpu.memory_space<hbm>> -> memref<1x1x2x128xi32, #tpu.memory_space<hbm>>
        %dma_wait3A_148 = tpu.memref_squeeze %dma_wait3A_147 : memref<1x1x2x128xi32, #tpu.memory_space<hbm>> -> memref<2x128xi32, #tpu.memory_space<hbm>>
        %dma_wait3A_149 = arith.constant 0 : i32
        %dma_wait3A_150 = arith.constant 0 : i32
        %dma_wait3A_151 = tpu.memref_slice %arg4[%arg1, %scan3A_82, %dma_wait3A_149, %dma_wait3A_150] : memref<16x40x2x128xi32, #tpu.memory_space<hbm>> -> memref<1x1x2x128xi32, #tpu.memory_space<hbm>>
        %dma_wait3A_152 = tpu.memref_squeeze %dma_wait3A_151 : memref<1x1x2x128xi32, #tpu.memory_space<hbm>> -> memref<2x128xi32, #tpu.memory_space<hbm>>
        tpu.wait_dma2 semaphore(%run_scoped3A : memref<!tpu.dma_semaphore, #tpu.memory_space<semaphore_mem>>) src(%dma_wait3A_152 : memref<2x128xi32, #tpu.memory_space<hbm>>) dst(%arg8 : memref<2x128xi32, #tpu.memory_space<vmem>>)
        tpu.yield
      }) : () -> ()
      %dma_wait3A = tpu.memref_slice %arg7[%mul3A_88] : memref<10496xi32, #tpu.memory_space<vmem>> -> memref<128xi32, #tpu.memory_space<vmem>>
      %dma_wait3A_102 = arith.constant 0 : i32
      %dma_wait3A_103 = arith.constant 0 : i32
      %dma_wait3A_104 = tpu.memref_slice %arg2[%dma_wait3A_102, %dma_wait3A_103] : memref<20480x128xf32, #tpu.memory_space<hbm>> -> memref<20480x128xf32, #tpu.memory_space<hbm>>
      tpu.wait_indirect_dma semaphore(%arg12 : memref<!tpu.dma_semaphore, #tpu.memory_space<semaphore_mem>>) src(%dma_wait3A_104 : memref<20480x128xf32, #tpu.memory_space<hbm>>) dst(%arg9 : memref<128x128xf32, #tpu.memory_space<vmem>>)
      %dma_start3A_105 = arith.constant 0 : i32
      %dma_start3A_106 = arith.constant 0 : i32
      %dma_start3A_107 = tpu.memref_slice %arg8[%dma_start3A_105, %dma_start3A_106] : memref<2x128xi32, #tpu.memory_space<vmem>> -> memref<1x128xi32, #tpu.memory_space<vmem>>
      %dma_start3A_108 = tpu.memref_squeeze %dma_start3A_107 : memref<1x128xi32, #tpu.memory_space<vmem>> -> memref<128xi32, #tpu.memory_space<vmem>>
      %dma_start3A_109 = arith.constant 0 : i32
      %dma_start3A_110 = arith.constant 0 : i32
      %dma_start3A_111 = tpu.memref_slice %arg11[%dma_start3A_109, %dma_start3A_110] : memref<10240x128xf32, #tpu.memory_space<vmem_shared>> -> memref<10240x128xf32, #tpu.memory_space<vmem_shared>>
      tpu.enqueue_indirect_dma source(%arg9 : memref<128x128xf32, #tpu.memory_space<vmem>>) target(%dma_start3A_111 : memref<10240x128xf32, #tpu.memory_space<vmem_shared>>) offsets(%dma_start3A_108 : memref<128xi32, #tpu.memory_space<vmem>>) semaphore(%arg14 : memref<!tpu.dma_semaphore, #tpu.memory_space<semaphore_mem>>) {add = true}
      %dma_wait3A_112 = tpu.memref_slice %arg7[%mul3A_97] : memref<10496xi32, #tpu.memory_space<vmem>> -> memref<128xi32, #tpu.memory_space<vmem>>
      %dma_wait3A_113 = arith.constant 0 : i32
      %dma_wait3A_114 = arith.constant 0 : i32
      %dma_wait3A_115 = tpu.memref_slice %arg2[%dma_wait3A_113, %dma_wait3A_114] : memref<20480x128xf32, #tpu.memory_space<hbm>> -> memref<20480x128xf32, #tpu.memory_space<hbm>>
      tpu.wait_indirect_dma semaphore(%arg13 : memref<!tpu.dma_semaphore, #tpu.memory_space<semaphore_mem>>) src(%dma_wait3A_115 : memref<20480x128xf32, #tpu.memory_space<hbm>>) dst(%arg10 : memref<128x128xf32, #tpu.memory_space<vmem>>)
      %dma_start3A_116 = arith.constant 1 : i32
      %dma_start3A_117 = arith.constant 0 : i32
      %dma_start3A_118 = tpu.memref_slice %arg8[%dma_start3A_116, %dma_start3A_117] : memref<2x128xi32, #tpu.memory_space<vmem>> -> memref<1x128xi32, #tpu.memory_space<vmem>>
      %dma_start3A_119 = tpu.memref_squeeze %dma_start3A_118 : memref<1x128xi32, #tpu.memory_space<vmem>> -> memref<128xi32, #tpu.memory_space<vmem>>
      %dma_start3A_120 = arith.constant 0 : i32
      %dma_start3A_121 = arith.constant 0 : i32
      %dma_start3A_122 = tpu.memref_slice %arg11[%dma_start3A_120, %dma_start3A_121] : memref<10240x128xf32, #tpu.memory_space<vmem_shared>> -> memref<10240x128xf32, #tpu.memory_space<vmem_shared>>
      tpu.enqueue_indirect_dma source(%arg10 : memref<128x128xf32, #tpu.memory_space<vmem>>) target(%dma_start3A_122 : memref<10240x128xf32, #tpu.memory_space<vmem_shared>>) offsets(%dma_start3A_119 : memref<128xi32, #tpu.memory_space<vmem>>) semaphore(%arg15 : memref<!tpu.dma_semaphore, #tpu.memory_space<semaphore_mem>>) {add = true}
      %dma_wait3A_123 = arith.constant 0 : i32
      %dma_wait3A_124 = arith.constant 0 : i32
      %dma_wait3A_125 = tpu.memref_slice %arg8[%dma_wait3A_123, %dma_wait3A_124] : memref<2x128xi32, #tpu.memory_space<vmem>> -> memref<1x128xi32, #tpu.memory_space<vmem>>
      %dma_wait3A_126 = tpu.memref_squeeze %dma_wait3A_125 : memref<1x128xi32, #tpu.memory_space<vmem>> -> memref<128xi32, #tpu.memory_space<vmem>>
      %dma_wait3A_127 = arith.constant 0 : i32
      %dma_wait3A_128 = arith.constant 0 : i32
      %dma_wait3A_129 = tpu.memref_slice %arg11[%dma_wait3A_127, %dma_wait3A_128] : memref<10240x128xf32, #tpu.memory_space<vmem_shared>> -> memref<10240x128xf32, #tpu.memory_space<vmem_shared>>
      tpu.wait_indirect_dma semaphore(%arg14 : memref<!tpu.dma_semaphore, #tpu.memory_space<semaphore_mem>>) src(%arg9 : memref<128x128xf32, #tpu.memory_space<vmem>>) dst(%dma_wait3A_129 : memref<10240x128xf32, #tpu.memory_space<vmem_shared>>)
      %dma_wait3A_130 = arith.constant 1 : i32
      %dma_wait3A_131 = arith.constant 0 : i32
      %dma_wait3A_132 = tpu.memref_slice %arg8[%dma_wait3A_130, %dma_wait3A_131] : memref<2x128xi32, #tpu.memory_space<vmem>> -> memref<1x128xi32, #tpu.memory_space<vmem>>
      %dma_wait3A_133 = tpu.memref_squeeze %dma_wait3A_132 : memref<1x128xi32, #tpu.memory_space<vmem>> -> memref<128xi32, #tpu.memory_space<vmem>>
      %dma_wait3A_134 = arith.constant 0 : i32
      %dma_wait3A_135 = arith.constant 0 : i32
      %dma_wait3A_136 = tpu.memref_slice %arg11[%dma_wait3A_134, %dma_wait3A_135] : memref<10240x128xf32, #tpu.memory_space<vmem_shared>> -> memref<10240x128xf32, #tpu.memory_space<vmem_shared>>
      tpu.wait_indirect_dma semaphore(%arg15 : memref<!tpu.dma_semaphore, #tpu.memory_space<semaphore_mem>>) src(%arg10 : memref<128x128xf32, #tpu.memory_space<vmem>>) dst(%dma_wait3A_136 : memref<10240x128xf32, #tpu.memory_space<vmem_shared>>)
    }
    %scan3A_25 = arith.constant 40 : i32
    %barrier3A_26 = arith.constant 0 : index
    tpu.barrier barrier_id(%barrier3A_26)
    %mul3A_27 = arith.constant 640 : i32
    %mul3A_28 = arith.muli %arg1, %mul3A_27 : i32
    %add3A_29 = arith.constant 0 : i32
    %add3A_30 = arith.addi %mul3A_28, %add3A_29 : i32
    "tpu.region"() ({
      %run_scoped3A = tpu.sem_alloc : memref<!tpu.dma_semaphore, #tpu.memory_space<semaphore_mem>>
      %dma_start3A = arith.constant 0 : i32
      %dma_start3A_82 = tpu.memref_slice %arg11[%add3A_30, %dma_start3A] : memref<10240x128xf32, #tpu.memory_space<vmem_shared>> -> memref<128x128xf32, #tpu.memory_space<vmem_shared>>
      %dma_start3A_83 = arith.constant 0 : i32
      %dma_start3A_84 = tpu.memref_slice %arg11[%add3A_30, %dma_start3A_83] : memref<10240x128xf32, #tpu.memory_space<vmem_shared>> -> memref<128x128xf32, #tpu.memory_space<vmem_shared>>
      tpu.enqueue_dma source(%dma_start3A_84 : memref<128x128xf32, #tpu.memory_space<vmem_shared>>) target(%arg9 : memref<128x128xf32, #tpu.memory_space<vmem>>) target_semaphore(%run_scoped3A : memref<!tpu.dma_semaphore, #tpu.memory_space<semaphore_mem>>)
      %dma_wait3A = arith.constant 0 : i32
      %dma_wait3A_85 = tpu.memref_slice %arg11[%add3A_30, %dma_wait3A] : memref<10240x128xf32, #tpu.memory_space<vmem_shared>> -> memref<128x128xf32, #tpu.memory_space<vmem_shared>>
      %dma_wait3A_86 = arith.constant 0 : i32
      %dma_wait3A_87 = tpu.memref_slice %arg11[%add3A_30, %dma_wait3A_86] : memref<10240x128xf32, #tpu.memory_space<vmem_shared>> -> memref<128x128xf32, #tpu.memory_space<vmem_shared>>
      tpu.wait_dma2 semaphore(%run_scoped3A : memref<!tpu.dma_semaphore, #tpu.memory_space<semaphore_mem>>) src(%dma_wait3A_87 : memref<128x128xf32, #tpu.memory_space<vmem_shared>>) dst(%arg9 : memref<128x128xf32, #tpu.memory_space<vmem>>)
      tpu.yield
    }) : () -> ()
    %mul3A_31 = arith.constant 10240 : i32
    %mul3A_32 = arith.muli %arg0, %mul3A_31 : i32
    %mul3A_33 = arith.constant 640 : i32
    %mul3A_34 = arith.muli %arg1, %mul3A_33 : i32
    %add3A_35 = arith.addi %mul3A_32, %mul3A_34 : i32
    %add3A_36 = arith.constant 0 : i32
    %add3A_37 = arith.addi %add3A_35, %add3A_36 : i32
    "tpu.region"() ({
      %run_scoped3A = tpu.sem_alloc : memref<!tpu.dma_semaphore, #tpu.memory_space<semaphore_mem>>
      %dma_start3A = arith.constant 0 : i32
      %dma_start3A_82 = tpu.memref_slice %arg6[%add3A_37, %dma_start3A] : memref<20480x128xf32, #tpu.memory_space<hbm>> -> memref<128x128xf32, #tpu.memory_space<hbm>>
      %dma_start3A_83 = arith.constant 0 : i32
      %dma_start3A_84 = tpu.memref_slice %arg6[%add3A_37, %dma_start3A_83] : memref<20480x128xf32, #tpu.memory_space<hbm>> -> memref<128x128xf32, #tpu.memory_space<hbm>>
      tpu.enqueue_dma source(%arg9 : memref<128x128xf32, #tpu.memory_space<vmem>>) target(%dma_start3A_84 : memref<128x128xf32, #tpu.memory_space<hbm>>) target_semaphore(%run_scoped3A : memref<!tpu.dma_semaphore, #tpu.memory_space<semaphore_mem>>)
      %dma_wait3A = arith.constant 0 : i32
      %dma_wait3A_85 = tpu.memref_slice %arg6[%add3A_37, %dma_wait3A] : memref<20480x128xf32, #tpu.memory_space<hbm>> -> memref<128x128xf32, #tpu.memory_space<hbm>>
      %dma_wait3A_86 = arith.constant 0 : i32
      %dma_wait3A_87 = tpu.memref_slice %arg6[%add3A_37, %dma_wait3A_86] : memref<20480x128xf32, #tpu.memory_space<hbm>> -> memref<128x128xf32, #tpu.memory_space<hbm>>
      tpu.wait_dma2 semaphore(%run_scoped3A : memref<!tpu.dma_semaphore, #tpu.memory_space<semaphore_mem>>) src(%arg9 : memref<128x128xf32, #tpu.memory_space<vmem>>) dst(%dma_wait3A_87 : memref<128x128xf32, #tpu.memory_space<hbm>>)
      tpu.yield
    }) : () -> ()
    %mul3A_38 = arith.constant 640 : i32
    %mul3A_39 = arith.muli %arg1, %mul3A_38 : i32
    %add3A_40 = arith.constant 128 : i32
    %add3A_41 = arith.addi %mul3A_39, %add3A_40 : i32
    "tpu.region"() ({
      %run_scoped3A = tpu.sem_alloc : memref<!tpu.dma_semaphore, #tpu.memory_space<semaphore_mem>>
      %dma_start3A = arith.constant 0 : i32
      %dma_start3A_82 = tpu.memref_slice %arg11[%add3A_41, %dma_start3A] : memref<10240x128xf32, #tpu.memory_space<vmem_shared>> -> memref<128x128xf32, #tpu.memory_space<vmem_shared>>
      %dma_start3A_83 = arith.constant 0 : i32
      %dma_start3A_84 = tpu.memref_slice %arg11[%add3A_41, %dma_start3A_83] : memref<10240x128xf32, #tpu.memory_space<vmem_shared>> -> memref<128x128xf32, #tpu.memory_space<vmem_shared>>
      tpu.enqueue_dma source(%dma_start3A_84 : memref<128x128xf32, #tpu.memory_space<vmem_shared>>) target(%arg9 : memref<128x128xf32, #tpu.memory_space<vmem>>) target_semaphore(%run_scoped3A : memref<!tpu.dma_semaphore, #tpu.memory_space<semaphore_mem>>)
      %dma_wait3A = arith.constant 0 : i32
      %dma_wait3A_85 = tpu.memref_slice %arg11[%add3A_41, %dma_wait3A] : memref<10240x128xf32, #tpu.memory_space<vmem_shared>> -> memref<128x128xf32, #tpu.memory_space<vmem_shared>>
      %dma_wait3A_86 = arith.constant 0 : i32
      %dma_wait3A_87 = tpu.memref_slice %arg11[%add3A_41, %dma_wait3A_86] : memref<10240x128xf32, #tpu.memory_space<vmem_shared>> -> memref<128x128xf32, #tpu.memory_space<vmem_shared>>
      tpu.wait_dma2 semaphore(%run_scoped3A : memref<!tpu.dma_semaphore, #tpu.memory_space<semaphore_mem>>) src(%dma_wait3A_87 : memref<128x128xf32, #tpu.memory_space<vmem_shared>>) dst(%arg9 : memref<128x128xf32, #tpu.memory_space<vmem>>)
      tpu.yield
    }) : () -> ()
    %mul3A_42 = arith.constant 10240 : i32
    %mul3A_43 = arith.muli %arg0, %mul3A_42 : i32
    %mul3A_44 = arith.constant 640 : i32
    %mul3A_45 = arith.muli %arg1, %mul3A_44 : i32
    %add3A_46 = arith.addi %mul3A_43, %mul3A_45 : i32
    %add3A_47 = arith.constant 128 : i32
    %add3A_48 = arith.addi %add3A_46, %add3A_47 : i32
    "tpu.region"() ({
      %run_scoped3A = tpu.sem_alloc : memref<!tpu.dma_semaphore, #tpu.memory_space<semaphore_mem>>
      %dma_start3A = arith.constant 0 : i32
      %dma_start3A_82 = tpu.memref_slice %arg6[%add3A_48, %dma_start3A] : memref<20480x128xf32, #tpu.memory_space<hbm>> -> memref<128x128xf32, #tpu.memory_space<hbm>>
      %dma_start3A_83 = arith.constant 0 : i32
      %dma_start3A_84 = tpu.memref_slice %arg6[%add3A_48, %dma_start3A_83] : memref<20480x128xf32, #tpu.memory_space<hbm>> -> memref<128x128xf32, #tpu.memory_space<hbm>>
      tpu.enqueue_dma source(%arg9 : memref<128x128xf32, #tpu.memory_space<vmem>>) target(%dma_start3A_84 : memref<128x128xf32, #tpu.memory_space<hbm>>) target_semaphore(%run_scoped3A : memref<!tpu.dma_semaphore, #tpu.memory_space<semaphore_mem>>)
      %dma_wait3A = arith.constant 0 : i32
      %dma_wait3A_85 = tpu.memref_slice %arg6[%add3A_48, %dma_wait3A] : memref<20480x128xf32, #tpu.memory_space<hbm>> -> memref<128x128xf32, #tpu.memory_space<hbm>>
      %dma_wait3A_86 = arith.constant 0 : i32
      %dma_wait3A_87 = tpu.memref_slice %arg6[%add3A_48, %dma_wait3A_86] : memref<20480x128xf32, #tpu.memory_space<hbm>> -> memref<128x128xf32, #tpu.memory_space<hbm>>
      tpu.wait_dma2 semaphore(%run_scoped3A : memref<!tpu.dma_semaphore, #tpu.memory_space<semaphore_mem>>) src(%arg9 : memref<128x128xf32, #tpu.memory_space<vmem>>) dst(%dma_wait3A_87 : memref<128x128xf32, #tpu.memory_space<hbm>>)
      tpu.yield
    }) : () -> ()
    %mul3A_49 = arith.constant 640 : i32
    %mul3A_50 = arith.muli %arg1, %mul3A_49 : i32
    %add3A_51 = arith.constant 256 : i32
    %add3A_52 = arith.addi %mul3A_50, %add3A_51 : i32
    "tpu.region"() ({
      %run_scoped3A = tpu.sem_alloc : memref<!tpu.dma_semaphore, #tpu.memory_space<semaphore_mem>>
      %dma_start3A = arith.constant 0 : i32
      %dma_start3A_82 = tpu.memref_slice %arg11[%add3A_52, %dma_start3A] : memref<10240x128xf32, #tpu.memory_space<vmem_shared>> -> memref<128x128xf32, #tpu.memory_space<vmem_shared>>
      %dma_start3A_83 = arith.constant 0 : i32
      %dma_start3A_84 = tpu.memref_slice %arg11[%add3A_52, %dma_start3A_83] : memref<10240x128xf32, #tpu.memory_space<vmem_shared>> -> memref<128x128xf32, #tpu.memory_space<vmem_shared>>
      tpu.enqueue_dma source(%dma_start3A_84 : memref<128x128xf32, #tpu.memory_space<vmem_shared>>) target(%arg9 : memref<128x128xf32, #tpu.memory_space<vmem>>) target_semaphore(%run_scoped3A : memref<!tpu.dma_semaphore, #tpu.memory_space<semaphore_mem>>)
      %dma_wait3A = arith.constant 0 : i32
      %dma_wait3A_85 = tpu.memref_slice %arg11[%add3A_52, %dma_wait3A] : memref<10240x128xf32, #tpu.memory_space<vmem_shared>> -> memref<128x128xf32, #tpu.memory_space<vmem_shared>>
      %dma_wait3A_86 = arith.constant 0 : i32
      %dma_wait3A_87 = tpu.memref_slice %arg11[%add3A_52, %dma_wait3A_86] : memref<10240x128xf32, #tpu.memory_space<vmem_shared>> -> memref<128x128xf32, #tpu.memory_space<vmem_shared>>
      tpu.wait_dma2 semaphore(%run_scoped3A : memref<!tpu.dma_semaphore, #tpu.memory_space<semaphore_mem>>) src(%dma_wait3A_87 : memref<128x128xf32, #tpu.memory_space<vmem_shared>>) dst(%arg9 : memref<128x128xf32, #tpu.memory_space<vmem>>)
      tpu.yield
    }) : () -> ()
    %mul3A_53 = arith.constant 10240 : i32
    %mul3A_54 = arith.muli %arg0, %mul3A_53 : i32
    %mul3A_55 = arith.constant 640 : i32
    %mul3A_56 = arith.muli %arg1, %mul3A_55 : i32
    %add3A_57 = arith.addi %mul3A_54, %mul3A_56 : i32
    %add3A_58 = arith.constant 256 : i32
    %add3A_59 = arith.addi %add3A_57, %add3A_58 : i32
    "tpu.region"() ({
      %run_scoped3A = tpu.sem_alloc : memref<!tpu.dma_semaphore, #tpu.memory_space<semaphore_mem>>
      %dma_start3A = arith.constant 0 : i32
      %dma_start3A_82 = tpu.memref_slice %arg6[%add3A_59, %dma_start3A] : memref<20480x128xf32, #tpu.memory_space<hbm>> -> memref<128x128xf32, #tpu.memory_space<hbm>>
      %dma_start3A_83 = arith.constant 0 : i32
      %dma_start3A_84 = tpu.memref_slice %arg6[%add3A_59, %dma_start3A_83] : memref<20480x128xf32, #tpu.memory_space<hbm>> -> memref<128x128xf32, #tpu.memory_space<hbm>>
      tpu.enqueue_dma source(%arg9 : memref<128x128xf32, #tpu.memory_space<vmem>>) target(%dma_start3A_84 : memref<128x128xf32, #tpu.memory_space<hbm>>) target_semaphore(%run_scoped3A : memref<!tpu.dma_semaphore, #tpu.memory_space<semaphore_mem>>)
      %dma_wait3A = arith.constant 0 : i32
      %dma_wait3A_85 = tpu.memref_slice %arg6[%add3A_59, %dma_wait3A] : memref<20480x128xf32, #tpu.memory_space<hbm>> -> memref<128x128xf32, #tpu.memory_space<hbm>>
      %dma_wait3A_86 = arith.constant 0 : i32
      %dma_wait3A_87 = tpu.memref_slice %arg6[%add3A_59, %dma_wait3A_86] : memref<20480x128xf32, #tpu.memory_space<hbm>> -> memref<128x128xf32, #tpu.memory_space<hbm>>
      tpu.wait_dma2 semaphore(%run_scoped3A : memref<!tpu.dma_semaphore, #tpu.memory_space<semaphore_mem>>) src(%arg9 : memref<128x128xf32, #tpu.memory_space<vmem>>) dst(%dma_wait3A_87 : memref<128x128xf32, #tpu.memory_space<hbm>>)
      tpu.yield
    }) : () -> ()
    %mul3A_60 = arith.constant 640 : i32
    %mul3A_61 = arith.muli %arg1, %mul3A_60 : i32
    %add3A_62 = arith.constant 384 : i32
    %add3A_63 = arith.addi %mul3A_61, %add3A_62 : i32
    "tpu.region"() ({
      %run_scoped3A = tpu.sem_alloc : memref<!tpu.dma_semaphore, #tpu.memory_space<semaphore_mem>>
      %dma_start3A = arith.constant 0 : i32
      %dma_start3A_82 = tpu.memref_slice %arg11[%add3A_63, %dma_start3A] : memref<10240x128xf32, #tpu.memory_space<vmem_shared>> -> memref<128x128xf32, #tpu.memory_space<vmem_shared>>
      %dma_start3A_83 = arith.constant 0 : i32
      %dma_start3A_84 = tpu.memref_slice %arg11[%add3A_63, %dma_start3A_83] : memref<10240x128xf32, #tpu.memory_space<vmem_shared>> -> memref<128x128xf32, #tpu.memory_space<vmem_shared>>
      tpu.enqueue_dma source(%dma_start3A_84 : memref<128x128xf32, #tpu.memory_space<vmem_shared>>) target(%arg9 : memref<128x128xf32, #tpu.memory_space<vmem>>) target_semaphore(%run_scoped3A : memref<!tpu.dma_semaphore, #tpu.memory_space<semaphore_mem>>)
      %dma_wait3A = arith.constant 0 : i32
      %dma_wait3A_85 = tpu.memref_slice %arg11[%add3A_63, %dma_wait3A] : memref<10240x128xf32, #tpu.memory_space<vmem_shared>> -> memref<128x128xf32, #tpu.memory_space<vmem_shared>>
      %dma_wait3A_86 = arith.constant 0 : i32
      %dma_wait3A_87 = tpu.memref_slice %arg11[%add3A_63, %dma_wait3A_86] : memref<10240x128xf32, #tpu.memory_space<vmem_shared>> -> memref<128x128xf32, #tpu.memory_space<vmem_shared>>
      tpu.wait_dma2 semaphore(%run_scoped3A : memref<!tpu.dma_semaphore, #tpu.memory_space<semaphore_mem>>) src(%dma_wait3A_87 : memref<128x128xf32, #tpu.memory_space<vmem_shared>>) dst(%arg9 : memref<128x128xf32, #tpu.memory_space<vmem>>)
      tpu.yield
    }) : () -> ()
    %mul3A_64 = arith.constant 10240 : i32
    %mul3A_65 = arith.muli %arg0, %mul3A_64 : i32
    %mul3A_66 = arith.constant 640 : i32
    %mul3A_67 = arith.muli %arg1, %mul3A_66 : i32
    %add3A_68 = arith.addi %mul3A_65, %mul3A_67 : i32
    %add3A_69 = arith.constant 384 : i32
    %add3A_70 = arith.addi %add3A_68, %add3A_69 : i32
    "tpu.region"() ({
      %run_scoped3A = tpu.sem_alloc : memref<!tpu.dma_semaphore, #tpu.memory_space<semaphore_mem>>
      %dma_start3A = arith.constant 0 : i32
      %dma_start3A_82 = tpu.memref_slice %arg6[%add3A_70, %dma_start3A] : memref<20480x128xf32, #tpu.memory_space<hbm>> -> memref<128x128xf32, #tpu.memory_space<hbm>>
      %dma_start3A_83 = arith.constant 0 : i32
      %dma_start3A_84 = tpu.memref_slice %arg6[%add3A_70, %dma_start3A_83] : memref<20480x128xf32, #tpu.memory_space<hbm>> -> memref<128x128xf32, #tpu.memory_space<hbm>>
      tpu.enqueue_dma source(%arg9 : memref<128x128xf32, #tpu.memory_space<vmem>>) target(%dma_start3A_84 : memref<128x128xf32, #tpu.memory_space<hbm>>) target_semaphore(%run_scoped3A : memref<!tpu.dma_semaphore, #tpu.memory_space<semaphore_mem>>)
      %dma_wait3A = arith.constant 0 : i32
      %dma_wait3A_85 = tpu.memref_slice %arg6[%add3A_70, %dma_wait3A] : memref<20480x128xf32, #tpu.memory_space<hbm>> -> memref<128x128xf32, #tpu.memory_space<hbm>>
      %dma_wait3A_86 = arith.constant 0 : i32
      %dma_wait3A_87 = tpu.memref_slice %arg6[%add3A_70, %dma_wait3A_86] : memref<20480x128xf32, #tpu.memory_space<hbm>> -> memref<128x128xf32, #tpu.memory_space<hbm>>
      tpu.wait_dma2 semaphore(%run_scoped3A : memref<!tpu.dma_semaphore, #tpu.memory_space<semaphore_mem>>) src(%arg9 : memref<128x128xf32, #tpu.memory_space<vmem>>) dst(%dma_wait3A_87 : memref<128x128xf32, #tpu.memory_space<hbm>>)
      tpu.yield
    }) : () -> ()
    %mul3A_71 = arith.constant 640 : i32
    %mul3A_72 = arith.muli %arg1, %mul3A_71 : i32
    %add3A_73 = arith.constant 512 : i32
    %add3A_74 = arith.addi %mul3A_72, %add3A_73 : i32
    "tpu.region"() ({
      %run_scoped3A = tpu.sem_alloc : memref<!tpu.dma_semaphore, #tpu.memory_space<semaphore_mem>>
      %dma_start3A = arith.constant 0 : i32
      %dma_start3A_82 = tpu.memref_slice %arg11[%add3A_74, %dma_start3A] : memref<10240x128xf32, #tpu.memory_space<vmem_shared>> -> memref<128x128xf32, #tpu.memory_space<vmem_shared>>
      %dma_start3A_83 = arith.constant 0 : i32
      %dma_start3A_84 = tpu.memref_slice %arg11[%add3A_74, %dma_start3A_83] : memref<10240x128xf32, #tpu.memory_space<vmem_shared>> -> memref<128x128xf32, #tpu.memory_space<vmem_shared>>
      tpu.enqueue_dma source(%dma_start3A_84 : memref<128x128xf32, #tpu.memory_space<vmem_shared>>) target(%arg9 : memref<128x128xf32, #tpu.memory_space<vmem>>) target_semaphore(%run_scoped3A : memref<!tpu.dma_semaphore, #tpu.memory_space<semaphore_mem>>)
      %dma_wait3A = arith.constant 0 : i32
      %dma_wait3A_85 = tpu.memref_slice %arg11[%add3A_74, %dma_wait3A] : memref<10240x128xf32, #tpu.memory_space<vmem_shared>> -> memref<128x128xf32, #tpu.memory_space<vmem_shared>>
      %dma_wait3A_86 = arith.constant 0 : i32
      %dma_wait3A_87 = tpu.memref_slice %arg11[%add3A_74, %dma_wait3A_86] : memref<10240x128xf32, #tpu.memory_space<vmem_shared>> -> memref<128x128xf32, #tpu.memory_space<vmem_shared>>
      tpu.wait_dma2 semaphore(%run_scoped3A : memref<!tpu.dma_semaphore, #tpu.memory_space<semaphore_mem>>) src(%dma_wait3A_87 : memref<128x128xf32, #tpu.memory_space<vmem_shared>>) dst(%arg9 : memref<128x128xf32, #tpu.memory_space<vmem>>)
      tpu.yield
    }) : () -> ()
    %mul3A_75 = arith.constant 10240 : i32
    %mul3A_76 = arith.muli %arg0, %mul3A_75 : i32
    %mul3A_77 = arith.constant 640 : i32
    %mul3A_78 = arith.muli %arg1, %mul3A_77 : i32
    %add3A_79 = arith.addi %mul3A_76, %mul3A_78 : i32
    %add3A_80 = arith.constant 512 : i32
    %add3A_81 = arith.addi %add3A_79, %add3A_80 : i32
    "tpu.region"() ({
      %run_scoped3A = tpu.sem_alloc : memref<!tpu.dma_semaphore, #tpu.memory_space<semaphore_mem>>
      %dma_start3A = arith.constant 0 : i32
      %dma_start3A_82 = tpu.memref_slice %arg6[%add3A_81, %dma_start3A] : memref<20480x128xf32, #tpu.memory_space<hbm>> -> memref<128x128xf32, #tpu.memory_space<hbm>>
      %dma_start3A_83 = arith.constant 0 : i32
      %dma_start3A_84 = tpu.memref_slice %arg6[%add3A_81, %dma_start3A_83] : memref<20480x128xf32, #tpu.memory_space<hbm>> -> memref<128x128xf32, #tpu.memory_space<hbm>>
      tpu.enqueue_dma source(%arg9 : memref<128x128xf32, #tpu.memory_space<vmem>>) target(%dma_start3A_84 : memref<128x128xf32, #tpu.memory_space<hbm>>) target_semaphore(%run_scoped3A : memref<!tpu.dma_semaphore, #tpu.memory_space<semaphore_mem>>)
      %dma_wait3A = arith.constant 0 : i32
      %dma_wait3A_85 = tpu.memref_slice %arg6[%add3A_81, %dma_wait3A] : memref<20480x128xf32, #tpu.memory_space<hbm>> -> memref<128x128xf32, #tpu.memory_space<hbm>>
      %dma_wait3A_86 = arith.constant 0 : i32
      %dma_wait3A_87 = tpu.memref_slice %arg6[%add3A_81, %dma_wait3A_86] : memref<20480x128xf32, #tpu.memory_space<hbm>> -> memref<128x128xf32, #tpu.memory_space<hbm>>
      tpu.wait_dma2 semaphore(%run_scoped3A : memref<!tpu.dma_semaphore, #tpu.memory_space<semaphore_mem>>) src(%arg9 : memref<128x128xf32, #tpu.memory_space<vmem>>) dst(%dma_wait3A_87 : memref<128x128xf32, #tpu.memory_space<hbm>>)
      tpu.yield
    }) : () -> ()
    return
  }
}

#map = affine_map<(d0, d1) -> (0, 0)>
#map1 = affine_map<(d0, d1) -> (0, 0, 0, 0)>
module attributes {stable_mosaic.version = 14 : i64} {
  func.func @_sc_agg_body(%arg0: i32, %arg1: i32, %arg2: memref<20480x128xf32, #tpu.memory_space<hbm>>, %arg3: memref<32x10496xi32, #tpu.memory_space<hbm>>, %arg4: memref<16x40x2x128xi32, #tpu.memory_space<hbm>>, %arg5: memref<128x128xf32, #tpu.memory_space<hbm>>, %arg6: memref<20480x128xf32, #tpu.memory_space<hbm>>, %arg7: memref<10496xi32, #tpu.memory_space<vmem>>, %arg8: memref<2x128xi32, #tpu.memory_space<vmem>>, %arg9: memref<128x128xf32, #tpu.memory_space<vmem>>, %arg10: memref<128x128xf32, #tpu.memory_space<vmem>>, %arg11: memref<10240x128xf32, #tpu.memory_space<vmem_shared>>, %arg12: memref<!tpu.dma_semaphore, #tpu.memory_space<semaphore_mem>>, %arg13: memref<!tpu.dma_semaphore, #tpu.memory_space<semaphore_mem>>, %arg14: memref<!tpu.dma_semaphore, #tpu.memory_space<semaphore_mem>>, %arg15: memref<!tpu.dma_semaphore, #tpu.memory_space<semaphore_mem>>) attributes {dimension_semantics = [#tpu.dimension_semantics<core_parallel>, #tpu.dimension_semantics<subcore_parallel>], iteration_bounds = array<i64: 2, 16>, scalar_prefetch = 0 : i64, scratch_operands = 9 : i64, tpu.core_type = #tpu.core_type<sc_vector_subcore>, window_params = [{transform_indices = #map}, {transform_indices = #map}, {transform_indices = #map1}, {transform_indices = #map}, {transform_indices = #map}]} {
    "tpu.region"() ({
      %run_scoped3A = tpu.sem_alloc : memref<!tpu.dma_semaphore, #tpu.memory_space<semaphore_mem>>
      tpu.enqueue_dma source(%arg5 : memref<128x128xf32, #tpu.memory_space<hbm>>) target(%arg9 : memref<128x128xf32, #tpu.memory_space<vmem>>) target_semaphore(%run_scoped3A : memref<!tpu.dma_semaphore, #tpu.memory_space<semaphore_mem>>)
      tpu.wait_dma2 semaphore(%run_scoped3A : memref<!tpu.dma_semaphore, #tpu.memory_space<semaphore_mem>>) src(%arg5 : memref<128x128xf32, #tpu.memory_space<hbm>>) dst(%arg9 : memref<128x128xf32, #tpu.memory_space<vmem>>)
      tpu.yield
    }) : () -> ()
    %mul3A = arith.constant 640 : i32
    %mul3A_0 = arith.muli %arg1, %mul3A : i32
    %add3A = arith.constant 0 : i32
    %add3A_1 = arith.addi %mul3A_0, %add3A : i32
    "tpu.region"() ({
      %run_scoped3A = tpu.sem_alloc : memref<!tpu.dma_semaphore, #tpu.memory_space<semaphore_mem>>
      %dma_start3A = arith.constant 0 : i32
      %dma_start3A_82 = tpu.memref_slice %arg11[%add3A_1, %dma_start3A] : memref<10240x128xf32, #tpu.memory_space<vmem_shared>> -> memref<128x128xf32, #tpu.memory_space<vmem_shared>>
      %dma_start3A_83 = arith.constant 0 : i32
      %dma_start3A_84 = tpu.memref_slice %arg11[%add3A_1, %dma_start3A_83] : memref<10240x128xf32, #tpu.memory_space<vmem_shared>> -> memref<128x128xf32, #tpu.memory_space<vmem_shared>>
      tpu.enqueue_dma source(%arg9 : memref<128x128xf32, #tpu.memory_space<vmem>>) target(%dma_start3A_84 : memref<128x128xf32, #tpu.memory_space<vmem_shared>>) target_semaphore(%run_scoped3A : memref<!tpu.dma_semaphore, #tpu.memory_space<semaphore_mem>>)
      %dma_wait3A = arith.constant 0 : i32
      %dma_wait3A_85 = tpu.memref_slice %arg11[%add3A_1, %dma_wait3A] : memref<10240x128xf32, #tpu.memory_space<vmem_shared>> -> memref<128x128xf32, #tpu.memory_space<vmem_shared>>
      %dma_wait3A_86 = arith.constant 0 : i32
      %dma_wait3A_87 = tpu.memref_slice %arg11[%add3A_1, %dma_wait3A_86] : memref<10240x128xf32, #tpu.memory_space<vmem_shared>> -> memref<128x128xf32, #tpu.memory_space<vmem_shared>>
      tpu.wait_dma2 semaphore(%run_scoped3A : memref<!tpu.dma_semaphore, #tpu.memory_space<semaphore_mem>>) src(%arg9 : memref<128x128xf32, #tpu.memory_space<vmem>>) dst(%dma_wait3A_87 : memref<128x128xf32, #tpu.memory_space<vmem_shared>>)
      tpu.yield
    }) : () -> ()
    %mul3A_2 = arith.constant 640 : i32
    %mul3A_3 = arith.muli %arg1, %mul3A_2 : i32
    %add3A_4 = arith.constant 128 : i32
    %add3A_5 = arith.addi %mul3A_3, %add3A_4 : i32
    "tpu.region"() ({
      %run_scoped3A = tpu.sem_alloc : memref<!tpu.dma_semaphore, #tpu.memory_space<semaphore_mem>>
      %dma_start3A = arith.constant 0 : i32
      %dma_start3A_82 = tpu.memref_slice %arg11[%add3A_5, %dma_start3A] : memref<10240x128xf32, #tpu.memory_space<vmem_shared>> -> memref<128x128xf32, #tpu.memory_space<vmem_shared>>
      %dma_start3A_83 = arith.constant 0 : i32
      %dma_start3A_84 = tpu.memref_slice %arg11[%add3A_5, %dma_start3A_83] : memref<10240x128xf32, #tpu.memory_space<vmem_shared>> -> memref<128x128xf32, #tpu.memory_space<vmem_shared>>
      tpu.enqueue_dma source(%arg9 : memref<128x128xf32, #tpu.memory_space<vmem>>) target(%dma_start3A_84 : memref<128x128xf32, #tpu.memory_space<vmem_shared>>) target_semaphore(%run_scoped3A : memref<!tpu.dma_semaphore, #tpu.memory_space<semaphore_mem>>)
      %dma_wait3A = arith.constant 0 : i32
      %dma_wait3A_85 = tpu.memref_slice %arg11[%add3A_5, %dma_wait3A] : memref<10240x128xf32, #tpu.memory_space<vmem_shared>> -> memref<128x128xf32, #tpu.memory_space<vmem_shared>>
      %dma_wait3A_86 = arith.constant 0 : i32
      %dma_wait3A_87 = tpu.memref_slice %arg11[%add3A_5, %dma_wait3A_86] : memref<10240x128xf32, #tpu.memory_space<vmem_shared>> -> memref<128x128xf32, #tpu.memory_space<vmem_shared>>
      tpu.wait_dma2 semaphore(%run_scoped3A : memref<!tpu.dma_semaphore, #tpu.memory_space<semaphore_mem>>) src(%arg9 : memref<128x128xf32, #tpu.memory_space<vmem>>) dst(%dma_wait3A_87 : memref<128x128xf32, #tpu.memory_space<vmem_shared>>)
      tpu.yield
    }) : () -> ()
    %mul3A_6 = arith.constant 640 : i32
    %mul3A_7 = arith.muli %arg1, %mul3A_6 : i32
    %add3A_8 = arith.constant 256 : i32
    %add3A_9 = arith.addi %mul3A_7, %add3A_8 : i32
    "tpu.region"() ({
      %run_scoped3A = tpu.sem_alloc : memref<!tpu.dma_semaphore, #tpu.memory_space<semaphore_mem>>
      %dma_start3A = arith.constant 0 : i32
      %dma_start3A_82 = tpu.memref_slice %arg11[%add3A_9, %dma_start3A] : memref<10240x128xf32, #tpu.memory_space<vmem_shared>> -> memref<128x128xf32, #tpu.memory_space<vmem_shared>>
      %dma_start3A_83 = arith.constant 0 : i32
      %dma_start3A_84 = tpu.memref_slice %arg11[%add3A_9, %dma_start3A_83] : memref<10240x128xf32, #tpu.memory_space<vmem_shared>> -> memref<128x128xf32, #tpu.memory_space<vmem_shared>>
      tpu.enqueue_dma source(%arg9 : memref<128x128xf32, #tpu.memory_space<vmem>>) target(%dma_start3A_84 : memref<128x128xf32, #tpu.memory_space<vmem_shared>>) target_semaphore(%run_scoped3A : memref<!tpu.dma_semaphore, #tpu.memory_space<semaphore_mem>>)
      %dma_wait3A = arith.constant 0 : i32
      %dma_wait3A_85 = tpu.memref_slice %arg11[%add3A_9, %dma_wait3A] : memref<10240x128xf32, #tpu.memory_space<vmem_shared>> -> memref<128x128xf32, #tpu.memory_space<vmem_shared>>
      %dma_wait3A_86 = arith.constant 0 : i32
      %dma_wait3A_87 = tpu.memref_slice %arg11[%add3A_9, %dma_wait3A_86] : memref<10240x128xf32, #tpu.memory_space<vmem_shared>> -> memref<128x128xf32, #tpu.memory_space<vmem_shared>>
      tpu.wait_dma2 semaphore(%run_scoped3A : memref<!tpu.dma_semaphore, #tpu.memory_space<semaphore_mem>>) src(%arg9 : memref<128x128xf32, #tpu.memory_space<vmem>>) dst(%dma_wait3A_87 : memref<128x128xf32, #tpu.memory_space<vmem_shared>>)
      tpu.yield
    }) : () -> ()
    %mul3A_10 = arith.constant 640 : i32
    %mul3A_11 = arith.muli %arg1, %mul3A_10 : i32
    %add3A_12 = arith.constant 384 : i32
    %add3A_13 = arith.addi %mul3A_11, %add3A_12 : i32
    "tpu.region"() ({
      %run_scoped3A = tpu.sem_alloc : memref<!tpu.dma_semaphore, #tpu.memory_space<semaphore_mem>>
      %dma_start3A = arith.constant 0 : i32
      %dma_start3A_82 = tpu.memref_slice %arg11[%add3A_13, %dma_start3A] : memref<10240x128xf32, #tpu.memory_space<vmem_shared>> -> memref<128x128xf32, #tpu.memory_space<vmem_shared>>
      %dma_start3A_83 = arith.constant 0 : i32
      %dma_start3A_84 = tpu.memref_slice %arg11[%add3A_13, %dma_start3A_83] : memref<10240x128xf32, #tpu.memory_space<vmem_shared>> -> memref<128x128xf32, #tpu.memory_space<vmem_shared>>
      tpu.enqueue_dma source(%arg9 : memref<128x128xf32, #tpu.memory_space<vmem>>) target(%dma_start3A_84 : memref<128x128xf32, #tpu.memory_space<vmem_shared>>) target_semaphore(%run_scoped3A : memref<!tpu.dma_semaphore, #tpu.memory_space<semaphore_mem>>)
      %dma_wait3A = arith.constant 0 : i32
      %dma_wait3A_85 = tpu.memref_slice %arg11[%add3A_13, %dma_wait3A] : memref<10240x128xf32, #tpu.memory_space<vmem_shared>> -> memref<128x128xf32, #tpu.memory_space<vmem_shared>>
      %dma_wait3A_86 = arith.constant 0 : i32
      %dma_wait3A_87 = tpu.memref_slice %arg11[%add3A_13, %dma_wait3A_86] : memref<10240x128xf32, #tpu.memory_space<vmem_shared>> -> memref<128x128xf32, #tpu.memory_space<vmem_shared>>
      tpu.wait_dma2 semaphore(%run_scoped3A : memref<!tpu.dma_semaphore, #tpu.memory_space<semaphore_mem>>) src(%arg9 : memref<128x128xf32, #tpu.memory_space<vmem>>) dst(%dma_wait3A_87 : memref<128x128xf32, #tpu.memory_space<vmem_shared>>)
      tpu.yield
    }) : () -> ()
    %mul3A_14 = arith.constant 640 : i32
    %mul3A_15 = arith.muli %arg1, %mul3A_14 : i32
    %add3A_16 = arith.constant 512 : i32
    %add3A_17 = arith.addi %mul3A_15, %add3A_16 : i32
    "tpu.region"() ({
      %run_scoped3A = tpu.sem_alloc : memref<!tpu.dma_semaphore, #tpu.memory_space<semaphore_mem>>
      %dma_start3A = arith.constant 0 : i32
      %dma_start3A_82 = tpu.memref_slice %arg11[%add3A_17, %dma_start3A] : memref<10240x128xf32, #tpu.memory_space<vmem_shared>> -> memref<128x128xf32, #tpu.memory_space<vmem_shared>>
      %dma_start3A_83 = arith.constant 0 : i32
      %dma_start3A_84 = tpu.memref_slice %arg11[%add3A_17, %dma_start3A_83] : memref<10240x128xf32, #tpu.memory_space<vmem_shared>> -> memref<128x128xf32, #tpu.memory_space<vmem_shared>>
      tpu.enqueue_dma source(%arg9 : memref<128x128xf32, #tpu.memory_space<vmem>>) target(%dma_start3A_84 : memref<128x128xf32, #tpu.memory_space<vmem_shared>>) target_semaphore(%run_scoped3A : memref<!tpu.dma_semaphore, #tpu.memory_space<semaphore_mem>>)
      %dma_wait3A = arith.constant 0 : i32
      %dma_wait3A_85 = tpu.memref_slice %arg11[%add3A_17, %dma_wait3A] : memref<10240x128xf32, #tpu.memory_space<vmem_shared>> -> memref<128x128xf32, #tpu.memory_space<vmem_shared>>
      %dma_wait3A_86 = arith.constant 0 : i32
      %dma_wait3A_87 = tpu.memref_slice %arg11[%add3A_17, %dma_wait3A_86] : memref<10240x128xf32, #tpu.memory_space<vmem_shared>> -> memref<128x128xf32, #tpu.memory_space<vmem_shared>>
      tpu.wait_dma2 semaphore(%run_scoped3A : memref<!tpu.dma_semaphore, #tpu.memory_space<semaphore_mem>>) src(%arg9 : memref<128x128xf32, #tpu.memory_space<vmem>>) dst(%dma_wait3A_87 : memref<128x128xf32, #tpu.memory_space<vmem_shared>>)
      tpu.yield
    }) : () -> ()
    %mul3A_18 = arith.constant 16 : i32
    %mul3A_19 = arith.muli %arg0, %mul3A_18 : i32
    %add3A_20 = arith.addi %mul3A_19, %arg1 : i32
    "tpu.region"() ({
      %run_scoped3A = tpu.sem_alloc : memref<!tpu.dma_semaphore, #tpu.memory_space<semaphore_mem>>
      %dma_start3A = arith.constant 0 : i32
      %dma_start3A_82 = tpu.memref_slice %arg3[%add3A_20, %dma_start3A] : memref<32x10496xi32, #tpu.memory_space<hbm>> -> memref<1x10496xi32, #tpu.memory_space<hbm>>
      %dma_start3A_83 = tpu.memref_squeeze %dma_start3A_82 : memref<1x10496xi32, #tpu.memory_space<hbm>> -> memref<10496xi32, #tpu.memory_space<hbm>>
      %dma_start3A_84 = arith.constant 0 : i32
      %dma_start3A_85 = tpu.memref_slice %arg3[%add3A_20, %dma_start3A_84] : memref<32x10496xi32, #tpu.memory_space<hbm>> -> memref<1x10496xi32, #tpu.memory_space<hbm>>
      %dma_start3A_86 = tpu.memref_squeeze %dma_start3A_85 : memref<1x10496xi32, #tpu.memory_space<hbm>> -> memref<10496xi32, #tpu.memory_space<hbm>>
      tpu.enqueue_dma source(%dma_start3A_86 : memref<10496xi32, #tpu.memory_space<hbm>>) target(%arg7 : memref<10496xi32, #tpu.memory_space<vmem>>) target_semaphore(%run_scoped3A : memref<!tpu.dma_semaphore, #tpu.memory_space<semaphore_mem>>)
      %dma_wait3A = arith.constant 0 : i32
      %dma_wait3A_87 = tpu.memref_slice %arg3[%add3A_20, %dma_wait3A] : memref<32x10496xi32, #tpu.memory_space<hbm>> -> memref<1x10496xi32, #tpu.memory_space<hbm>>
      %dma_wait3A_88 = tpu.memref_squeeze %dma_wait3A_87 : memref<1x10496xi32, #tpu.memory_space<hbm>> -> memref<10496xi32, #tpu.memory_space<hbm>>
      %dma_wait3A_89 = arith.constant 0 : i32
      %dma_wait3A_90 = tpu.memref_slice %arg3[%add3A_20, %dma_wait3A_89] : memref<32x10496xi32, #tpu.memory_space<hbm>> -> memref<1x10496xi32, #tpu.memory_space<hbm>>
      %dma_wait3A_91 = tpu.memref_squeeze %dma_wait3A_90 : memref<1x10496xi32, #tpu.memory_space<hbm>> -> memref<10496xi32, #tpu.memory_space<hbm>>
      tpu.wait_dma2 semaphore(%run_scoped3A : memref<!tpu.dma_semaphore, #tpu.memory_space<semaphore_mem>>) src(%dma_wait3A_91 : memref<10496xi32, #tpu.memory_space<hbm>>) dst(%arg7 : memref<10496xi32, #tpu.memory_space<vmem>>)
      tpu.yield
    }) : () -> ()
    %barrier3A = arith.constant 0 : index
    tpu.barrier barrier_id(%barrier3A)
    %scan3A = arith.constant 0 : i32
    %scan3A_21 = arith.constant 0 : i32
    %scan3A_22 = arith.constant 40 : i32
    %scan3A_23 = arith.addi %scan3A_21, %scan3A_22 : i32
    %scan3A_24 = arith.constant 1 : i32
    scf.for %scan3A_82 = %scan3A_21 to %scan3A_23 step %scan3A_24  : i32 {
      %mul3A_83 = arith.constant 2 : i32
      %mul3A_84 = arith.muli %scan3A_82, %mul3A_83 : i32
      %add3A_85 = arith.constant 0 : i32
      %add3A_86 = arith.addi %mul3A_84, %add3A_85 : i32
      %mul3A_87 = arith.constant 128 : i32
      %mul3A_88 = arith.muli %add3A_86, %mul3A_87 : i32
      %dma_start3A = tpu.memref_slice %arg7[%mul3A_88] : memref<10496xi32, #tpu.memory_space<vmem>> -> memref<128xi32, #tpu.memory_space<vmem>>
      %dma_start3A_89 = arith.constant 0 : i32
      %dma_start3A_90 = arith.constant 0 : i32
      %dma_start3A_91 = tpu.memref_slice %arg2[%dma_start3A_89, %dma_start3A_90] : memref<20480x128xf32, #tpu.memory_space<hbm>> -> memref<20480x128xf32, #tpu.memory_space<hbm>>
      tpu.enqueue_indirect_dma source(%dma_start3A_91 : memref<20480x128xf32, #tpu.memory_space<hbm>>) target(%arg9 : memref<128x128xf32, #tpu.memory_space<vmem>>) offsets(%dma_start3A : memref<128xi32, #tpu.memory_space<vmem>>) semaphore(%arg12 : memref<!tpu.dma_semaphore, #tpu.memory_space<semaphore_mem>>)
      %mul3A_92 = arith.constant 2 : i32
      %mul3A_93 = arith.muli %scan3A_82, %mul3A_92 : i32
      %add3A_94 = arith.constant 1 : i32
      %add3A_95 = arith.addi %mul3A_93, %add3A_94 : i32
      %mul3A_96 = arith.constant 128 : i32
      %mul3A_97 = arith.muli %add3A_95, %mul3A_96 : i32
      %dma_start3A_98 = tpu.memref_slice %arg7[%mul3A_97] : memref<10496xi32, #tpu.memory_space<vmem>> -> memref<128xi32, #tpu.memory_space<vmem>>
      %dma_start3A_99 = arith.constant 0 : i32
      %dma_start3A_100 = arith.constant 0 : i32
      %dma_start3A_101 = tpu.memref_slice %arg2[%dma_start3A_99, %dma_start3A_100] : memref<20480x128xf32, #tpu.memory_space<hbm>> -> memref<20480x128xf32, #tpu.memory_space<hbm>>
      tpu.enqueue_indirect_dma source(%dma_start3A_101 : memref<20480x128xf32, #tpu.memory_space<hbm>>) target(%arg10 : memref<128x128xf32, #tpu.memory_space<vmem>>) offsets(%dma_start3A_98 : memref<128xi32, #tpu.memory_space<vmem>>) semaphore(%arg13 : memref<!tpu.dma_semaphore, #tpu.memory_space<semaphore_mem>>)
      "tpu.region"() ({
        %run_scoped3A = tpu.sem_alloc : memref<!tpu.dma_semaphore, #tpu.memory_space<semaphore_mem>>
        %dma_start3A_137 = arith.constant 0 : i32
        %dma_start3A_138 = arith.constant 0 : i32
        %dma_start3A_139 = tpu.memref_slice %arg4[%arg1, %scan3A_82, %dma_start3A_137, %dma_start3A_138] : memref<16x40x2x128xi32, #tpu.memory_space<hbm>> -> memref<1x1x2x128xi32, #tpu.memory_space<hbm>>
        %dma_start3A_140 = tpu.memref_squeeze %dma_start3A_139 : memref<1x1x2x128xi32, #tpu.memory_space<hbm>> -> memref<2x128xi32, #tpu.memory_space<hbm>>
        %dma_start3A_141 = arith.constant 0 : i32
        %dma_start3A_142 = arith.constant 0 : i32
        %dma_start3A_143 = tpu.memref_slice %arg4[%arg1, %scan3A_82, %dma_start3A_141, %dma_start3A_142] : memref<16x40x2x128xi32, #tpu.memory_space<hbm>> -> memref<1x1x2x128xi32, #tpu.memory_space<hbm>>
        %dma_start3A_144 = tpu.memref_squeeze %dma_start3A_143 : memref<1x1x2x128xi32, #tpu.memory_space<hbm>> -> memref<2x128xi32, #tpu.memory_space<hbm>>
        tpu.enqueue_dma source(%dma_start3A_144 : memref<2x128xi32, #tpu.memory_space<hbm>>) target(%arg8 : memref<2x128xi32, #tpu.memory_space<vmem>>) target_semaphore(%run_scoped3A : memref<!tpu.dma_semaphore, #tpu.memory_space<semaphore_mem>>)
        %dma_wait3A_145 = arith.constant 0 : i32
        %dma_wait3A_146 = arith.constant 0 : i32
        %dma_wait3A_147 = tpu.memref_slice %arg4[%arg1, %scan3A_82, %dma_wait3A_145, %dma_wait3A_146] : memref<16x40x2x128xi32, #tpu.memory_space<hbm>> -> memref<1x1x2x128xi32, #tpu.memory_space<hbm>>
        %dma_wait3A_148 = tpu.memref_squeeze %dma_wait3A_147 : memref<1x1x2x128xi32, #tpu.memory_space<hbm>> -> memref<2x128xi32, #tpu.memory_space<hbm>>
        %dma_wait3A_149 = arith.constant 0 : i32
        %dma_wait3A_150 = arith.constant 0 : i32
        %dma_wait3A_151 = tpu.memref_slice %arg4[%arg1, %scan3A_82, %dma_wait3A_149, %dma_wait3A_150] : memref<16x40x2x128xi32, #tpu.memory_space<hbm>> -> memref<1x1x2x128xi32, #tpu.memory_space<hbm>>
        %dma_wait3A_152 = tpu.memref_squeeze %dma_wait3A_151 : memref<1x1x2x128xi32, #tpu.memory_space<hbm>> -> memref<2x128xi32, #tpu.memory_space<hbm>>
        tpu.wait_dma2 semaphore(%run_scoped3A : memref<!tpu.dma_semaphore, #tpu.memory_space<semaphore_mem>>) src(%dma_wait3A_152 : memref<2x128xi32, #tpu.memory_space<hbm>>) dst(%arg8 : memref<2x128xi32, #tpu.memory_space<vmem>>)
        tpu.yield
      }) : () -> ()
      %dma_wait3A = tpu.memref_slice %arg7[%mul3A_88] : memref<10496xi32, #tpu.memory_space<vmem>> -> memref<128xi32, #tpu.memory_space<vmem>>
      %dma_wait3A_102 = arith.constant 0 : i32
      %dma_wait3A_103 = arith.constant 0 : i32
      %dma_wait3A_104 = tpu.memref_slice %arg2[%dma_wait3A_102, %dma_wait3A_103] : memref<20480x128xf32, #tpu.memory_space<hbm>> -> memref<20480x128xf32, #tpu.memory_space<hbm>>
      tpu.wait_indirect_dma semaphore(%arg12 : memref<!tpu.dma_semaphore, #tpu.memory_space<semaphore_mem>>) src(%dma_wait3A_104 : memref<20480x128xf32, #tpu.memory_space<hbm>>) dst(%arg9 : memref<128x128xf32, #tpu.memory_space<vmem>>)
      %dma_start3A_105 = arith.constant 0 : i32
      %dma_start3A_106 = arith.constant 0 : i32
      %dma_start3A_107 = tpu.memref_slice %arg8[%dma_start3A_105, %dma_start3A_106] : memref<2x128xi32, #tpu.memory_space<vmem>> -> memref<1x128xi32, #tpu.memory_space<vmem>>
      %dma_start3A_108 = tpu.memref_squeeze %dma_start3A_107 : memref<1x128xi32, #tpu.memory_space<vmem>> -> memref<128xi32, #tpu.memory_space<vmem>>
      %dma_start3A_109 = arith.constant 0 : i32
      %dma_start3A_110 = arith.constant 0 : i32
      %dma_start3A_111 = tpu.memref_slice %arg11[%dma_start3A_109, %dma_start3A_110] : memref<10240x128xf32, #tpu.memory_space<vmem_shared>> -> memref<10240x128xf32, #tpu.memory_space<vmem_shared>>
      tpu.enqueue_indirect_dma source(%arg9 : memref<128x128xf32, #tpu.memory_space<vmem>>) target(%dma_start3A_111 : memref<10240x128xf32, #tpu.memory_space<vmem_shared>>) offsets(%dma_start3A_108 : memref<128xi32, #tpu.memory_space<vmem>>) semaphore(%arg14 : memref<!tpu.dma_semaphore, #tpu.memory_space<semaphore_mem>>) {add = true}
      %dma_wait3A_112 = tpu.memref_slice %arg7[%mul3A_97] : memref<10496xi32, #tpu.memory_space<vmem>> -> memref<128xi32, #tpu.memory_space<vmem>>
      %dma_wait3A_113 = arith.constant 0 : i32
      %dma_wait3A_114 = arith.constant 0 : i32
      %dma_wait3A_115 = tpu.memref_slice %arg2[%dma_wait3A_113, %dma_wait3A_114] : memref<20480x128xf32, #tpu.memory_space<hbm>> -> memref<20480x128xf32, #tpu.memory_space<hbm>>
      tpu.wait_indirect_dma semaphore(%arg13 : memref<!tpu.dma_semaphore, #tpu.memory_space<semaphore_mem>>) src(%dma_wait3A_115 : memref<20480x128xf32, #tpu.memory_space<hbm>>) dst(%arg10 : memref<128x128xf32, #tpu.memory_space<vmem>>)
      %dma_start3A_116 = arith.constant 1 : i32
      %dma_start3A_117 = arith.constant 0 : i32
      %dma_start3A_118 = tpu.memref_slice %arg8[%dma_start3A_116, %dma_start3A_117] : memref<2x128xi32, #tpu.memory_space<vmem>> -> memref<1x128xi32, #tpu.memory_space<vmem>>
      %dma_start3A_119 = tpu.memref_squeeze %dma_start3A_118 : memref<1x128xi32, #tpu.memory_space<vmem>> -> memref<128xi32, #tpu.memory_space<vmem>>
      %dma_start3A_120 = arith.constant 0 : i32
      %dma_start3A_121 = arith.constant 0 : i32
      %dma_start3A_122 = tpu.memref_slice %arg11[%dma_start3A_120, %dma_start3A_121] : memref<10240x128xf32, #tpu.memory_space<vmem_shared>> -> memref<10240x128xf32, #tpu.memory_space<vmem_shared>>
      tpu.enqueue_indirect_dma source(%arg10 : memref<128x128xf32, #tpu.memory_space<vmem>>) target(%dma_start3A_122 : memref<10240x128xf32, #tpu.memory_space<vmem_shared>>) offsets(%dma_start3A_119 : memref<128xi32, #tpu.memory_space<vmem>>) semaphore(%arg15 : memref<!tpu.dma_semaphore, #tpu.memory_space<semaphore_mem>>) {add = true}
      %dma_wait3A_123 = arith.constant 0 : i32
      %dma_wait3A_124 = arith.constant 0 : i32
      %dma_wait3A_125 = tpu.memref_slice %arg8[%dma_wait3A_123, %dma_wait3A_124] : memref<2x128xi32, #tpu.memory_space<vmem>> -> memref<1x128xi32, #tpu.memory_space<vmem>>
      %dma_wait3A_126 = tpu.memref_squeeze %dma_wait3A_125 : memref<1x128xi32, #tpu.memory_space<vmem>> -> memref<128xi32, #tpu.memory_space<vmem>>
      %dma_wait3A_127 = arith.constant 0 : i32
      %dma_wait3A_128 = arith.constant 0 : i32
      %dma_wait3A_129 = tpu.memref_slice %arg11[%dma_wait3A_127, %dma_wait3A_128] : memref<10240x128xf32, #tpu.memory_space<vmem_shared>> -> memref<10240x128xf32, #tpu.memory_space<vmem_shared>>
      tpu.wait_indirect_dma semaphore(%arg14 : memref<!tpu.dma_semaphore, #tpu.memory_space<semaphore_mem>>) src(%arg9 : memref<128x128xf32, #tpu.memory_space<vmem>>) dst(%dma_wait3A_129 : memref<10240x128xf32, #tpu.memory_space<vmem_shared>>)
      %dma_wait3A_130 = arith.constant 1 : i32
      %dma_wait3A_131 = arith.constant 0 : i32
      %dma_wait3A_132 = tpu.memref_slice %arg8[%dma_wait3A_130, %dma_wait3A_131] : memref<2x128xi32, #tpu.memory_space<vmem>> -> memref<1x128xi32, #tpu.memory_space<vmem>>
      %dma_wait3A_133 = tpu.memref_squeeze %dma_wait3A_132 : memref<1x128xi32, #tpu.memory_space<vmem>> -> memref<128xi32, #tpu.memory_space<vmem>>
      %dma_wait3A_134 = arith.constant 0 : i32
      %dma_wait3A_135 = arith.constant 0 : i32
      %dma_wait3A_136 = tpu.memref_slice %arg11[%dma_wait3A_134, %dma_wait3A_135] : memref<10240x128xf32, #tpu.memory_space<vmem_shared>> -> memref<10240x128xf32, #tpu.memory_space<vmem_shared>>
      tpu.wait_indirect_dma semaphore(%arg15 : memref<!tpu.dma_semaphore, #tpu.memory_space<semaphore_mem>>) src(%arg10 : memref<128x128xf32, #tpu.memory_space<vmem>>) dst(%dma_wait3A_136 : memref<10240x128xf32, #tpu.memory_space<vmem_shared>>)
    }
    %scan3A_25 = arith.constant 40 : i32
    %barrier3A_26 = arith.constant 0 : index
    tpu.barrier barrier_id(%barrier3A_26)
    %mul3A_27 = arith.constant 640 : i32
    %mul3A_28 = arith.muli %arg1, %mul3A_27 : i32
    %add3A_29 = arith.constant 0 : i32
    %add3A_30 = arith.addi %mul3A_28, %add3A_29 : i32
    "tpu.region"() ({
      %run_scoped3A = tpu.sem_alloc : memref<!tpu.dma_semaphore, #tpu.memory_space<semaphore_mem>>
      %dma_start3A = arith.constant 0 : i32
      %dma_start3A_82 = tpu.memref_slice %arg11[%add3A_30, %dma_start3A] : memref<10240x128xf32, #tpu.memory_space<vmem_shared>> -> memref<128x128xf32, #tpu.memory_space<vmem_shared>>
      %dma_start3A_83 = arith.constant 0 : i32
      %dma_start3A_84 = tpu.memref_slice %arg11[%add3A_30, %dma_start3A_83] : memref<10240x128xf32, #tpu.memory_space<vmem_shared>> -> memref<128x128xf32, #tpu.memory_space<vmem_shared>>
      tpu.enqueue_dma source(%dma_start3A_84 : memref<128x128xf32, #tpu.memory_space<vmem_shared>>) target(%arg9 : memref<128x128xf32, #tpu.memory_space<vmem>>) target_semaphore(%run_scoped3A : memref<!tpu.dma_semaphore, #tpu.memory_space<semaphore_mem>>)
      %dma_wait3A = arith.constant 0 : i32
      %dma_wait3A_85 = tpu.memref_slice %arg11[%add3A_30, %dma_wait3A] : memref<10240x128xf32, #tpu.memory_space<vmem_shared>> -> memref<128x128xf32, #tpu.memory_space<vmem_shared>>
      %dma_wait3A_86 = arith.constant 0 : i32
      %dma_wait3A_87 = tpu.memref_slice %arg11[%add3A_30, %dma_wait3A_86] : memref<10240x128xf32, #tpu.memory_space<vmem_shared>> -> memref<128x128xf32, #tpu.memory_space<vmem_shared>>
      tpu.wait_dma2 semaphore(%run_scoped3A : memref<!tpu.dma_semaphore, #tpu.memory_space<semaphore_mem>>) src(%dma_wait3A_87 : memref<128x128xf32, #tpu.memory_space<vmem_shared>>) dst(%arg9 : memref<128x128xf32, #tpu.memory_space<vmem>>)
      tpu.yield
    }) : () -> ()
    %mul3A_31 = arith.constant 10240 : i32
    %mul3A_32 = arith.muli %arg0, %mul3A_31 : i32
    %mul3A_33 = arith.constant 640 : i32
    %mul3A_34 = arith.muli %arg1, %mul3A_33 : i32
    %add3A_35 = arith.addi %mul3A_32, %mul3A_34 : i32
    %add3A_36 = arith.constant 0 : i32
    %add3A_37 = arith.addi %add3A_35, %add3A_36 : i32
    "tpu.region"() ({
      %run_scoped3A = tpu.sem_alloc : memref<!tpu.dma_semaphore, #tpu.memory_space<semaphore_mem>>
      %dma_start3A = arith.constant 0 : i32
      %dma_start3A_82 = tpu.memref_slice %arg6[%add3A_37, %dma_start3A] : memref<20480x128xf32, #tpu.memory_space<hbm>> -> memref<128x128xf32, #tpu.memory_space<hbm>>
      %dma_start3A_83 = arith.constant 0 : i32
      %dma_start3A_84 = tpu.memref_slice %arg6[%add3A_37, %dma_start3A_83] : memref<20480x128xf32, #tpu.memory_space<hbm>> -> memref<128x128xf32, #tpu.memory_space<hbm>>
      tpu.enqueue_dma source(%arg9 : memref<128x128xf32, #tpu.memory_space<vmem>>) target(%dma_start3A_84 : memref<128x128xf32, #tpu.memory_space<hbm>>) target_semaphore(%run_scoped3A : memref<!tpu.dma_semaphore, #tpu.memory_space<semaphore_mem>>)
      %dma_wait3A = arith.constant 0 : i32
      %dma_wait3A_85 = tpu.memref_slice %arg6[%add3A_37, %dma_wait3A] : memref<20480x128xf32, #tpu.memory_space<hbm>> -> memref<128x128xf32, #tpu.memory_space<hbm>>
      %dma_wait3A_86 = arith.constant 0 : i32
      %dma_wait3A_87 = tpu.memref_slice %arg6[%add3A_37, %dma_wait3A_86] : memref<20480x128xf32, #tpu.memory_space<hbm>> -> memref<128x128xf32, #tpu.memory_space<hbm>>
      tpu.wait_dma2 semaphore(%run_scoped3A : memref<!tpu.dma_semaphore, #tpu.memory_space<semaphore_mem>>) src(%arg9 : memref<128x128xf32, #tpu.memory_space<vmem>>) dst(%dma_wait3A_87 : memref<128x128xf32, #tpu.memory_space<hbm>>)
      tpu.yield
    }) : () -> ()
    %mul3A_38 = arith.constant 640 : i32
    %mul3A_39 = arith.muli %arg1, %mul3A_38 : i32
    %add3A_40 = arith.constant 128 : i32
    %add3A_41 = arith.addi %mul3A_39, %add3A_40 : i32
    "tpu.region"() ({
      %run_scoped3A = tpu.sem_alloc : memref<!tpu.dma_semaphore, #tpu.memory_space<semaphore_mem>>
      %dma_start3A = arith.constant 0 : i32
      %dma_start3A_82 = tpu.memref_slice %arg11[%add3A_41, %dma_start3A] : memref<10240x128xf32, #tpu.memory_space<vmem_shared>> -> memref<128x128xf32, #tpu.memory_space<vmem_shared>>
      %dma_start3A_83 = arith.constant 0 : i32
      %dma_start3A_84 = tpu.memref_slice %arg11[%add3A_41, %dma_start3A_83] : memref<10240x128xf32, #tpu.memory_space<vmem_shared>> -> memref<128x128xf32, #tpu.memory_space<vmem_shared>>
      tpu.enqueue_dma source(%dma_start3A_84 : memref<128x128xf32, #tpu.memory_space<vmem_shared>>) target(%arg9 : memref<128x128xf32, #tpu.memory_space<vmem>>) target_semaphore(%run_scoped3A : memref<!tpu.dma_semaphore, #tpu.memory_space<semaphore_mem>>)
      %dma_wait3A = arith.constant 0 : i32
      %dma_wait3A_85 = tpu.memref_slice %arg11[%add3A_41, %dma_wait3A] : memref<10240x128xf32, #tpu.memory_space<vmem_shared>> -> memref<128x128xf32, #tpu.memory_space<vmem_shared>>
      %dma_wait3A_86 = arith.constant 0 : i32
      %dma_wait3A_87 = tpu.memref_slice %arg11[%add3A_41, %dma_wait3A_86] : memref<10240x128xf32, #tpu.memory_space<vmem_shared>> -> memref<128x128xf32, #tpu.memory_space<vmem_shared>>
      tpu.wait_dma2 semaphore(%run_scoped3A : memref<!tpu.dma_semaphore, #tpu.memory_space<semaphore_mem>>) src(%dma_wait3A_87 : memref<128x128xf32, #tpu.memory_space<vmem_shared>>) dst(%arg9 : memref<128x128xf32, #tpu.memory_space<vmem>>)
      tpu.yield
    }) : () -> ()
    %mul3A_42 = arith.constant 10240 : i32
    %mul3A_43 = arith.muli %arg0, %mul3A_42 : i32
    %mul3A_44 = arith.constant 640 : i32
    %mul3A_45 = arith.muli %arg1, %mul3A_44 : i32
    %add3A_46 = arith.addi %mul3A_43, %mul3A_45 : i32
    %add3A_47 = arith.constant 128 : i32
    %add3A_48 = arith.addi %add3A_46, %add3A_47 : i32
    "tpu.region"() ({
      %run_scoped3A = tpu.sem_alloc : memref<!tpu.dma_semaphore, #tpu.memory_space<semaphore_mem>>
      %dma_start3A = arith.constant 0 : i32
      %dma_start3A_82 = tpu.memref_slice %arg6[%add3A_48, %dma_start3A] : memref<20480x128xf32, #tpu.memory_space<hbm>> -> memref<128x128xf32, #tpu.memory_space<hbm>>
      %dma_start3A_83 = arith.constant 0 : i32
      %dma_start3A_84 = tpu.memref_slice %arg6[%add3A_48, %dma_start3A_83] : memref<20480x128xf32, #tpu.memory_space<hbm>> -> memref<128x128xf32, #tpu.memory_space<hbm>>
      tpu.enqueue_dma source(%arg9 : memref<128x128xf32, #tpu.memory_space<vmem>>) target(%dma_start3A_84 : memref<128x128xf32, #tpu.memory_space<hbm>>) target_semaphore(%run_scoped3A : memref<!tpu.dma_semaphore, #tpu.memory_space<semaphore_mem>>)
      %dma_wait3A = arith.constant 0 : i32
      %dma_wait3A_85 = tpu.memref_slice %arg6[%add3A_48, %dma_wait3A] : memref<20480x128xf32, #tpu.memory_space<hbm>> -> memref<128x128xf32, #tpu.memory_space<hbm>>
      %dma_wait3A_86 = arith.constant 0 : i32
      %dma_wait3A_87 = tpu.memref_slice %arg6[%add3A_48, %dma_wait3A_86] : memref<20480x128xf32, #tpu.memory_space<hbm>> -> memref<128x128xf32, #tpu.memory_space<hbm>>
      tpu.wait_dma2 semaphore(%run_scoped3A : memref<!tpu.dma_semaphore, #tpu.memory_space<semaphore_mem>>) src(%arg9 : memref<128x128xf32, #tpu.memory_space<vmem>>) dst(%dma_wait3A_87 : memref<128x128xf32, #tpu.memory_space<hbm>>)
      tpu.yield
    }) : () -> ()
    %mul3A_49 = arith.constant 640 : i32
    %mul3A_50 = arith.muli %arg1, %mul3A_49 : i32
    %add3A_51 = arith.constant 256 : i32
    %add3A_52 = arith.addi %mul3A_50, %add3A_51 : i32
    "tpu.region"() ({
      %run_scoped3A = tpu.sem_alloc : memref<!tpu.dma_semaphore, #tpu.memory_space<semaphore_mem>>
      %dma_start3A = arith.constant 0 : i32
      %dma_start3A_82 = tpu.memref_slice %arg11[%add3A_52, %dma_start3A] : memref<10240x128xf32, #tpu.memory_space<vmem_shared>> -> memref<128x128xf32, #tpu.memory_space<vmem_shared>>
      %dma_start3A_83 = arith.constant 0 : i32
      %dma_start3A_84 = tpu.memref_slice %arg11[%add3A_52, %dma_start3A_83] : memref<10240x128xf32, #tpu.memory_space<vmem_shared>> -> memref<128x128xf32, #tpu.memory_space<vmem_shared>>
      tpu.enqueue_dma source(%dma_start3A_84 : memref<128x128xf32, #tpu.memory_space<vmem_shared>>) target(%arg9 : memref<128x128xf32, #tpu.memory_space<vmem>>) target_semaphore(%run_scoped3A : memref<!tpu.dma_semaphore, #tpu.memory_space<semaphore_mem>>)
      %dma_wait3A = arith.constant 0 : i32
      %dma_wait3A_85 = tpu.memref_slice %arg11[%add3A_52, %dma_wait3A] : memref<10240x128xf32, #tpu.memory_space<vmem_shared>> -> memref<128x128xf32, #tpu.memory_space<vmem_shared>>
      %dma_wait3A_86 = arith.constant 0 : i32
      %dma_wait3A_87 = tpu.memref_slice %arg11[%add3A_52, %dma_wait3A_86] : memref<10240x128xf32, #tpu.memory_space<vmem_shared>> -> memref<128x128xf32, #tpu.memory_space<vmem_shared>>
      tpu.wait_dma2 semaphore(%run_scoped3A : memref<!tpu.dma_semaphore, #tpu.memory_space<semaphore_mem>>) src(%dma_wait3A_87 : memref<128x128xf32, #tpu.memory_space<vmem_shared>>) dst(%arg9 : memref<128x128xf32, #tpu.memory_space<vmem>>)
      tpu.yield
    }) : () -> ()
    %mul3A_53 = arith.constant 10240 : i32
    %mul3A_54 = arith.muli %arg0, %mul3A_53 : i32
    %mul3A_55 = arith.constant 640 : i32
    %mul3A_56 = arith.muli %arg1, %mul3A_55 : i32
    %add3A_57 = arith.addi %mul3A_54, %mul3A_56 : i32
    %add3A_58 = arith.constant 256 : i32
    %add3A_59 = arith.addi %add3A_57, %add3A_58 : i32
    "tpu.region"() ({
      %run_scoped3A = tpu.sem_alloc : memref<!tpu.dma_semaphore, #tpu.memory_space<semaphore_mem>>
      %dma_start3A = arith.constant 0 : i32
      %dma_start3A_82 = tpu.memref_slice %arg6[%add3A_59, %dma_start3A] : memref<20480x128xf32, #tpu.memory_space<hbm>> -> memref<128x128xf32, #tpu.memory_space<hbm>>
      %dma_start3A_83 = arith.constant 0 : i32
      %dma_start3A_84 = tpu.memref_slice %arg6[%add3A_59, %dma_start3A_83] : memref<20480x128xf32, #tpu.memory_space<hbm>> -> memref<128x128xf32, #tpu.memory_space<hbm>>
      tpu.enqueue_dma source(%arg9 : memref<128x128xf32, #tpu.memory_space<vmem>>) target(%dma_start3A_84 : memref<128x128xf32, #tpu.memory_space<hbm>>) target_semaphore(%run_scoped3A : memref<!tpu.dma_semaphore, #tpu.memory_space<semaphore_mem>>)
      %dma_wait3A = arith.constant 0 : i32
      %dma_wait3A_85 = tpu.memref_slice %arg6[%add3A_59, %dma_wait3A] : memref<20480x128xf32, #tpu.memory_space<hbm>> -> memref<128x128xf32, #tpu.memory_space<hbm>>
      %dma_wait3A_86 = arith.constant 0 : i32
      %dma_wait3A_87 = tpu.memref_slice %arg6[%add3A_59, %dma_wait3A_86] : memref<20480x128xf32, #tpu.memory_space<hbm>> -> memref<128x128xf32, #tpu.memory_space<hbm>>
      tpu.wait_dma2 semaphore(%run_scoped3A : memref<!tpu.dma_semaphore, #tpu.memory_space<semaphore_mem>>) src(%arg9 : memref<128x128xf32, #tpu.memory_space<vmem>>) dst(%dma_wait3A_87 : memref<128x128xf32, #tpu.memory_space<hbm>>)
      tpu.yield
    }) : () -> ()
    %mul3A_60 = arith.constant 640 : i32
    %mul3A_61 = arith.muli %arg1, %mul3A_60 : i32
    %add3A_62 = arith.constant 384 : i32
    %add3A_63 = arith.addi %mul3A_61, %add3A_62 : i32
    "tpu.region"() ({
      %run_scoped3A = tpu.sem_alloc : memref<!tpu.dma_semaphore, #tpu.memory_space<semaphore_mem>>
      %dma_start3A = arith.constant 0 : i32
      %dma_start3A_82 = tpu.memref_slice %arg11[%add3A_63, %dma_start3A] : memref<10240x128xf32, #tpu.memory_space<vmem_shared>> -> memref<128x128xf32, #tpu.memory_space<vmem_shared>>
      %dma_start3A_83 = arith.constant 0 : i32
      %dma_start3A_84 = tpu.memref_slice %arg11[%add3A_63, %dma_start3A_83] : memref<10240x128xf32, #tpu.memory_space<vmem_shared>> -> memref<128x128xf32, #tpu.memory_space<vmem_shared>>
      tpu.enqueue_dma source(%dma_start3A_84 : memref<128x128xf32, #tpu.memory_space<vmem_shared>>) target(%arg9 : memref<128x128xf32, #tpu.memory_space<vmem>>) target_semaphore(%run_scoped3A : memref<!tpu.dma_semaphore, #tpu.memory_space<semaphore_mem>>)
      %dma_wait3A = arith.constant 0 : i32
      %dma_wait3A_85 = tpu.memref_slice %arg11[%add3A_63, %dma_wait3A] : memref<10240x128xf32, #tpu.memory_space<vmem_shared>> -> memref<128x128xf32, #tpu.memory_space<vmem_shared>>
      %dma_wait3A_86 = arith.constant 0 : i32
      %dma_wait3A_87 = tpu.memref_slice %arg11[%add3A_63, %dma_wait3A_86] : memref<10240x128xf32, #tpu.memory_space<vmem_shared>> -> memref<128x128xf32, #tpu.memory_space<vmem_shared>>
      tpu.wait_dma2 semaphore(%run_scoped3A : memref<!tpu.dma_semaphore, #tpu.memory_space<semaphore_mem>>) src(%dma_wait3A_87 : memref<128x128xf32, #tpu.memory_space<vmem_shared>>) dst(%arg9 : memref<128x128xf32, #tpu.memory_space<vmem>>)
      tpu.yield
    }) : () -> ()
    %mul3A_64 = arith.constant 10240 : i32
    %mul3A_65 = arith.muli %arg0, %mul3A_64 : i32
    %mul3A_66 = arith.constant 640 : i32
    %mul3A_67 = arith.muli %arg1, %mul3A_66 : i32
    %add3A_68 = arith.addi %mul3A_65, %mul3A_67 : i32
    %add3A_69 = arith.constant 384 : i32
    %add3A_70 = arith.addi %add3A_68, %add3A_69 : i32
    "tpu.region"() ({
      %run_scoped3A = tpu.sem_alloc : memref<!tpu.dma_semaphore, #tpu.memory_space<semaphore_mem>>
      %dma_start3A = arith.constant 0 : i32
      %dma_start3A_82 = tpu.memref_slice %arg6[%add3A_70, %dma_start3A] : memref<20480x128xf32, #tpu.memory_space<hbm>> -> memref<128x128xf32, #tpu.memory_space<hbm>>
      %dma_start3A_83 = arith.constant 0 : i32
      %dma_start3A_84 = tpu.memref_slice %arg6[%add3A_70, %dma_start3A_83] : memref<20480x128xf32, #tpu.memory_space<hbm>> -> memref<128x128xf32, #tpu.memory_space<hbm>>
      tpu.enqueue_dma source(%arg9 : memref<128x128xf32, #tpu.memory_space<vmem>>) target(%dma_start3A_84 : memref<128x128xf32, #tpu.memory_space<hbm>>) target_semaphore(%run_scoped3A : memref<!tpu.dma_semaphore, #tpu.memory_space<semaphore_mem>>)
      %dma_wait3A = arith.constant 0 : i32
      %dma_wait3A_85 = tpu.memref_slice %arg6[%add3A_70, %dma_wait3A] : memref<20480x128xf32, #tpu.memory_space<hbm>> -> memref<128x128xf32, #tpu.memory_space<hbm>>
      %dma_wait3A_86 = arith.constant 0 : i32
      %dma_wait3A_87 = tpu.memref_slice %arg6[%add3A_70, %dma_wait3A_86] : memref<20480x128xf32, #tpu.memory_space<hbm>> -> memref<128x128xf32, #tpu.memory_space<hbm>>
      tpu.wait_dma2 semaphore(%run_scoped3A : memref<!tpu.dma_semaphore, #tpu.memory_space<semaphore_mem>>) src(%arg9 : memref<128x128xf32, #tpu.memory_space<vmem>>) dst(%dma_wait3A_87 : memref<128x128xf32, #tpu.memory_space<hbm>>)
      tpu.yield
    }) : () -> ()
    %mul3A_71 = arith.constant 640 : i32
    %mul3A_72 = arith.muli %arg1, %mul3A_71 : i32
    %add3A_73 = arith.constant 512 : i32
    %add3A_74 = arith.addi %mul3A_72, %add3A_73 : i32
    "tpu.region"() ({
      %run_scoped3A = tpu.sem_alloc : memref<!tpu.dma_semaphore, #tpu.memory_space<semaphore_mem>>
      %dma_start3A = arith.constant 0 : i32
      %dma_start3A_82 = tpu.memref_slice %arg11[%add3A_74, %dma_start3A] : memref<10240x128xf32, #tpu.memory_space<vmem_shared>> -> memref<128x128xf32, #tpu.memory_space<vmem_shared>>
      %dma_start3A_83 = arith.constant 0 : i32
      %dma_start3A_84 = tpu.memref_slice %arg11[%add3A_74, %dma_start3A_83] : memref<10240x128xf32, #tpu.memory_space<vmem_shared>> -> memref<128x128xf32, #tpu.memory_space<vmem_shared>>
      tpu.enqueue_dma source(%dma_start3A_84 : memref<128x128xf32, #tpu.memory_space<vmem_shared>>) target(%arg9 : memref<128x128xf32, #tpu.memory_space<vmem>>) target_semaphore(%run_scoped3A : memref<!tpu.dma_semaphore, #tpu.memory_space<semaphore_mem>>)
      %dma_wait3A = arith.constant 0 : i32
      %dma_wait3A_85 = tpu.memref_slice %arg11[%add3A_74, %dma_wait3A] : memref<10240x128xf32, #tpu.memory_space<vmem_shared>> -> memref<128x128xf32, #tpu.memory_space<vmem_shared>>
      %dma_wait3A_86 = arith.constant 0 : i32
      %dma_wait3A_87 = tpu.memref_slice %arg11[%add3A_74, %dma_wait3A_86] : memref<10240x128xf32, #tpu.memory_space<vmem_shared>> -> memref<128x128xf32, #tpu.memory_space<vmem_shared>>
      tpu.wait_dma2 semaphore(%run_scoped3A : memref<!tpu.dma_semaphore, #tpu.memory_space<semaphore_mem>>) src(%dma_wait3A_87 : memref<128x128xf32, #tpu.memory_space<vmem_shared>>) dst(%arg9 : memref<128x128xf32, #tpu.memory_space<vmem>>)
      tpu.yield
    }) : () -> ()
    %mul3A_75 = arith.constant 10240 : i32
    %mul3A_76 = arith.muli %arg0, %mul3A_75 : i32
    %mul3A_77 = arith.constant 640 : i32
    %mul3A_78 = arith.muli %arg1, %mul3A_77 : i32
    %add3A_79 = arith.addi %mul3A_76, %mul3A_78 : i32
    %add3A_80 = arith.constant 512 : i32
    %add3A_81 = arith.addi %add3A_79, %add3A_80 : i32
    "tpu.region"() ({
      %run_scoped3A = tpu.sem_alloc : memref<!tpu.dma_semaphore, #tpu.memory_space<semaphore_mem>>
      %dma_start3A = arith.constant 0 : i32
      %dma_start3A_82 = tpu.memref_slice %arg6[%add3A_81, %dma_start3A] : memref<20480x128xf32, #tpu.memory_space<hbm>> -> memref<128x128xf32, #tpu.memory_space<hbm>>
      %dma_start3A_83 = arith.constant 0 : i32
      %dma_start3A_84 = tpu.memref_slice %arg6[%add3A_81, %dma_start3A_83] : memref<20480x128xf32, #tpu.memory_space<hbm>> -> memref<128x128xf32, #tpu.memory_space<hbm>>
      tpu.enqueue_dma source(%arg9 : memref<128x128xf32, #tpu.memory_space<vmem>>) target(%dma_start3A_84 : memref<128x128xf32, #tpu.memory_space<hbm>>) target_semaphore(%run_scoped3A : memref<!tpu.dma_semaphore, #tpu.memory_space<semaphore_mem>>)
      %dma_wait3A = arith.constant 0 : i32
      %dma_wait3A_85 = tpu.memref_slice %arg6[%add3A_81, %dma_wait3A] : memref<20480x128xf32, #tpu.memory_space<hbm>> -> memref<128x128xf32, #tpu.memory_space<hbm>>
      %dma_wait3A_86 = arith.constant 0 : i32
      %dma_wait3A_87 = tpu.memref_slice %arg6[%add3A_81, %dma_wait3A_86] : memref<20480x128xf32, #tpu.memory_space<hbm>> -> memref<128x128xf32, #tpu.memory_space<hbm>>
      tpu.wait_dma2 semaphore(%run_scoped3A : memref<!tpu.dma_semaphore, #tpu.memory_space<semaphore_mem>>) src(%arg9 : memref<128x128xf32, #tpu.memory_space<vmem>>) dst(%dma_wait3A_87 : memref<128x128xf32, #tpu.memory_space<hbm>>)
      tpu.yield
    }) : () -> ()
    return
  }
}

#map = affine_map<(d0, d1) -> (0, 0)>
#map1 = affine_map<(d0, d1) -> (0, 0, 0, 0)>
module attributes {stable_mosaic.version = 14 : i64} {
  func.func @_sc_agg_body(%arg0: i32, %arg1: i32, %arg2: memref<20480x128xf32, #tpu.memory_space<hbm>>, %arg3: memref<32x10496xi32, #tpu.memory_space<hbm>>, %arg4: memref<16x40x2x128xi32, #tpu.memory_space<hbm>>, %arg5: memref<128x128xf32, #tpu.memory_space<hbm>>, %arg6: memref<20480x128xf32, #tpu.memory_space<hbm>>, %arg7: memref<10496xi32, #tpu.memory_space<vmem>>, %arg8: memref<2x128xi32, #tpu.memory_space<vmem>>, %arg9: memref<128x128xf32, #tpu.memory_space<vmem>>, %arg10: memref<128x128xf32, #tpu.memory_space<vmem>>, %arg11: memref<10240x128xf32, #tpu.memory_space<vmem_shared>>, %arg12: memref<!tpu.dma_semaphore, #tpu.memory_space<semaphore_mem>>, %arg13: memref<!tpu.dma_semaphore, #tpu.memory_space<semaphore_mem>>, %arg14: memref<!tpu.dma_semaphore, #tpu.memory_space<semaphore_mem>>, %arg15: memref<!tpu.dma_semaphore, #tpu.memory_space<semaphore_mem>>) attributes {dimension_semantics = [#tpu.dimension_semantics<core_parallel>, #tpu.dimension_semantics<subcore_parallel>], iteration_bounds = array<i64: 2, 16>, scalar_prefetch = 0 : i64, scratch_operands = 9 : i64, tpu.core_type = #tpu.core_type<sc_vector_subcore>, window_params = [{transform_indices = #map}, {transform_indices = #map}, {transform_indices = #map1}, {transform_indices = #map}, {transform_indices = #map}]} {
    "tpu.region"() ({
      %run_scoped3A = tpu.sem_alloc : memref<!tpu.dma_semaphore, #tpu.memory_space<semaphore_mem>>
      tpu.enqueue_dma source(%arg5 : memref<128x128xf32, #tpu.memory_space<hbm>>) target(%arg9 : memref<128x128xf32, #tpu.memory_space<vmem>>) target_semaphore(%run_scoped3A : memref<!tpu.dma_semaphore, #tpu.memory_space<semaphore_mem>>)
      tpu.wait_dma2 semaphore(%run_scoped3A : memref<!tpu.dma_semaphore, #tpu.memory_space<semaphore_mem>>) src(%arg5 : memref<128x128xf32, #tpu.memory_space<hbm>>) dst(%arg9 : memref<128x128xf32, #tpu.memory_space<vmem>>)
      tpu.yield
    }) : () -> ()
    %mul3A = arith.constant 640 : i32
    %mul3A_0 = arith.muli %arg1, %mul3A : i32
    %add3A = arith.constant 0 : i32
    %add3A_1 = arith.addi %mul3A_0, %add3A : i32
    "tpu.region"() ({
      %run_scoped3A = tpu.sem_alloc : memref<!tpu.dma_semaphore, #tpu.memory_space<semaphore_mem>>
      %dma_start3A = arith.constant 0 : i32
      %dma_start3A_82 = tpu.memref_slice %arg11[%add3A_1, %dma_start3A] : memref<10240x128xf32, #tpu.memory_space<vmem_shared>> -> memref<128x128xf32, #tpu.memory_space<vmem_shared>>
      %dma_start3A_83 = arith.constant 0 : i32
      %dma_start3A_84 = tpu.memref_slice %arg11[%add3A_1, %dma_start3A_83] : memref<10240x128xf32, #tpu.memory_space<vmem_shared>> -> memref<128x128xf32, #tpu.memory_space<vmem_shared>>
      tpu.enqueue_dma source(%arg9 : memref<128x128xf32, #tpu.memory_space<vmem>>) target(%dma_start3A_84 : memref<128x128xf32, #tpu.memory_space<vmem_shared>>) target_semaphore(%run_scoped3A : memref<!tpu.dma_semaphore, #tpu.memory_space<semaphore_mem>>)
      %dma_wait3A = arith.constant 0 : i32
      %dma_wait3A_85 = tpu.memref_slice %arg11[%add3A_1, %dma_wait3A] : memref<10240x128xf32, #tpu.memory_space<vmem_shared>> -> memref<128x128xf32, #tpu.memory_space<vmem_shared>>
      %dma_wait3A_86 = arith.constant 0 : i32
      %dma_wait3A_87 = tpu.memref_slice %arg11[%add3A_1, %dma_wait3A_86] : memref<10240x128xf32, #tpu.memory_space<vmem_shared>> -> memref<128x128xf32, #tpu.memory_space<vmem_shared>>
      tpu.wait_dma2 semaphore(%run_scoped3A : memref<!tpu.dma_semaphore, #tpu.memory_space<semaphore_mem>>) src(%arg9 : memref<128x128xf32, #tpu.memory_space<vmem>>) dst(%dma_wait3A_87 : memref<128x128xf32, #tpu.memory_space<vmem_shared>>)
      tpu.yield
    }) : () -> ()
    %mul3A_2 = arith.constant 640 : i32
    %mul3A_3 = arith.muli %arg1, %mul3A_2 : i32
    %add3A_4 = arith.constant 128 : i32
    %add3A_5 = arith.addi %mul3A_3, %add3A_4 : i32
    "tpu.region"() ({
      %run_scoped3A = tpu.sem_alloc : memref<!tpu.dma_semaphore, #tpu.memory_space<semaphore_mem>>
      %dma_start3A = arith.constant 0 : i32
      %dma_start3A_82 = tpu.memref_slice %arg11[%add3A_5, %dma_start3A] : memref<10240x128xf32, #tpu.memory_space<vmem_shared>> -> memref<128x128xf32, #tpu.memory_space<vmem_shared>>
      %dma_start3A_83 = arith.constant 0 : i32
      %dma_start3A_84 = tpu.memref_slice %arg11[%add3A_5, %dma_start3A_83] : memref<10240x128xf32, #tpu.memory_space<vmem_shared>> -> memref<128x128xf32, #tpu.memory_space<vmem_shared>>
      tpu.enqueue_dma source(%arg9 : memref<128x128xf32, #tpu.memory_space<vmem>>) target(%dma_start3A_84 : memref<128x128xf32, #tpu.memory_space<vmem_shared>>) target_semaphore(%run_scoped3A : memref<!tpu.dma_semaphore, #tpu.memory_space<semaphore_mem>>)
      %dma_wait3A = arith.constant 0 : i32
      %dma_wait3A_85 = tpu.memref_slice %arg11[%add3A_5, %dma_wait3A] : memref<10240x128xf32, #tpu.memory_space<vmem_shared>> -> memref<128x128xf32, #tpu.memory_space<vmem_shared>>
      %dma_wait3A_86 = arith.constant 0 : i32
      %dma_wait3A_87 = tpu.memref_slice %arg11[%add3A_5, %dma_wait3A_86] : memref<10240x128xf32, #tpu.memory_space<vmem_shared>> -> memref<128x128xf32, #tpu.memory_space<vmem_shared>>
      tpu.wait_dma2 semaphore(%run_scoped3A : memref<!tpu.dma_semaphore, #tpu.memory_space<semaphore_mem>>) src(%arg9 : memref<128x128xf32, #tpu.memory_space<vmem>>) dst(%dma_wait3A_87 : memref<128x128xf32, #tpu.memory_space<vmem_shared>>)
      tpu.yield
    }) : () -> ()
    %mul3A_6 = arith.constant 640 : i32
    %mul3A_7 = arith.muli %arg1, %mul3A_6 : i32
    %add3A_8 = arith.constant 256 : i32
    %add3A_9 = arith.addi %mul3A_7, %add3A_8 : i32
    "tpu.region"() ({
      %run_scoped3A = tpu.sem_alloc : memref<!tpu.dma_semaphore, #tpu.memory_space<semaphore_mem>>
      %dma_start3A = arith.constant 0 : i32
      %dma_start3A_82 = tpu.memref_slice %arg11[%add3A_9, %dma_start3A] : memref<10240x128xf32, #tpu.memory_space<vmem_shared>> -> memref<128x128xf32, #tpu.memory_space<vmem_shared>>
      %dma_start3A_83 = arith.constant 0 : i32
      %dma_start3A_84 = tpu.memref_slice %arg11[%add3A_9, %dma_start3A_83] : memref<10240x128xf32, #tpu.memory_space<vmem_shared>> -> memref<128x128xf32, #tpu.memory_space<vmem_shared>>
      tpu.enqueue_dma source(%arg9 : memref<128x128xf32, #tpu.memory_space<vmem>>) target(%dma_start3A_84 : memref<128x128xf32, #tpu.memory_space<vmem_shared>>) target_semaphore(%run_scoped3A : memref<!tpu.dma_semaphore, #tpu.memory_space<semaphore_mem>>)
      %dma_wait3A = arith.constant 0 : i32
      %dma_wait3A_85 = tpu.memref_slice %arg11[%add3A_9, %dma_wait3A] : memref<10240x128xf32, #tpu.memory_space<vmem_shared>> -> memref<128x128xf32, #tpu.memory_space<vmem_shared>>
      %dma_wait3A_86 = arith.constant 0 : i32
      %dma_wait3A_87 = tpu.memref_slice %arg11[%add3A_9, %dma_wait3A_86] : memref<10240x128xf32, #tpu.memory_space<vmem_shared>> -> memref<128x128xf32, #tpu.memory_space<vmem_shared>>
      tpu.wait_dma2 semaphore(%run_scoped3A : memref<!tpu.dma_semaphore, #tpu.memory_space<semaphore_mem>>) src(%arg9 : memref<128x128xf32, #tpu.memory_space<vmem>>) dst(%dma_wait3A_87 : memref<128x128xf32, #tpu.memory_space<vmem_shared>>)
      tpu.yield
    }) : () -> ()
    %mul3A_10 = arith.constant 640 : i32
    %mul3A_11 = arith.muli %arg1, %mul3A_10 : i32
    %add3A_12 = arith.constant 384 : i32
    %add3A_13 = arith.addi %mul3A_11, %add3A_12 : i32
    "tpu.region"() ({
      %run_scoped3A = tpu.sem_alloc : memref<!tpu.dma_semaphore, #tpu.memory_space<semaphore_mem>>
      %dma_start3A = arith.constant 0 : i32
      %dma_start3A_82 = tpu.memref_slice %arg11[%add3A_13, %dma_start3A] : memref<10240x128xf32, #tpu.memory_space<vmem_shared>> -> memref<128x128xf32, #tpu.memory_space<vmem_shared>>
      %dma_start3A_83 = arith.constant 0 : i32
      %dma_start3A_84 = tpu.memref_slice %arg11[%add3A_13, %dma_start3A_83] : memref<10240x128xf32, #tpu.memory_space<vmem_shared>> -> memref<128x128xf32, #tpu.memory_space<vmem_shared>>
      tpu.enqueue_dma source(%arg9 : memref<128x128xf32, #tpu.memory_space<vmem>>) target(%dma_start3A_84 : memref<128x128xf32, #tpu.memory_space<vmem_shared>>) target_semaphore(%run_scoped3A : memref<!tpu.dma_semaphore, #tpu.memory_space<semaphore_mem>>)
      %dma_wait3A = arith.constant 0 : i32
      %dma_wait3A_85 = tpu.memref_slice %arg11[%add3A_13, %dma_wait3A] : memref<10240x128xf32, #tpu.memory_space<vmem_shared>> -> memref<128x128xf32, #tpu.memory_space<vmem_shared>>
      %dma_wait3A_86 = arith.constant 0 : i32
      %dma_wait3A_87 = tpu.memref_slice %arg11[%add3A_13, %dma_wait3A_86] : memref<10240x128xf32, #tpu.memory_space<vmem_shared>> -> memref<128x128xf32, #tpu.memory_space<vmem_shared>>
      tpu.wait_dma2 semaphore(%run_scoped3A : memref<!tpu.dma_semaphore, #tpu.memory_space<semaphore_mem>>) src(%arg9 : memref<128x128xf32, #tpu.memory_space<vmem>>) dst(%dma_wait3A_87 : memref<128x128xf32, #tpu.memory_space<vmem_shared>>)
      tpu.yield
    }) : () -> ()
    %mul3A_14 = arith.constant 640 : i32
    %mul3A_15 = arith.muli %arg1, %mul3A_14 : i32
    %add3A_16 = arith.constant 512 : i32
    %add3A_17 = arith.addi %mul3A_15, %add3A_16 : i32
    "tpu.region"() ({
      %run_scoped3A = tpu.sem_alloc : memref<!tpu.dma_semaphore, #tpu.memory_space<semaphore_mem>>
      %dma_start3A = arith.constant 0 : i32
      %dma_start3A_82 = tpu.memref_slice %arg11[%add3A_17, %dma_start3A] : memref<10240x128xf32, #tpu.memory_space<vmem_shared>> -> memref<128x128xf32, #tpu.memory_space<vmem_shared>>
      %dma_start3A_83 = arith.constant 0 : i32
      %dma_start3A_84 = tpu.memref_slice %arg11[%add3A_17, %dma_start3A_83] : memref<10240x128xf32, #tpu.memory_space<vmem_shared>> -> memref<128x128xf32, #tpu.memory_space<vmem_shared>>
      tpu.enqueue_dma source(%arg9 : memref<128x128xf32, #tpu.memory_space<vmem>>) target(%dma_start3A_84 : memref<128x128xf32, #tpu.memory_space<vmem_shared>>) target_semaphore(%run_scoped3A : memref<!tpu.dma_semaphore, #tpu.memory_space<semaphore_mem>>)
      %dma_wait3A = arith.constant 0 : i32
      %dma_wait3A_85 = tpu.memref_slice %arg11[%add3A_17, %dma_wait3A] : memref<10240x128xf32, #tpu.memory_space<vmem_shared>> -> memref<128x128xf32, #tpu.memory_space<vmem_shared>>
      %dma_wait3A_86 = arith.constant 0 : i32
      %dma_wait3A_87 = tpu.memref_slice %arg11[%add3A_17, %dma_wait3A_86] : memref<10240x128xf32, #tpu.memory_space<vmem_shared>> -> memref<128x128xf32, #tpu.memory_space<vmem_shared>>
      tpu.wait_dma2 semaphore(%run_scoped3A : memref<!tpu.dma_semaphore, #tpu.memory_space<semaphore_mem>>) src(%arg9 : memref<128x128xf32, #tpu.memory_space<vmem>>) dst(%dma_wait3A_87 : memref<128x128xf32, #tpu.memory_space<vmem_shared>>)
      tpu.yield
    }) : () -> ()
    %mul3A_18 = arith.constant 16 : i32
    %mul3A_19 = arith.muli %arg0, %mul3A_18 : i32
    %add3A_20 = arith.addi %mul3A_19, %arg1 : i32
    "tpu.region"() ({
      %run_scoped3A = tpu.sem_alloc : memref<!tpu.dma_semaphore, #tpu.memory_space<semaphore_mem>>
      %dma_start3A = arith.constant 0 : i32
      %dma_start3A_82 = tpu.memref_slice %arg3[%add3A_20, %dma_start3A] : memref<32x10496xi32, #tpu.memory_space<hbm>> -> memref<1x10496xi32, #tpu.memory_space<hbm>>
      %dma_start3A_83 = tpu.memref_squeeze %dma_start3A_82 : memref<1x10496xi32, #tpu.memory_space<hbm>> -> memref<10496xi32, #tpu.memory_space<hbm>>
      %dma_start3A_84 = arith.constant 0 : i32
      %dma_start3A_85 = tpu.memref_slice %arg3[%add3A_20, %dma_start3A_84] : memref<32x10496xi32, #tpu.memory_space<hbm>> -> memref<1x10496xi32, #tpu.memory_space<hbm>>
      %dma_start3A_86 = tpu.memref_squeeze %dma_start3A_85 : memref<1x10496xi32, #tpu.memory_space<hbm>> -> memref<10496xi32, #tpu.memory_space<hbm>>
      tpu.enqueue_dma source(%dma_start3A_86 : memref<10496xi32, #tpu.memory_space<hbm>>) target(%arg7 : memref<10496xi32, #tpu.memory_space<vmem>>) target_semaphore(%run_scoped3A : memref<!tpu.dma_semaphore, #tpu.memory_space<semaphore_mem>>)
      %dma_wait3A = arith.constant 0 : i32
      %dma_wait3A_87 = tpu.memref_slice %arg3[%add3A_20, %dma_wait3A] : memref<32x10496xi32, #tpu.memory_space<hbm>> -> memref<1x10496xi32, #tpu.memory_space<hbm>>
      %dma_wait3A_88 = tpu.memref_squeeze %dma_wait3A_87 : memref<1x10496xi32, #tpu.memory_space<hbm>> -> memref<10496xi32, #tpu.memory_space<hbm>>
      %dma_wait3A_89 = arith.constant 0 : i32
      %dma_wait3A_90 = tpu.memref_slice %arg3[%add3A_20, %dma_wait3A_89] : memref<32x10496xi32, #tpu.memory_space<hbm>> -> memref<1x10496xi32, #tpu.memory_space<hbm>>
      %dma_wait3A_91 = tpu.memref_squeeze %dma_wait3A_90 : memref<1x10496xi32, #tpu.memory_space<hbm>> -> memref<10496xi32, #tpu.memory_space<hbm>>
      tpu.wait_dma2 semaphore(%run_scoped3A : memref<!tpu.dma_semaphore, #tpu.memory_space<semaphore_mem>>) src(%dma_wait3A_91 : memref<10496xi32, #tpu.memory_space<hbm>>) dst(%arg7 : memref<10496xi32, #tpu.memory_space<vmem>>)
      tpu.yield
    }) : () -> ()
    %barrier3A = arith.constant 0 : index
    tpu.barrier barrier_id(%barrier3A)
    %scan3A = arith.constant 0 : i32
    %scan3A_21 = arith.constant 0 : i32
    %scan3A_22 = arith.constant 40 : i32
    %scan3A_23 = arith.addi %scan3A_21, %scan3A_22 : i32
    %scan3A_24 = arith.constant 1 : i32
    scf.for %scan3A_82 = %scan3A_21 to %scan3A_23 step %scan3A_24  : i32 {
      %mul3A_83 = arith.constant 2 : i32
      %mul3A_84 = arith.muli %scan3A_82, %mul3A_83 : i32
      %add3A_85 = arith.constant 0 : i32
      %add3A_86 = arith.addi %mul3A_84, %add3A_85 : i32
      %mul3A_87 = arith.constant 128 : i32
      %mul3A_88 = arith.muli %add3A_86, %mul3A_87 : i32
      %dma_start3A = tpu.memref_slice %arg7[%mul3A_88] : memref<10496xi32, #tpu.memory_space<vmem>> -> memref<128xi32, #tpu.memory_space<vmem>>
      %dma_start3A_89 = arith.constant 0 : i32
      %dma_start3A_90 = arith.constant 0 : i32
      %dma_start3A_91 = tpu.memref_slice %arg2[%dma_start3A_89, %dma_start3A_90] : memref<20480x128xf32, #tpu.memory_space<hbm>> -> memref<20480x128xf32, #tpu.memory_space<hbm>>
      tpu.enqueue_indirect_dma source(%dma_start3A_91 : memref<20480x128xf32, #tpu.memory_space<hbm>>) target(%arg9 : memref<128x128xf32, #tpu.memory_space<vmem>>) offsets(%dma_start3A : memref<128xi32, #tpu.memory_space<vmem>>) semaphore(%arg12 : memref<!tpu.dma_semaphore, #tpu.memory_space<semaphore_mem>>)
      %mul3A_92 = arith.constant 2 : i32
      %mul3A_93 = arith.muli %scan3A_82, %mul3A_92 : i32
      %add3A_94 = arith.constant 1 : i32
      %add3A_95 = arith.addi %mul3A_93, %add3A_94 : i32
      %mul3A_96 = arith.constant 128 : i32
      %mul3A_97 = arith.muli %add3A_95, %mul3A_96 : i32
      %dma_start3A_98 = tpu.memref_slice %arg7[%mul3A_97] : memref<10496xi32, #tpu.memory_space<vmem>> -> memref<128xi32, #tpu.memory_space<vmem>>
      %dma_start3A_99 = arith.constant 0 : i32
      %dma_start3A_100 = arith.constant 0 : i32
      %dma_start3A_101 = tpu.memref_slice %arg2[%dma_start3A_99, %dma_start3A_100] : memref<20480x128xf32, #tpu.memory_space<hbm>> -> memref<20480x128xf32, #tpu.memory_space<hbm>>
      tpu.enqueue_indirect_dma source(%dma_start3A_101 : memref<20480x128xf32, #tpu.memory_space<hbm>>) target(%arg10 : memref<128x128xf32, #tpu.memory_space<vmem>>) offsets(%dma_start3A_98 : memref<128xi32, #tpu.memory_space<vmem>>) semaphore(%arg13 : memref<!tpu.dma_semaphore, #tpu.memory_space<semaphore_mem>>)
      "tpu.region"() ({
        %run_scoped3A = tpu.sem_alloc : memref<!tpu.dma_semaphore, #tpu.memory_space<semaphore_mem>>
        %dma_start3A_137 = arith.constant 0 : i32
        %dma_start3A_138 = arith.constant 0 : i32
        %dma_start3A_139 = tpu.memref_slice %arg4[%arg1, %scan3A_82, %dma_start3A_137, %dma_start3A_138] : memref<16x40x2x128xi32, #tpu.memory_space<hbm>> -> memref<1x1x2x128xi32, #tpu.memory_space<hbm>>
        %dma_start3A_140 = tpu.memref_squeeze %dma_start3A_139 : memref<1x1x2x128xi32, #tpu.memory_space<hbm>> -> memref<2x128xi32, #tpu.memory_space<hbm>>
        %dma_start3A_141 = arith.constant 0 : i32
        %dma_start3A_142 = arith.constant 0 : i32
        %dma_start3A_143 = tpu.memref_slice %arg4[%arg1, %scan3A_82, %dma_start3A_141, %dma_start3A_142] : memref<16x40x2x128xi32, #tpu.memory_space<hbm>> -> memref<1x1x2x128xi32, #tpu.memory_space<hbm>>
        %dma_start3A_144 = tpu.memref_squeeze %dma_start3A_143 : memref<1x1x2x128xi32, #tpu.memory_space<hbm>> -> memref<2x128xi32, #tpu.memory_space<hbm>>
        tpu.enqueue_dma source(%dma_start3A_144 : memref<2x128xi32, #tpu.memory_space<hbm>>) target(%arg8 : memref<2x128xi32, #tpu.memory_space<vmem>>) target_semaphore(%run_scoped3A : memref<!tpu.dma_semaphore, #tpu.memory_space<semaphore_mem>>)
        %dma_wait3A_145 = arith.constant 0 : i32
        %dma_wait3A_146 = arith.constant 0 : i32
        %dma_wait3A_147 = tpu.memref_slice %arg4[%arg1, %scan3A_82, %dma_wait3A_145, %dma_wait3A_146] : memref<16x40x2x128xi32, #tpu.memory_space<hbm>> -> memref<1x1x2x128xi32, #tpu.memory_space<hbm>>
        %dma_wait3A_148 = tpu.memref_squeeze %dma_wait3A_147 : memref<1x1x2x128xi32, #tpu.memory_space<hbm>> -> memref<2x128xi32, #tpu.memory_space<hbm>>
        %dma_wait3A_149 = arith.constant 0 : i32
        %dma_wait3A_150 = arith.constant 0 : i32
        %dma_wait3A_151 = tpu.memref_slice %arg4[%arg1, %scan3A_82, %dma_wait3A_149, %dma_wait3A_150] : memref<16x40x2x128xi32, #tpu.memory_space<hbm>> -> memref<1x1x2x128xi32, #tpu.memory_space<hbm>>
        %dma_wait3A_152 = tpu.memref_squeeze %dma_wait3A_151 : memref<1x1x2x128xi32, #tpu.memory_space<hbm>> -> memref<2x128xi32, #tpu.memory_space<hbm>>
        tpu.wait_dma2 semaphore(%run_scoped3A : memref<!tpu.dma_semaphore, #tpu.memory_space<semaphore_mem>>) src(%dma_wait3A_152 : memref<2x128xi32, #tpu.memory_space<hbm>>) dst(%arg8 : memref<2x128xi32, #tpu.memory_space<vmem>>)
        tpu.yield
      }) : () -> ()
      %dma_wait3A = tpu.memref_slice %arg7[%mul3A_88] : memref<10496xi32, #tpu.memory_space<vmem>> -> memref<128xi32, #tpu.memory_space<vmem>>
      %dma_wait3A_102 = arith.constant 0 : i32
      %dma_wait3A_103 = arith.constant 0 : i32
      %dma_wait3A_104 = tpu.memref_slice %arg2[%dma_wait3A_102, %dma_wait3A_103] : memref<20480x128xf32, #tpu.memory_space<hbm>> -> memref<20480x128xf32, #tpu.memory_space<hbm>>
      tpu.wait_indirect_dma semaphore(%arg12 : memref<!tpu.dma_semaphore, #tpu.memory_space<semaphore_mem>>) src(%dma_wait3A_104 : memref<20480x128xf32, #tpu.memory_space<hbm>>) dst(%arg9 : memref<128x128xf32, #tpu.memory_space<vmem>>)
      %dma_start3A_105 = arith.constant 0 : i32
      %dma_start3A_106 = arith.constant 0 : i32
      %dma_start3A_107 = tpu.memref_slice %arg8[%dma_start3A_105, %dma_start3A_106] : memref<2x128xi32, #tpu.memory_space<vmem>> -> memref<1x128xi32, #tpu.memory_space<vmem>>
      %dma_start3A_108 = tpu.memref_squeeze %dma_start3A_107 : memref<1x128xi32, #tpu.memory_space<vmem>> -> memref<128xi32, #tpu.memory_space<vmem>>
      %dma_start3A_109 = arith.constant 0 : i32
      %dma_start3A_110 = arith.constant 0 : i32
      %dma_start3A_111 = tpu.memref_slice %arg11[%dma_start3A_109, %dma_start3A_110] : memref<10240x128xf32, #tpu.memory_space<vmem_shared>> -> memref<10240x128xf32, #tpu.memory_space<vmem_shared>>
      tpu.enqueue_indirect_dma source(%arg9 : memref<128x128xf32, #tpu.memory_space<vmem>>) target(%dma_start3A_111 : memref<10240x128xf32, #tpu.memory_space<vmem_shared>>) offsets(%dma_start3A_108 : memref<128xi32, #tpu.memory_space<vmem>>) semaphore(%arg14 : memref<!tpu.dma_semaphore, #tpu.memory_space<semaphore_mem>>) {add = true}
      %dma_wait3A_112 = tpu.memref_slice %arg7[%mul3A_97] : memref<10496xi32, #tpu.memory_space<vmem>> -> memref<128xi32, #tpu.memory_space<vmem>>
      %dma_wait3A_113 = arith.constant 0 : i32
      %dma_wait3A_114 = arith.constant 0 : i32
      %dma_wait3A_115 = tpu.memref_slice %arg2[%dma_wait3A_113, %dma_wait3A_114] : memref<20480x128xf32, #tpu.memory_space<hbm>> -> memref<20480x128xf32, #tpu.memory_space<hbm>>
      tpu.wait_indirect_dma semaphore(%arg13 : memref<!tpu.dma_semaphore, #tpu.memory_space<semaphore_mem>>) src(%dma_wait3A_115 : memref<20480x128xf32, #tpu.memory_space<hbm>>) dst(%arg10 : memref<128x128xf32, #tpu.memory_space<vmem>>)
      %dma_start3A_116 = arith.constant 1 : i32
      %dma_start3A_117 = arith.constant 0 : i32
      %dma_start3A_118 = tpu.memref_slice %arg8[%dma_start3A_116, %dma_start3A_117] : memref<2x128xi32, #tpu.memory_space<vmem>> -> memref<1x128xi32, #tpu.memory_space<vmem>>
      %dma_start3A_119 = tpu.memref_squeeze %dma_start3A_118 : memref<1x128xi32, #tpu.memory_space<vmem>> -> memref<128xi32, #tpu.memory_space<vmem>>
      %dma_start3A_120 = arith.constant 0 : i32
      %dma_start3A_121 = arith.constant 0 : i32
      %dma_start3A_122 = tpu.memref_slice %arg11[%dma_start3A_120, %dma_start3A_121] : memref<10240x128xf32, #tpu.memory_space<vmem_shared>> -> memref<10240x128xf32, #tpu.memory_space<vmem_shared>>
      tpu.enqueue_indirect_dma source(%arg10 : memref<128x128xf32, #tpu.memory_space<vmem>>) target(%dma_start3A_122 : memref<10240x128xf32, #tpu.memory_space<vmem_shared>>) offsets(%dma_start3A_119 : memref<128xi32, #tpu.memory_space<vmem>>) semaphore(%arg15 : memref<!tpu.dma_semaphore, #tpu.memory_space<semaphore_mem>>) {add = true}
      %dma_wait3A_123 = arith.constant 0 : i32
      %dma_wait3A_124 = arith.constant 0 : i32
      %dma_wait3A_125 = tpu.memref_slice %arg8[%dma_wait3A_123, %dma_wait3A_124] : memref<2x128xi32, #tpu.memory_space<vmem>> -> memref<1x128xi32, #tpu.memory_space<vmem>>
      %dma_wait3A_126 = tpu.memref_squeeze %dma_wait3A_125 : memref<1x128xi32, #tpu.memory_space<vmem>> -> memref<128xi32, #tpu.memory_space<vmem>>
      %dma_wait3A_127 = arith.constant 0 : i32
      %dma_wait3A_128 = arith.constant 0 : i32
      %dma_wait3A_129 = tpu.memref_slice %arg11[%dma_wait3A_127, %dma_wait3A_128] : memref<10240x128xf32, #tpu.memory_space<vmem_shared>> -> memref<10240x128xf32, #tpu.memory_space<vmem_shared>>
      tpu.wait_indirect_dma semaphore(%arg14 : memref<!tpu.dma_semaphore, #tpu.memory_space<semaphore_mem>>) src(%arg9 : memref<128x128xf32, #tpu.memory_space<vmem>>) dst(%dma_wait3A_129 : memref<10240x128xf32, #tpu.memory_space<vmem_shared>>)
      %dma_wait3A_130 = arith.constant 1 : i32
      %dma_wait3A_131 = arith.constant 0 : i32
      %dma_wait3A_132 = tpu.memref_slice %arg8[%dma_wait3A_130, %dma_wait3A_131] : memref<2x128xi32, #tpu.memory_space<vmem>> -> memref<1x128xi32, #tpu.memory_space<vmem>>
      %dma_wait3A_133 = tpu.memref_squeeze %dma_wait3A_132 : memref<1x128xi32, #tpu.memory_space<vmem>> -> memref<128xi32, #tpu.memory_space<vmem>>
      %dma_wait3A_134 = arith.constant 0 : i32
      %dma_wait3A_135 = arith.constant 0 : i32
      %dma_wait3A_136 = tpu.memref_slice %arg11[%dma_wait3A_134, %dma_wait3A_135] : memref<10240x128xf32, #tpu.memory_space<vmem_shared>> -> memref<10240x128xf32, #tpu.memory_space<vmem_shared>>
      tpu.wait_indirect_dma semaphore(%arg15 : memref<!tpu.dma_semaphore, #tpu.memory_space<semaphore_mem>>) src(%arg10 : memref<128x128xf32, #tpu.memory_space<vmem>>) dst(%dma_wait3A_136 : memref<10240x128xf32, #tpu.memory_space<vmem_shared>>)
    }
    %scan3A_25 = arith.constant 40 : i32
    %barrier3A_26 = arith.constant 0 : index
    tpu.barrier barrier_id(%barrier3A_26)
    %mul3A_27 = arith.constant 640 : i32
    %mul3A_28 = arith.muli %arg1, %mul3A_27 : i32
    %add3A_29 = arith.constant 0 : i32
    %add3A_30 = arith.addi %mul3A_28, %add3A_29 : i32
    "tpu.region"() ({
      %run_scoped3A = tpu.sem_alloc : memref<!tpu.dma_semaphore, #tpu.memory_space<semaphore_mem>>
      %dma_start3A = arith.constant 0 : i32
      %dma_start3A_82 = tpu.memref_slice %arg11[%add3A_30, %dma_start3A] : memref<10240x128xf32, #tpu.memory_space<vmem_shared>> -> memref<128x128xf32, #tpu.memory_space<vmem_shared>>
      %dma_start3A_83 = arith.constant 0 : i32
      %dma_start3A_84 = tpu.memref_slice %arg11[%add3A_30, %dma_start3A_83] : memref<10240x128xf32, #tpu.memory_space<vmem_shared>> -> memref<128x128xf32, #tpu.memory_space<vmem_shared>>
      tpu.enqueue_dma source(%dma_start3A_84 : memref<128x128xf32, #tpu.memory_space<vmem_shared>>) target(%arg9 : memref<128x128xf32, #tpu.memory_space<vmem>>) target_semaphore(%run_scoped3A : memref<!tpu.dma_semaphore, #tpu.memory_space<semaphore_mem>>)
      %dma_wait3A = arith.constant 0 : i32
      %dma_wait3A_85 = tpu.memref_slice %arg11[%add3A_30, %dma_wait3A] : memref<10240x128xf32, #tpu.memory_space<vmem_shared>> -> memref<128x128xf32, #tpu.memory_space<vmem_shared>>
      %dma_wait3A_86 = arith.constant 0 : i32
      %dma_wait3A_87 = tpu.memref_slice %arg11[%add3A_30, %dma_wait3A_86] : memref<10240x128xf32, #tpu.memory_space<vmem_shared>> -> memref<128x128xf32, #tpu.memory_space<vmem_shared>>
      tpu.wait_dma2 semaphore(%run_scoped3A : memref<!tpu.dma_semaphore, #tpu.memory_space<semaphore_mem>>) src(%dma_wait3A_87 : memref<128x128xf32, #tpu.memory_space<vmem_shared>>) dst(%arg9 : memref<128x128xf32, #tpu.memory_space<vmem>>)
      tpu.yield
    }) : () -> ()
    %mul3A_31 = arith.constant 10240 : i32
    %mul3A_32 = arith.muli %arg0, %mul3A_31 : i32
    %mul3A_33 = arith.constant 640 : i32
    %mul3A_34 = arith.muli %arg1, %mul3A_33 : i32
    %add3A_35 = arith.addi %mul3A_32, %mul3A_34 : i32
    %add3A_36 = arith.constant 0 : i32
    %add3A_37 = arith.addi %add3A_35, %add3A_36 : i32
    "tpu.region"() ({
      %run_scoped3A = tpu.sem_alloc : memref<!tpu.dma_semaphore, #tpu.memory_space<semaphore_mem>>
      %dma_start3A = arith.constant 0 : i32
      %dma_start3A_82 = tpu.memref_slice %arg6[%add3A_37, %dma_start3A] : memref<20480x128xf32, #tpu.memory_space<hbm>> -> memref<128x128xf32, #tpu.memory_space<hbm>>
      %dma_start3A_83 = arith.constant 0 : i32
      %dma_start3A_84 = tpu.memref_slice %arg6[%add3A_37, %dma_start3A_83] : memref<20480x128xf32, #tpu.memory_space<hbm>> -> memref<128x128xf32, #tpu.memory_space<hbm>>
      tpu.enqueue_dma source(%arg9 : memref<128x128xf32, #tpu.memory_space<vmem>>) target(%dma_start3A_84 : memref<128x128xf32, #tpu.memory_space<hbm>>) target_semaphore(%run_scoped3A : memref<!tpu.dma_semaphore, #tpu.memory_space<semaphore_mem>>)
      %dma_wait3A = arith.constant 0 : i32
      %dma_wait3A_85 = tpu.memref_slice %arg6[%add3A_37, %dma_wait3A] : memref<20480x128xf32, #tpu.memory_space<hbm>> -> memref<128x128xf32, #tpu.memory_space<hbm>>
      %dma_wait3A_86 = arith.constant 0 : i32
      %dma_wait3A_87 = tpu.memref_slice %arg6[%add3A_37, %dma_wait3A_86] : memref<20480x128xf32, #tpu.memory_space<hbm>> -> memref<128x128xf32, #tpu.memory_space<hbm>>
      tpu.wait_dma2 semaphore(%run_scoped3A : memref<!tpu.dma_semaphore, #tpu.memory_space<semaphore_mem>>) src(%arg9 : memref<128x128xf32, #tpu.memory_space<vmem>>) dst(%dma_wait3A_87 : memref<128x128xf32, #tpu.memory_space<hbm>>)
      tpu.yield
    }) : () -> ()
    %mul3A_38 = arith.constant 640 : i32
    %mul3A_39 = arith.muli %arg1, %mul3A_38 : i32
    %add3A_40 = arith.constant 128 : i32
    %add3A_41 = arith.addi %mul3A_39, %add3A_40 : i32
    "tpu.region"() ({
      %run_scoped3A = tpu.sem_alloc : memref<!tpu.dma_semaphore, #tpu.memory_space<semaphore_mem>>
      %dma_start3A = arith.constant 0 : i32
      %dma_start3A_82 = tpu.memref_slice %arg11[%add3A_41, %dma_start3A] : memref<10240x128xf32, #tpu.memory_space<vmem_shared>> -> memref<128x128xf32, #tpu.memory_space<vmem_shared>>
      %dma_start3A_83 = arith.constant 0 : i32
      %dma_start3A_84 = tpu.memref_slice %arg11[%add3A_41, %dma_start3A_83] : memref<10240x128xf32, #tpu.memory_space<vmem_shared>> -> memref<128x128xf32, #tpu.memory_space<vmem_shared>>
      tpu.enqueue_dma source(%dma_start3A_84 : memref<128x128xf32, #tpu.memory_space<vmem_shared>>) target(%arg9 : memref<128x128xf32, #tpu.memory_space<vmem>>) target_semaphore(%run_scoped3A : memref<!tpu.dma_semaphore, #tpu.memory_space<semaphore_mem>>)
      %dma_wait3A = arith.constant 0 : i32
      %dma_wait3A_85 = tpu.memref_slice %arg11[%add3A_41, %dma_wait3A] : memref<10240x128xf32, #tpu.memory_space<vmem_shared>> -> memref<128x128xf32, #tpu.memory_space<vmem_shared>>
      %dma_wait3A_86 = arith.constant 0 : i32
      %dma_wait3A_87 = tpu.memref_slice %arg11[%add3A_41, %dma_wait3A_86] : memref<10240x128xf32, #tpu.memory_space<vmem_shared>> -> memref<128x128xf32, #tpu.memory_space<vmem_shared>>
      tpu.wait_dma2 semaphore(%run_scoped3A : memref<!tpu.dma_semaphore, #tpu.memory_space<semaphore_mem>>) src(%dma_wait3A_87 : memref<128x128xf32, #tpu.memory_space<vmem_shared>>) dst(%arg9 : memref<128x128xf32, #tpu.memory_space<vmem>>)
      tpu.yield
    }) : () -> ()
    %mul3A_42 = arith.constant 10240 : i32
    %mul3A_43 = arith.muli %arg0, %mul3A_42 : i32
    %mul3A_44 = arith.constant 640 : i32
    %mul3A_45 = arith.muli %arg1, %mul3A_44 : i32
    %add3A_46 = arith.addi %mul3A_43, %mul3A_45 : i32
    %add3A_47 = arith.constant 128 : i32
    %add3A_48 = arith.addi %add3A_46, %add3A_47 : i32
    "tpu.region"() ({
      %run_scoped3A = tpu.sem_alloc : memref<!tpu.dma_semaphore, #tpu.memory_space<semaphore_mem>>
      %dma_start3A = arith.constant 0 : i32
      %dma_start3A_82 = tpu.memref_slice %arg6[%add3A_48, %dma_start3A] : memref<20480x128xf32, #tpu.memory_space<hbm>> -> memref<128x128xf32, #tpu.memory_space<hbm>>
      %dma_start3A_83 = arith.constant 0 : i32
      %dma_start3A_84 = tpu.memref_slice %arg6[%add3A_48, %dma_start3A_83] : memref<20480x128xf32, #tpu.memory_space<hbm>> -> memref<128x128xf32, #tpu.memory_space<hbm>>
      tpu.enqueue_dma source(%arg9 : memref<128x128xf32, #tpu.memory_space<vmem>>) target(%dma_start3A_84 : memref<128x128xf32, #tpu.memory_space<hbm>>) target_semaphore(%run_scoped3A : memref<!tpu.dma_semaphore, #tpu.memory_space<semaphore_mem>>)
      %dma_wait3A = arith.constant 0 : i32
      %dma_wait3A_85 = tpu.memref_slice %arg6[%add3A_48, %dma_wait3A] : memref<20480x128xf32, #tpu.memory_space<hbm>> -> memref<128x128xf32, #tpu.memory_space<hbm>>
      %dma_wait3A_86 = arith.constant 0 : i32
      %dma_wait3A_87 = tpu.memref_slice %arg6[%add3A_48, %dma_wait3A_86] : memref<20480x128xf32, #tpu.memory_space<hbm>> -> memref<128x128xf32, #tpu.memory_space<hbm>>
      tpu.wait_dma2 semaphore(%run_scoped3A : memref<!tpu.dma_semaphore, #tpu.memory_space<semaphore_mem>>) src(%arg9 : memref<128x128xf32, #tpu.memory_space<vmem>>) dst(%dma_wait3A_87 : memref<128x128xf32, #tpu.memory_space<hbm>>)
      tpu.yield
    }) : () -> ()
    %mul3A_49 = arith.constant 640 : i32
    %mul3A_50 = arith.muli %arg1, %mul3A_49 : i32
    %add3A_51 = arith.constant 256 : i32
    %add3A_52 = arith.addi %mul3A_50, %add3A_51 : i32
    "tpu.region"() ({
      %run_scoped3A = tpu.sem_alloc : memref<!tpu.dma_semaphore, #tpu.memory_space<semaphore_mem>>
      %dma_start3A = arith.constant 0 : i32
      %dma_start3A_82 = tpu.memref_slice %arg11[%add3A_52, %dma_start3A] : memref<10240x128xf32, #tpu.memory_space<vmem_shared>> -> memref<128x128xf32, #tpu.memory_space<vmem_shared>>
      %dma_start3A_83 = arith.constant 0 : i32
      %dma_start3A_84 = tpu.memref_slice %arg11[%add3A_52, %dma_start3A_83] : memref<10240x128xf32, #tpu.memory_space<vmem_shared>> -> memref<128x128xf32, #tpu.memory_space<vmem_shared>>
      tpu.enqueue_dma source(%dma_start3A_84 : memref<128x128xf32, #tpu.memory_space<vmem_shared>>) target(%arg9 : memref<128x128xf32, #tpu.memory_space<vmem>>) target_semaphore(%run_scoped3A : memref<!tpu.dma_semaphore, #tpu.memory_space<semaphore_mem>>)
      %dma_wait3A = arith.constant 0 : i32
      %dma_wait3A_85 = tpu.memref_slice %arg11[%add3A_52, %dma_wait3A] : memref<10240x128xf32, #tpu.memory_space<vmem_shared>> -> memref<128x128xf32, #tpu.memory_space<vmem_shared>>
      %dma_wait3A_86 = arith.constant 0 : i32
      %dma_wait3A_87 = tpu.memref_slice %arg11[%add3A_52, %dma_wait3A_86] : memref<10240x128xf32, #tpu.memory_space<vmem_shared>> -> memref<128x128xf32, #tpu.memory_space<vmem_shared>>
      tpu.wait_dma2 semaphore(%run_scoped3A : memref<!tpu.dma_semaphore, #tpu.memory_space<semaphore_mem>>) src(%dma_wait3A_87 : memref<128x128xf32, #tpu.memory_space<vmem_shared>>) dst(%arg9 : memref<128x128xf32, #tpu.memory_space<vmem>>)
      tpu.yield
    }) : () -> ()
    %mul3A_53 = arith.constant 10240 : i32
    %mul3A_54 = arith.muli %arg0, %mul3A_53 : i32
    %mul3A_55 = arith.constant 640 : i32
    %mul3A_56 = arith.muli %arg1, %mul3A_55 : i32
    %add3A_57 = arith.addi %mul3A_54, %mul3A_56 : i32
    %add3A_58 = arith.constant 256 : i32
    %add3A_59 = arith.addi %add3A_57, %add3A_58 : i32
    "tpu.region"() ({
      %run_scoped3A = tpu.sem_alloc : memref<!tpu.dma_semaphore, #tpu.memory_space<semaphore_mem>>
      %dma_start3A = arith.constant 0 : i32
      %dma_start3A_82 = tpu.memref_slice %arg6[%add3A_59, %dma_start3A] : memref<20480x128xf32, #tpu.memory_space<hbm>> -> memref<128x128xf32, #tpu.memory_space<hbm>>
      %dma_start3A_83 = arith.constant 0 : i32
      %dma_start3A_84 = tpu.memref_slice %arg6[%add3A_59, %dma_start3A_83] : memref<20480x128xf32, #tpu.memory_space<hbm>> -> memref<128x128xf32, #tpu.memory_space<hbm>>
      tpu.enqueue_dma source(%arg9 : memref<128x128xf32, #tpu.memory_space<vmem>>) target(%dma_start3A_84 : memref<128x128xf32, #tpu.memory_space<hbm>>) target_semaphore(%run_scoped3A : memref<!tpu.dma_semaphore, #tpu.memory_space<semaphore_mem>>)
      %dma_wait3A = arith.constant 0 : i32
      %dma_wait3A_85 = tpu.memref_slice %arg6[%add3A_59, %dma_wait3A] : memref<20480x128xf32, #tpu.memory_space<hbm>> -> memref<128x128xf32, #tpu.memory_space<hbm>>
      %dma_wait3A_86 = arith.constant 0 : i32
      %dma_wait3A_87 = tpu.memref_slice %arg6[%add3A_59, %dma_wait3A_86] : memref<20480x128xf32, #tpu.memory_space<hbm>> -> memref<128x128xf32, #tpu.memory_space<hbm>>
      tpu.wait_dma2 semaphore(%run_scoped3A : memref<!tpu.dma_semaphore, #tpu.memory_space<semaphore_mem>>) src(%arg9 : memref<128x128xf32, #tpu.memory_space<vmem>>) dst(%dma_wait3A_87 : memref<128x128xf32, #tpu.memory_space<hbm>>)
      tpu.yield
    }) : () -> ()
    %mul3A_60 = arith.constant 640 : i32
    %mul3A_61 = arith.muli %arg1, %mul3A_60 : i32
    %add3A_62 = arith.constant 384 : i32
    %add3A_63 = arith.addi %mul3A_61, %add3A_62 : i32
    "tpu.region"() ({
      %run_scoped3A = tpu.sem_alloc : memref<!tpu.dma_semaphore, #tpu.memory_space<semaphore_mem>>
      %dma_start3A = arith.constant 0 : i32
      %dma_start3A_82 = tpu.memref_slice %arg11[%add3A_63, %dma_start3A] : memref<10240x128xf32, #tpu.memory_space<vmem_shared>> -> memref<128x128xf32, #tpu.memory_space<vmem_shared>>
      %dma_start3A_83 = arith.constant 0 : i32
      %dma_start3A_84 = tpu.memref_slice %arg11[%add3A_63, %dma_start3A_83] : memref<10240x128xf32, #tpu.memory_space<vmem_shared>> -> memref<128x128xf32, #tpu.memory_space<vmem_shared>>
      tpu.enqueue_dma source(%dma_start3A_84 : memref<128x128xf32, #tpu.memory_space<vmem_shared>>) target(%arg9 : memref<128x128xf32, #tpu.memory_space<vmem>>) target_semaphore(%run_scoped3A : memref<!tpu.dma_semaphore, #tpu.memory_space<semaphore_mem>>)
      %dma_wait3A = arith.constant 0 : i32
      %dma_wait3A_85 = tpu.memref_slice %arg11[%add3A_63, %dma_wait3A] : memref<10240x128xf32, #tpu.memory_space<vmem_shared>> -> memref<128x128xf32, #tpu.memory_space<vmem_shared>>
      %dma_wait3A_86 = arith.constant 0 : i32
      %dma_wait3A_87 = tpu.memref_slice %arg11[%add3A_63, %dma_wait3A_86] : memref<10240x128xf32, #tpu.memory_space<vmem_shared>> -> memref<128x128xf32, #tpu.memory_space<vmem_shared>>
      tpu.wait_dma2 semaphore(%run_scoped3A : memref<!tpu.dma_semaphore, #tpu.memory_space<semaphore_mem>>) src(%dma_wait3A_87 : memref<128x128xf32, #tpu.memory_space<vmem_shared>>) dst(%arg9 : memref<128x128xf32, #tpu.memory_space<vmem>>)
      tpu.yield
    }) : () -> ()
    %mul3A_64 = arith.constant 10240 : i32
    %mul3A_65 = arith.muli %arg0, %mul3A_64 : i32
    %mul3A_66 = arith.constant 640 : i32
    %mul3A_67 = arith.muli %arg1, %mul3A_66 : i32
    %add3A_68 = arith.addi %mul3A_65, %mul3A_67 : i32
    %add3A_69 = arith.constant 384 : i32
    %add3A_70 = arith.addi %add3A_68, %add3A_69 : i32
    "tpu.region"() ({
      %run_scoped3A = tpu.sem_alloc : memref<!tpu.dma_semaphore, #tpu.memory_space<semaphore_mem>>
      %dma_start3A = arith.constant 0 : i32
      %dma_start3A_82 = tpu.memref_slice %arg6[%add3A_70, %dma_start3A] : memref<20480x128xf32, #tpu.memory_space<hbm>> -> memref<128x128xf32, #tpu.memory_space<hbm>>
      %dma_start3A_83 = arith.constant 0 : i32
      %dma_start3A_84 = tpu.memref_slice %arg6[%add3A_70, %dma_start3A_83] : memref<20480x128xf32, #tpu.memory_space<hbm>> -> memref<128x128xf32, #tpu.memory_space<hbm>>
      tpu.enqueue_dma source(%arg9 : memref<128x128xf32, #tpu.memory_space<vmem>>) target(%dma_start3A_84 : memref<128x128xf32, #tpu.memory_space<hbm>>) target_semaphore(%run_scoped3A : memref<!tpu.dma_semaphore, #tpu.memory_space<semaphore_mem>>)
      %dma_wait3A = arith.constant 0 : i32
      %dma_wait3A_85 = tpu.memref_slice %arg6[%add3A_70, %dma_wait3A] : memref<20480x128xf32, #tpu.memory_space<hbm>> -> memref<128x128xf32, #tpu.memory_space<hbm>>
      %dma_wait3A_86 = arith.constant 0 : i32
      %dma_wait3A_87 = tpu.memref_slice %arg6[%add3A_70, %dma_wait3A_86] : memref<20480x128xf32, #tpu.memory_space<hbm>> -> memref<128x128xf32, #tpu.memory_space<hbm>>
      tpu.wait_dma2 semaphore(%run_scoped3A : memref<!tpu.dma_semaphore, #tpu.memory_space<semaphore_mem>>) src(%arg9 : memref<128x128xf32, #tpu.memory_space<vmem>>) dst(%dma_wait3A_87 : memref<128x128xf32, #tpu.memory_space<hbm>>)
      tpu.yield
    }) : () -> ()
    %mul3A_71 = arith.constant 640 : i32
    %mul3A_72 = arith.muli %arg1, %mul3A_71 : i32
    %add3A_73 = arith.constant 512 : i32
    %add3A_74 = arith.addi %mul3A_72, %add3A_73 : i32
    "tpu.region"() ({
      %run_scoped3A = tpu.sem_alloc : memref<!tpu.dma_semaphore, #tpu.memory_space<semaphore_mem>>
      %dma_start3A = arith.constant 0 : i32
      %dma_start3A_82 = tpu.memref_slice %arg11[%add3A_74, %dma_start3A] : memref<10240x128xf32, #tpu.memory_space<vmem_shared>> -> memref<128x128xf32, #tpu.memory_space<vmem_shared>>
      %dma_start3A_83 = arith.constant 0 : i32
      %dma_start3A_84 = tpu.memref_slice %arg11[%add3A_74, %dma_start3A_83] : memref<10240x128xf32, #tpu.memory_space<vmem_shared>> -> memref<128x128xf32, #tpu.memory_space<vmem_shared>>
      tpu.enqueue_dma source(%dma_start3A_84 : memref<128x128xf32, #tpu.memory_space<vmem_shared>>) target(%arg9 : memref<128x128xf32, #tpu.memory_space<vmem>>) target_semaphore(%run_scoped3A : memref<!tpu.dma_semaphore, #tpu.memory_space<semaphore_mem>>)
      %dma_wait3A = arith.constant 0 : i32
      %dma_wait3A_85 = tpu.memref_slice %arg11[%add3A_74, %dma_wait3A] : memref<10240x128xf32, #tpu.memory_space<vmem_shared>> -> memref<128x128xf32, #tpu.memory_space<vmem_shared>>
      %dma_wait3A_86 = arith.constant 0 : i32
      %dma_wait3A_87 = tpu.memref_slice %arg11[%add3A_74, %dma_wait3A_86] : memref<10240x128xf32, #tpu.memory_space<vmem_shared>> -> memref<128x128xf32, #tpu.memory_space<vmem_shared>>
      tpu.wait_dma2 semaphore(%run_scoped3A : memref<!tpu.dma_semaphore, #tpu.memory_space<semaphore_mem>>) src(%dma_wait3A_87 : memref<128x128xf32, #tpu.memory_space<vmem_shared>>) dst(%arg9 : memref<128x128xf32, #tpu.memory_space<vmem>>)
      tpu.yield
    }) : () -> ()
    %mul3A_75 = arith.constant 10240 : i32
    %mul3A_76 = arith.muli %arg0, %mul3A_75 : i32
    %mul3A_77 = arith.constant 640 : i32
    %mul3A_78 = arith.muli %arg1, %mul3A_77 : i32
    %add3A_79 = arith.addi %mul3A_76, %mul3A_78 : i32
    %add3A_80 = arith.constant 512 : i32
    %add3A_81 = arith.addi %add3A_79, %add3A_80 : i32
    "tpu.region"() ({
      %run_scoped3A = tpu.sem_alloc : memref<!tpu.dma_semaphore, #tpu.memory_space<semaphore_mem>>
      %dma_start3A = arith.constant 0 : i32
      %dma_start3A_82 = tpu.memref_slice %arg6[%add3A_81, %dma_start3A] : memref<20480x128xf32, #tpu.memory_space<hbm>> -> memref<128x128xf32, #tpu.memory_space<hbm>>
      %dma_start3A_83 = arith.constant 0 : i32
      %dma_start3A_84 = tpu.memref_slice %arg6[%add3A_81, %dma_start3A_83] : memref<20480x128xf32, #tpu.memory_space<hbm>> -> memref<128x128xf32, #tpu.memory_space<hbm>>
      tpu.enqueue_dma source(%arg9 : memref<128x128xf32, #tpu.memory_space<vmem>>) target(%dma_start3A_84 : memref<128x128xf32, #tpu.memory_space<hbm>>) target_semaphore(%run_scoped3A : memref<!tpu.dma_semaphore, #tpu.memory_space<semaphore_mem>>)
      %dma_wait3A = arith.constant 0 : i32
      %dma_wait3A_85 = tpu.memref_slice %arg6[%add3A_81, %dma_wait3A] : memref<20480x128xf32, #tpu.memory_space<hbm>> -> memref<128x128xf32, #tpu.memory_space<hbm>>
      %dma_wait3A_86 = arith.constant 0 : i32
      %dma_wait3A_87 = tpu.memref_slice %arg6[%add3A_81, %dma_wait3A_86] : memref<20480x128xf32, #tpu.memory_space<hbm>> -> memref<128x128xf32, #tpu.memory_space<hbm>>
      tpu.wait_dma2 semaphore(%run_scoped3A : memref<!tpu.dma_semaphore, #tpu.memory_space<semaphore_mem>>) src(%arg9 : memref<128x128xf32, #tpu.memory_space<vmem>>) dst(%dma_wait3A_87 : memref<128x128xf32, #tpu.memory_space<hbm>>)
      tpu.yield
    }) : () -> ()
    return
  }
}

module attributes {stable_mosaic.version = 14 : i64} {
  func.func @_sage_tc_body(%arg0: i32, %arg1: memref<2x512x128xf32, #tpu.memory_space<vmem>>, %arg2: memref<2x512x128xf32, #tpu.memory_space<vmem>>, %arg3: memref<2x512x128xf32, #tpu.memory_space<vmem>>, %arg4: memref<256x256xf32, #tpu.memory_space<vmem>>, %arg5: memref<256x256xf32, #tpu.memory_space<vmem>>, %arg6: memref<1x256xf32, #tpu.memory_space<vmem>>, %arg7: memref<2x512x128xf32, #tpu.memory_space<vmem>>) attributes {dimension_semantics = [#tpu.dimension_semantics<arbitrary>], iteration_bounds = array<i64: 20>, scalar_prefetch = 0 : i64, scratch_operands = 0 : i64, tpu.core_type = #tpu.core_type<tc>, window_params = [{transform_indices = @transform_0, window_bounds = array<i64: 2, 512, 128>}, {transform_indices = @transform_1, window_bounds = array<i64: 2, 512, 128>}, {transform_indices = @transform_2, window_bounds = array<i64: 2, 512, 128>}, {pipeline_mode = #tpu.pipeline_mode<synchronous>, transform_indices = @transform_3, window_bounds = array<i64: 256, 256>}, {pipeline_mode = #tpu.pipeline_mode<synchronous>, transform_indices = @transform_4, window_bounds = array<i64: 256, 256>}, {pipeline_mode = #tpu.pipeline_mode<synchronous>, transform_indices = @transform_5, window_bounds = array<i64: 1, 256>}, {transform_indices = @transform_6, window_bounds = array<i64: 2, 512, 128>}]} {
    %get3A = arith.constant 0 : index
    %get3A_0 = arith.constant 0 : index
    %get3A_1 = arith.constant 0 : index
    %get3A_2 = vector.load %arg3[%get3A, %get3A_0, %get3A_1] : memref<2x512x128xf32, #tpu.memory_space<vmem>>, vector<1x512x1xf32>
    %get3A_3 = vector.shape_cast %get3A_2 : vector<1x512x1xf32> to vector<512x1xf32>
    %get3A_4 = arith.constant 1 : index
    %get3A_5 = arith.constant 0 : index
    %get3A_6 = arith.constant 0 : index
    %get3A_7 = vector.load %arg3[%get3A_4, %get3A_5, %get3A_6] : memref<2x512x128xf32, #tpu.memory_space<vmem>>, vector<1x512x1xf32>
    %get3A_8 = vector.shape_cast %get3A_7 : vector<1x512x1xf32> to vector<512x1xf32>
    %add3A = arith.addf %get3A_3, %get3A_8 : vector<512x1xf32>
    %max3A = arith.constant 1.000000e+00 : f32
    %max3A_9 = vector.broadcast %max3A : f32 to vector<512x1xf32>
    %max3A_10 = arith.maximumf %add3A, %max3A_9 : vector<512x1xf32>
    %div3A = arith.constant 1.000000e+00 : f32
    %div3A_11 = vector.broadcast %div3A : f32 to vector<512x1xf32>
    %div3A_12 = arith.divf %div3A_11, %max3A_10 : vector<512x1xf32>
    %get3A_13 = arith.constant 0 : index
    %get3A_14 = arith.constant 0 : index
    %get3A_15 = arith.constant 0 : index
    %get3A_16 = vector.load %arg1[%get3A_13, %get3A_14, %get3A_15] : memref<2x512x128xf32, #tpu.memory_space<vmem>>, vector<1x512x128xf32>
    %get3A_17 = vector.shape_cast %get3A_16 : vector<1x512x128xf32> to vector<512x128xf32>
    %get3A_18 = arith.constant 0 : index
    %get3A_19 = arith.constant 0 : index
    %get3A_20 = vector.load %arg4[%get3A_18, %get3A_19] : memref<256x256xf32, #tpu.memory_space<vmem>>, vector<128x256xf32>
    %dot_general3A = arith.constant dense<0.000000e+00> : vector<512x256xf32>
    %dot_general3A_21 = tpu.matmul %get3A_17, %get3A_20, %dot_general3A {dimension_numbers = #tpu.dot_dimension_numbers<[1], [0], [0], [1], [0, 0, 1, 1], [], []>, transpose_lhs_hint = false} : vector<512x128xf32>, vector<128x256xf32>, vector<512x256xf32> -> vector<512x256xf32>
    %get3A_22 = arith.constant 1 : index
    %get3A_23 = arith.constant 0 : index
    %get3A_24 = arith.constant 0 : index
    %get3A_25 = vector.load %arg1[%get3A_22, %get3A_23, %get3A_24] : memref<2x512x128xf32, #tpu.memory_space<vmem>>, vector<1x512x128xf32>
    %get3A_26 = vector.shape_cast %get3A_25 : vector<1x512x128xf32> to vector<512x128xf32>
    %get3A_27 = arith.constant 128 : index
    %get3A_28 = arith.constant 0 : index
    %get3A_29 = vector.load %arg4[%get3A_27, %get3A_28] : memref<256x256xf32, #tpu.memory_space<vmem>>, vector<128x256xf32>
    %dot_general3A_30 = arith.constant dense<0.000000e+00> : vector<512x256xf32>
    %dot_general3A_31 = tpu.matmul %get3A_26, %get3A_29, %dot_general3A_30 {dimension_numbers = #tpu.dot_dimension_numbers<[1], [0], [0], [1], [0, 0, 1, 1], [], []>, transpose_lhs_hint = false} : vector<512x128xf32>, vector<128x256xf32>, vector<512x256xf32> -> vector<512x256xf32>
    %add3A_32 = arith.addf %dot_general3A_21, %dot_general3A_31 : vector<512x256xf32>
    %get3A_33 = arith.constant 0 : index
    %get3A_34 = arith.constant 0 : index
    %get3A_35 = arith.constant 0 : index
    %get3A_36 = vector.load %arg2[%get3A_33, %get3A_34, %get3A_35] : memref<2x512x128xf32, #tpu.memory_space<vmem>>, vector<1x512x128xf32>
    %get3A_37 = vector.shape_cast %get3A_36 : vector<1x512x128xf32> to vector<512x128xf32>
    %mul3A = vector.broadcast %div3A_12 : vector<512x1xf32> to vector<512x128xf32>
    %mul3A_38 = arith.mulf %get3A_37, %mul3A : vector<512x128xf32>
    %get3A_39 = arith.constant 0 : index
    %get3A_40 = arith.constant 0 : index
    %get3A_41 = vector.load %arg5[%get3A_39, %get3A_40] : memref<256x256xf32, #tpu.memory_space<vmem>>, vector<128x256xf32>
    %dot_general3A_42 = arith.constant dense<0.000000e+00> : vector<512x256xf32>
    %dot_general3A_43 = tpu.matmul %mul3A_38, %get3A_41, %dot_general3A_42 {dimension_numbers = #tpu.dot_dimension_numbers<[1], [0], [0], [1], [0, 0, 1, 1], [], []>, transpose_lhs_hint = false} : vector<512x128xf32>, vector<128x256xf32>, vector<512x256xf32> -> vector<512x256xf32>
    %add3A_44 = arith.addf %add3A_32, %dot_general3A_43 : vector<512x256xf32>
    %get3A_45 = arith.constant 1 : index
    %get3A_46 = arith.constant 0 : index
    %get3A_47 = arith.constant 0 : index
    %get3A_48 = vector.load %arg2[%get3A_45, %get3A_46, %get3A_47] : memref<2x512x128xf32, #tpu.memory_space<vmem>>, vector<1x512x128xf32>
    %get3A_49 = vector.shape_cast %get3A_48 : vector<1x512x128xf32> to vector<512x128xf32>
    %mul3A_50 = vector.broadcast %div3A_12 : vector<512x1xf32> to vector<512x128xf32>
    %mul3A_51 = arith.mulf %get3A_49, %mul3A_50 : vector<512x128xf32>
    %get3A_52 = arith.constant 128 : index
    %get3A_53 = arith.constant 0 : index
    %get3A_54 = vector.load %arg5[%get3A_52, %get3A_53] : memref<256x256xf32, #tpu.memory_space<vmem>>, vector<128x256xf32>
    %dot_general3A_55 = arith.constant dense<0.000000e+00> : vector<512x256xf32>
    %dot_general3A_56 = tpu.matmul %mul3A_51, %get3A_54, %dot_general3A_55 {dimension_numbers = #tpu.dot_dimension_numbers<[1], [0], [0], [1], [0, 0, 1, 1], [], []>, transpose_lhs_hint = false} : vector<512x128xf32>, vector<128x256xf32>, vector<512x256xf32> -> vector<512x256xf32>
    %add3A_57 = arith.addf %add3A_44, %dot_general3A_56 : vector<512x256xf32>
    %get3A_58 = arith.constant 0 : index
    %get3A_59 = arith.constant 0 : index
    %get3A_60 = vector.load %arg6[%get3A_58, %get3A_59] : memref<1x256xf32, #tpu.memory_space<vmem>>, vector<1x256xf32>
    %add3A_61 = vector.broadcast %get3A_60 : vector<1x256xf32> to vector<512x256xf32>
    %add3A_62 = arith.addf %add3A_57, %add3A_61 : vector<512x256xf32>
    %max3A_63 = arith.constant 0.000000e+00 : f32
    %max3A_64 = vector.broadcast %max3A_63 : f32 to vector<512x256xf32>
    %max3A_65 = arith.maximumf %add3A_62, %max3A_64 : vector<512x256xf32>
    %slice3A = vector.extract_strided_slice %max3A_65 {offsets = [0, 0], sizes = [512, 128], strides = [1, 1]} : vector<512x256xf32> to vector<512x128xf32>
    %swap3A = arith.constant 0 : index
    %swap3A_66 = arith.constant 0 : index
    %swap3A_67 = arith.constant 0 : index
    %swap3A_68 = vector.load %arg7[%swap3A, %swap3A_66, %swap3A_67] : memref<2x512x128xf32, #tpu.memory_space<vmem>>, vector<1x512x128xf32>
    %swap3A_69 = vector.shape_cast %swap3A_68 : vector<1x512x128xf32> to vector<512x128xf32>
    %swap3A_70 = vector.shape_cast %slice3A : vector<512x128xf32> to vector<1x512x128xf32>
    tpu.vector_store %arg7[%swap3A, %swap3A_66, %swap3A_67], %swap3A_70 {strides = array<i32>} : memref<2x512x128xf32, #tpu.memory_space<vmem>>, vector<1x512x128xf32>,
    %slice3A_71 = vector.extract_strided_slice %max3A_65 {offsets = [0, 128], sizes = [512, 128], strides = [1, 1]} : vector<512x256xf32> to vector<512x128xf32>
    %swap3A_72 = arith.constant 1 : index
    %swap3A_73 = arith.constant 0 : index
    %swap3A_74 = arith.constant 0 : index
    %swap3A_75 = vector.load %arg7[%swap3A_72, %swap3A_73, %swap3A_74] : memref<2x512x128xf32, #tpu.memory_space<vmem>>, vector<1x512x128xf32>
    %swap3A_76 = vector.shape_cast %swap3A_75 : vector<1x512x128xf32> to vector<512x128xf32>
    %swap3A_77 = vector.shape_cast %slice3A_71 : vector<512x128xf32> to vector<1x512x128xf32>
    tpu.vector_store %arg7[%swap3A_72, %swap3A_73, %swap3A_74], %swap3A_77 {strides = array<i32>} : memref<2x512x128xf32, #tpu.memory_space<vmem>>, vector<1x512x128xf32>,
    return
  }
  func.func @transform_0(%arg0: i32) -> (i32, i32, i32) {
    %c0_i32 = arith.constant 0 : i32
    %c0_i32_0 = arith.constant 0 : i32
    %c0_i32_1 = arith.constant 0 : i32
    return %c0_i32, %arg0, %c0_i32_0 : i32, i32, i32
  }
  func.func @transform_1(%arg0: i32) -> (i32, i32, i32) {
    %c0_i32 = arith.constant 0 : i32
    %c0_i32_0 = arith.constant 0 : i32
    %c0_i32_1 = arith.constant 0 : i32
    return %c0_i32, %arg0, %c0_i32_0 : i32, i32, i32
  }
  func.func @transform_2(%arg0: i32) -> (i32, i32, i32) {
    %c0_i32 = arith.constant 0 : i32
    %c0_i32_0 = arith.constant 0 : i32
    %c0_i32_1 = arith.constant 0 : i32
    return %c0_i32, %arg0, %c0_i32_0 : i32, i32, i32
  }
  func.func @transform_3(%arg0: i32) -> (i32, i32) {
    %c0_i32 = arith.constant 0 : i32
    %c0_i32_0 = arith.constant 0 : i32
    %c0_i32_1 = arith.constant 0 : i32
    return %c0_i32, %c0_i32_0 : i32, i32
  }
  func.func @transform_4(%arg0: i32) -> (i32, i32) {
    %c0_i32 = arith.constant 0 : i32
    %c0_i32_0 = arith.constant 0 : i32
    %c0_i32_1 = arith.constant 0 : i32
    return %c0_i32, %c0_i32_0 : i32, i32
  }
  func.func @transform_5(%arg0: i32) -> (i32, i32) {
    %c0_i32 = arith.constant 0 : i32
    %c0_i32_0 = arith.constant 0 : i32
    %c0_i32_1 = arith.constant 0 : i32
    return %c0_i32, %c0_i32_0 : i32, i32
  }
  func.func @transform_6(%arg0: i32) -> (i32, i32, i32) {
    %c0_i32 = arith.constant 0 : i32
    %c0_i32_0 = arith.constant 0 : i32
    %c0_i32_1 = arith.constant 0 : i32
    return %c0_i32, %arg0, %c0_i32_0 : i32, i32, i32
  }
}

module attributes {stable_mosaic.version = 14 : i64} {
  func.func @_pool_body(%arg0: i32, %arg1: memref<1x1x512xi32, #tpu.memory_space<vmem>>, %arg2: memref<2x512x128xf32, #tpu.memory_space<vmem>>, %arg3: memref<256x256xf32, #tpu.memory_space<vmem>>, %arg4: memref<1x256xf32, #tpu.memory_space<vmem>>, %arg5: memref<256x64xf32, #tpu.memory_space<vmem>>, %arg6: memref<1x64xf32, #tpu.memory_space<vmem>>, %arg7: memref<64x64xf32, #tpu.memory_space<vmem>>, %arg8: memref<64x256xf32, #tpu.memory_space<vmem>>, %arg9: memref<64x128xf32, #tpu.memory_space<vmem>>) attributes {dimension_semantics = [#tpu.dimension_semantics<arbitrary>], iteration_bounds = array<i64: 20>, scalar_prefetch = 0 : i64, scratch_operands = 2 : i64, tpu.core_type = #tpu.core_type<tc>, window_params = [{transform_indices = @transform_0, window_bounds = array<i64: 1, 1, 512>}, {transform_indices = @transform_1, window_bounds = array<i64: 2, 512, 128>}, {pipeline_mode = #tpu.pipeline_mode<synchronous>, transform_indices = @transform_2, window_bounds = array<i64: 256, 256>}, {pipeline_mode = #tpu.pipeline_mode<synchronous>, transform_indices = @transform_3, window_bounds = array<i64: 1, 256>}, {pipeline_mode = #tpu.pipeline_mode<synchronous>, transform_indices = @transform_4, window_bounds = array<i64: 256, 64>}, {pipeline_mode = #tpu.pipeline_mode<synchronous>, transform_indices = @transform_5, window_bounds = array<i64: 1, 64>}, {pipeline_mode = #tpu.pipeline_mode<synchronous>, transform_indices = @transform_6, window_bounds = array<i64: 64, 64>}]} {
    %eq3A = arith.constant 0 : i32
    %eq3A_0 = arith.cmpi eq, %arg0, %eq3A : i32
    %convert_element_type3A = arith.extui %eq3A_0 : i1 to i32
    %cond3A = arith.constant 0 : i32
    %cond3A_1 = arith.cmpi ne, %convert_element_type3A, %cond3A : i32
    scf.if %cond3A_1 {
      %broadcast_in_dim3A_40 = arith.constant 0.000000e+00 : f32
      %broadcast_in_dim3A_41 = vector.broadcast %broadcast_in_dim3A_40 : f32 to vector<64x256xf32>
      %swap3A_42 = arith.constant 0 : index
      %swap3A_43 = arith.constant 0 : index
      %swap3A_44 = vector.load %arg8[%swap3A_42, %swap3A_43] : memref<64x256xf32, #tpu.memory_space<vmem>>, vector<64x256xf32>
      tpu.vector_store %arg8[%swap3A_42, %swap3A_43], %broadcast_in_dim3A_41 {strides = array<i32>} : memref<64x256xf32, #tpu.memory_space<vmem>>, vector<64x256xf32>,
      %broadcast_in_dim3A_45 = arith.constant 0.000000e+00 : f32
      %broadcast_in_dim3A_46 = vector.broadcast %broadcast_in_dim3A_45 : f32 to vector<64x128xf32>
      %swap3A_47 = arith.constant 0 : index
      %swap3A_48 = arith.constant 0 : index
      %swap3A_49 = vector.load %arg9[%swap3A_47, %swap3A_48] : memref<64x128xf32, #tpu.memory_space<vmem>>, vector<64x128xf32>
      tpu.vector_store %arg9[%swap3A_47, %swap3A_48], %broadcast_in_dim3A_46 {strides = array<i32>} : memref<64x128xf32, #tpu.memory_space<vmem>>, vector<64x128xf32>,
    } else {
    }
    %get3A = arith.constant 0 : index
    %get3A_2 = arith.constant 0 : index
    %get3A_3 = arith.constant 0 : index
    %get3A_4 = vector.load %arg2[%get3A, %get3A_2, %get3A_3] : memref<2x512x128xf32, #tpu.memory_space<vmem>>, vector<1x512x128xf32>
    %get3A_5 = vector.shape_cast %get3A_4 : vector<1x512x128xf32> to vector<512x128xf32>
    %get3A_6 = arith.constant 1 : index
    %get3A_7 = arith.constant 0 : index
    %get3A_8 = arith.constant 0 : index
    %get3A_9 = vector.load %arg2[%get3A_6, %get3A_7, %get3A_8] : memref<2x512x128xf32, #tpu.memory_space<vmem>>, vector<1x512x128xf32>
    %get3A_10 = vector.shape_cast %get3A_9 : vector<1x512x128xf32> to vector<512x128xf32>
    %concatenate3A = tpu.concatenate %get3A_5, %get3A_10 in 1 : vector<512x128xf32>, vector<512x128xf32> -> vector<512x256xf32>
    %get3A_11 = arith.constant 0 : index
    %get3A_12 = arith.constant 0 : index
    %get3A_13 = arith.constant 0 : index
    %get3A_14 = vector.load %arg1[%get3A_11, %get3A_12, %get3A_13] : memref<1x1x512xi32, #tpu.memory_space<vmem>>, vector<1x1x512xi32>
    %get3A_15 = vector.shape_cast %get3A_14 : vector<1x1x512xi32> to vector<1x512xi32>
    %iota3A = tpu.iota {dimensions = array<i32: 0>} : vector<64x512xi32>
    %eq3A_16 = vector.broadcast %get3A_15 : vector<1x512xi32> to vector<64x512xi32>
    %eq3A_17 = arith.cmpi eq, %iota3A, %eq3A_16 : vector<64x512xi32>
    %convert_element_type3A_18 = arith.extui %eq3A_17 : vector<64x512xi1> to vector<64x512xi32>
    %convert_element_type3A_19 = arith.sitofp %convert_element_type3A_18 : vector<64x512xi32> to vector<64x512xf32>
    %get3A_20 = arith.constant 0 : index
    %get3A_21 = arith.constant 0 : index
    %get3A_22 = vector.load %arg8[%get3A_20, %get3A_21] : memref<64x256xf32, #tpu.memory_space<vmem>>, vector<64x256xf32>
    %dot_general3A = arith.constant dense<0.000000e+00> : vector<64x256xf32>
    %dot_general3A_23 = tpu.matmul %convert_element_type3A_19, %concatenate3A, %dot_general3A {dimension_numbers = #tpu.dot_dimension_numbers<[1], [0], [0], [1], [0, 0, 1, 1], [], []>, transpose_lhs_hint = false} : vector<64x512xf32>, vector<512x256xf32>, vector<64x256xf32> -> vector<64x256xf32>
    %add3A = arith.addf %get3A_22, %dot_general3A_23 : vector<64x256xf32>
    %swap3A = arith.constant 0 : index
    %swap3A_24 = arith.constant 0 : index
    %swap3A_25 = vector.load %arg8[%swap3A, %swap3A_24] : memref<64x256xf32, #tpu.memory_space<vmem>>, vector<64x256xf32>
    tpu.vector_store %arg8[%swap3A, %swap3A_24], %add3A {strides = array<i32>} : memref<64x256xf32, #tpu.memory_space<vmem>>, vector<64x256xf32>,
    %get3A_26 = arith.constant 0 : index
    %get3A_27 = arith.constant 0 : index
    %get3A_28 = vector.load %arg9[%get3A_26, %get3A_27] : memref<64x128xf32, #tpu.memory_space<vmem>>, vector<64x128xf32>
    %reduce_sum3A = arith.constant dense<0.000000e+00> : vector<64xf32>
    %reduce_sum3A_29 = vector.multi_reduction <add>, %convert_element_type3A_19, %reduce_sum3A [1] : vector<64x512xf32> to vector<64xf32>
    %broadcast_in_dim3A = vector.shape_cast %reduce_sum3A_29 : vector<64xf32> to vector<64x1xf32>
    %add3A_30 = vector.broadcast %broadcast_in_dim3A : vector<64x1xf32> to vector<64x128xf32>
    %add3A_31 = arith.addf %get3A_28, %add3A_30 : vector<64x128xf32>
    %swap3A_32 = arith.constant 0 : index
    %swap3A_33 = arith.constant 0 : index
    %swap3A_34 = vector.load %arg9[%swap3A_32, %swap3A_33] : memref<64x128xf32, #tpu.memory_space<vmem>>, vector<64x128xf32>
    tpu.vector_store %arg9[%swap3A_32, %swap3A_33], %add3A_31 {strides = array<i32>} : memref<64x128xf32, #tpu.memory_space<vmem>>, vector<64x128xf32>,
    %eq3A_35 = arith.constant 19 : i32
    %eq3A_36 = arith.cmpi eq, %arg0, %eq3A_35 : i32
    %convert_element_type3A_37 = arith.extui %eq3A_36 : i1 to i32
    %cond3A_38 = arith.constant 0 : i32
    %cond3A_39 = arith.cmpi ne, %convert_element_type3A_37, %cond3A_38 : i32
    scf.if %cond3A_39 {
      %get3A_40 = arith.constant 0 : index
      %get3A_41 = arith.constant 0 : index
      %get3A_42 = vector.load %arg8[%get3A_40, %get3A_41] : memref<64x256xf32, #tpu.memory_space<vmem>>, vector<64x256xf32>
      %get3A_43 = arith.constant 0 : index
      %get3A_44 = arith.constant 0 : index
      %get3A_45 = vector.load %arg9[%get3A_43, %get3A_44] : memref<64x128xf32, #tpu.memory_space<vmem>>, vector<64x128xf32>
      %slice3A = vector.extract_strided_slice %get3A_45 {offsets = [0, 0], sizes = [64, 1], strides = [1, 1]} : vector<64x128xf32> to vector<64x1xf32>
      %max3A = arith.constant 1.000000e+00 : f32
      %max3A_46 = vector.broadcast %max3A : f32 to vector<64x1xf32>
      %max3A_47 = arith.maximumf %slice3A, %max3A_46 : vector<64x1xf32>
      %div3A = vector.broadcast %max3A_47 : vector<64x1xf32> to vector<64x256xf32>
      %div3A_48 = arith.divf %get3A_42, %div3A : vector<64x256xf32>
      %get3A_49 = arith.constant 0 : index
      %get3A_50 = arith.constant 0 : index
      %get3A_51 = vector.load %arg3[%get3A_49, %get3A_50] : memref<256x256xf32, #tpu.memory_space<vmem>>, vector<256x256xf32>
      %dot_general3A_52 = arith.constant dense<0.000000e+00> : vector<64x256xf32>
      %dot_general3A_53 = tpu.matmul %div3A_48, %get3A_51, %dot_general3A_52 {dimension_numbers = #tpu.dot_dimension_numbers<[1], [0], [0], [1], [0, 0, 1, 1], [], []>, transpose_lhs_hint = false} : vector<64x256xf32>, vector<256x256xf32>, vector<64x256xf32> -> vector<64x256xf32>
      %get3A_54 = arith.constant 0 : index
      %get3A_55 = arith.constant 0 : index
      %get3A_56 = vector.load %arg4[%get3A_54, %get3A_55] : memref<1x256xf32, #tpu.memory_space<vmem>>, vector<1x256xf32>
      %add3A_57 = vector.broadcast %get3A_56 : vector<1x256xf32> to vector<64x256xf32>
      %add3A_58 = arith.addf %dot_general3A_53, %add3A_57 : vector<64x256xf32>
      %max3A_59 = arith.constant 0.000000e+00 : f32
      %max3A_60 = vector.broadcast %max3A_59 : f32 to vector<64x256xf32>
      %max3A_61 = arith.maximumf %add3A_58, %max3A_60 : vector<64x256xf32>
      %get3A_62 = arith.constant 0 : index
      %get3A_63 = arith.constant 0 : index
      %get3A_64 = vector.load %arg5[%get3A_62, %get3A_63] : memref<256x64xf32, #tpu.memory_space<vmem>>, vector<256x64xf32>
      %dot_general3A_65 = arith.constant dense<0.000000e+00> : vector<64x64xf32>
      %dot_general3A_66 = tpu.matmul %max3A_61, %get3A_64, %dot_general3A_65 {dimension_numbers = #tpu.dot_dimension_numbers<[1], [0], [0], [1], [0, 0, 1, 1], [], []>, transpose_lhs_hint = false} : vector<64x256xf32>, vector<256x64xf32>, vector<64x64xf32> -> vector<64x64xf32>
      %get3A_67 = arith.constant 0 : index
      %get3A_68 = arith.constant 0 : index
      %get3A_69 = vector.load %arg6[%get3A_67, %get3A_68] : memref<1x64xf32, #tpu.memory_space<vmem>>, vector<1x64xf32>
      %add3A_70 = vector.broadcast %get3A_69 : vector<1x64xf32> to vector<64x64xf32>
      %add3A_71 = arith.addf %dot_general3A_66, %add3A_70 : vector<64x64xf32>
      %swap3A_72 = arith.constant 0 : index
      %swap3A_73 = arith.constant 0 : index
      %swap3A_74 = vector.load %arg7[%swap3A_72, %swap3A_73] : memref<64x64xf32, #tpu.memory_space<vmem>>, vector<64x64xf32>
      tpu.vector_store %arg7[%swap3A_72, %swap3A_73], %add3A_71 {strides = array<i32>} : memref<64x64xf32, #tpu.memory_space<vmem>>, vector<64x64xf32>,
    } else {
    }
    return
  }
  func.func @transform_0(%arg0: i32) -> (i32, i32, i32) {
    %c0_i32 = arith.constant 0 : i32
    %c0_i32_0 = arith.constant 0 : i32
    %c0_i32_1 = arith.constant 0 : i32
    return %arg0, %c0_i32, %c0_i32_0 : i32, i32, i32
  }
  func.func @transform_1(%arg0: i32) -> (i32, i32, i32) {
    %c0_i32 = arith.constant 0 : i32
    %c0_i32_0 = arith.constant 0 : i32
    %c0_i32_1 = arith.constant 0 : i32
    return %c0_i32, %arg0, %c0_i32_0 : i32, i32, i32
  }
  func.func @transform_2(%arg0: i32) -> (i32, i32) {
    %c0_i32 = arith.constant 0 : i32
    %c0_i32_0 = arith.constant 0 : i32
    %c0_i32_1 = arith.constant 0 : i32
    return %c0_i32, %c0_i32_0 : i32, i32
  }
  func.func @transform_3(%arg0: i32) -> (i32, i32) {
    %c0_i32 = arith.constant 0 : i32
    %c0_i32_0 = arith.constant 0 : i32
    %c0_i32_1 = arith.constant 0 : i32
    return %c0_i32, %c0_i32_0 : i32, i32
  }
  func.func @transform_4(%arg0: i32) -> (i32, i32) {
    %c0_i32 = arith.constant 0 : i32
    %c0_i32_0 = arith.constant 0 : i32
    %c0_i32_1 = arith.constant 0 : i32
    return %c0_i32, %c0_i32_0 : i32, i32
  }
  func.func @transform_5(%arg0: i32) -> (i32, i32) {
    %c0_i32 = arith.constant 0 : i32
    %c0_i32_0 = arith.constant 0 : i32
    %c0_i32_1 = arith.constant 0 : i32
    return %c0_i32, %c0_i32_0 : i32, i32
  }
  func.func @transform_6(%arg0: i32) -> (i32, i32) {
    %c0_i32 = arith.constant 0 : i32
    %c0_i32_0 = arith.constant 0 : i32
    %c0_i32_1 = arith.constant 0 : i32
    return %c0_i32, %c0_i32_0 : i32, i32
  }
}

</mosaic_0001>

<sc_bundles>
// kernel: kernel.10.cloned.1.call-start
scs
__scs_entry_jumppad:
0x0: {  	(pc) =	sbr.rel $0x88, $3  }
0x1: {  	(tag) =	ssettag $0x0;
	lr =	simm.s32 $0x1  }
0x2: {  	[smem:$0x3F8E] =	sst lr;
	_ =	strace $0xD0000000  }
0x3: {  	_ = 	snop  }
0x4: {  	_ = 	snop  }
0x5: {  	_ = 	snop  }
0x6: {  	_ = 	snop  }
0x7: {  	_ = 	snop  }
__scs_overlays_trampoline_lowered:
0x8: {  	[smem:$0x3F9D] =	sst s0  }
0x9: {  	[smem:$0x3F9E] =	sst s1  }
0xa: {  	[smem:$0x3F9F] =	sst s2  }
0xb: {  	[smem:$0x3FA0] =	sst s3  }
0xc: {  	[smem:$0x3FA1] =	sst s4  }
0xd: {  	[smem:$0x3FA2] =	sst s5  }
0xe: {  	[smem:$0x3FA3] =	sst s6  }
0xf: {  	[smem:$0x3FA4] =	sst s7  }
0x10: {  	[smem:$0x3FA5] =	sst s8  }
0x11: {  	[smem:$0x3FA6] =	sst s9;
	s0 =	simm.s32 @!p0 $0x0  }
0x12: {  	s1 =	sld [smem:$0x3F8C];
	s0 =	simm.s32 @p0 $0x1  }
0x13: {  	[smem:$0x3FA7] =	sst s0;
	s0 =	simm.s32 @!p1 $0x0  }
0x14: {  	s2 =	sld [smem:$0x3F8B];
	s0 =	simm.s32 @p1 $0x1  }
0x15: {  	[smem:$0x3FA8] =	sst s0;
	s0 =	simm.s32 @!p2 $0x0  }
0x16: {  	s3 =	sld [smem:$0x3FDB];
	s0 =	simm.s32 @p2 $0x1  }
0x17: {  	s4 =	simm.s32 $0x1BF5;
	[smem:$0x3FAA] =	sst s0  }
0x18: {  	s0 =	sld [smem:$0x3F8D];
	_ =	swait.ge [sflag:s4], $0x0  }
0x19: {  	s7 =	sld [smem:$0x3F8E]  }
0x1a: {  	s8 =	sadd.s32 $0xFFFFE003, lr  }
0x1b: {  	s9 =	sadd.s32 $0xFFFFFEF7, lr;
	s5 =	simm.s32 $0xFFFFFFFF;
	p2 =	slt.u32 s8, $0xFFFFF086  }
0x1c: {  	p1 =	slt.u32 s9, $0xF7A;
	s5 =	simm.s32 @!p2 $0x0  }
0x1d: {  	s5 =	simm.s32 @p1 $0x1;
	p0 =	seq.s32 s7, s2  }
0x1e: {  	s7 =	smul.u32 @!p0 $0xF7A, s2;
	p2 =	seq.s32 @!p0 s5, $0x0  }
0x1f: {  	s9 =	smul.u32 $0xF7A, s1;
	s8 =	simm.s32 @!p0 $0x1BF5;
	p2 =	por !p2, p0  }
0x20: {  	[sflag:s8] =	ssyncset.s32 @!p0 $0xFFFFF086;
	s6 =	sadd.s32 @!p0 s3, s7;
	s7 =	simm.s32 @!p0 $0x108  }
0x21: {  	s3 =	sadd.s32 s3, s9;
	s6 =	sadd.s32 @!p0 $0x88, s6;
	s7 =	simm.s32 @p2 $0x1082  }
0x22: {  	[simem:s7], [sflag:s8] =	dma.local @!p0 [hbm:s6], $0xF7A  }
0x23: {  	s9 =	sor.u32 $0xD0000000, s2;
	s6 =	simm.s32 $0x108;
	_ =	swait.ge @!p0 [sflag:s8], $0x0  }
0x24: {  	s3 =	sadd.s32 $0x88, s3;
	s6 =	simm.s32 @!p1 $0x1082;
	[sflag:s4] =	ssyncset.s32 $0xFFFFF086  }
0x25: {  	[simem:s6], [sflag:s4] =	dma.local [hbm:s3], $0xF7A  }
0x26: {  	[smem:$0x3F8E] =	sst s1;
	(tag) =	ssettag s2;
	_ =	strace s9  }
0x27: {  	s1 =	sld [smem:$0x3F9E]  }
0x28: {  	s2 =	sld [smem:$0x3F9F]  }
0x29: {  	s4 =	sld [smem:$0x3FA1]  }
0x2a: {  	p0 =	seq.s32 s5, $0x0;
	s5 =	sld [smem:$0x3FA2]  }
0x2b: {  	s6 =	sld [smem:$0x3FA3]  }
0x2c: {  	s7 =	sld [smem:$0x3FA4]  }
0x2d: {  	s3 =	simm.s32 $0x108;
	s8 =	sld [smem:$0x3FA5]  }
0x2e: {  	s3 =	simm.s32 @!p0 $0x1082;
	s9 =	sld [smem:$0x3FA6]  }
0x2f: {  	lr =	sadd.s32 s0, s3;
	s0 =	sld [smem:$0x3F9D]  }
0x30: {  	s3 =	sld [smem:$0x3FA0]  }
0x31: {  	[smem:$0x3FA9] =	sst s10  }
0x32: {  	s10 =	sld [smem:$0x3FA7];
	_ =	sdelay $0x3  }
0x33: {  	p0 =	seq.s32 s10, $0x1;
	s10 =	sld [smem:$0x3FA9];
	_ =	sdelay $0x3  }
0x34: {  	[smem:$0x3FA9] =	sst s10  }
0x35: {  	s10 =	sld [smem:$0x3FA8];
	_ =	sdelay $0x3  }
0x36: {  	p1 =	seq.s32 s10, $0x1;
	s10 =	sld [smem:$0x3FA9];
	_ =	sdelay $0x3  }
0x37: {  	[smem:$0x3FA9] =	sst s10  }
0x38: {  	s10 =	sld [smem:$0x3FAA]  }
0x39: {  	_ = 	snop;
	(pc) =	sbr.ind lr, $3  }
0x3a: {  	_ = 	snop  }
0x3b: {  	_ = 	snop  }
0x3c: {  	p2 =	seq.s32 s10, $0x1;
	s10 =	sld [smem:$0x3FA9]  }
0x3d: {  	_ =	shalt  }
0x3e: {  	_ =	shalt  }
0x3f: {  	_ =	shalt  }
0x40: {  	_ =	shalt  }
0x41: {  	_ =	shalt  }
0x42: {  	_ =	shalt  }
0x43: {  	_ =	shalt  }
0x44: {  	_ =	shalt  }
0x45: {  	_ =	shalt  }
0x46: {  	_ =	shalt  }
0x47: {  	_ =	shalt  }
0x48: {  	_ =	shalt  }
0x49: {  	_ =	shalt  }
0x4a: {  	_ =	shalt  }
0x4b: {  	_ =	shalt  }
0x4c: {  	_ =	shalt  }
0x4d: {  	_ =	shalt  }
0x4e: {  	_ =	shalt  }
0x4f: {  	_ =	shalt  }
0x50: {  	_ =	shalt  }
0x51: {  	_ =	shalt  }
0x52: {  	_ =	shalt  }
0x53: {  	_ =	shalt  }
0x54: {  	_ =	shalt  }
0x55: {  	_ =	shalt  }
0x56: {  	_ =	shalt  }
0x57: {  	_ =	shalt  }
0x58: {  	_ =	shalt  }
0x59: {  	_ =	shalt  }
0x5a: {  	_ =	shalt  }
0x5b: {  	_ =	shalt  }
0x5c: {  	_ =	shalt  }
0x5d: {  	_ =	shalt  }
0x5e: {  	_ =	shalt  }
0x5f: {  	_ =	shalt  }
0x60: {  	_ =	shalt  }
0x61: {  	_ =	shalt  }
0x62: {  	_ =	shalt  }
0x63: {  	_ =	shalt  }
0x64: {  	_ =	shalt  }
0x65: {  	_ =	shalt  }
0x66: {  	_ =	shalt  }
0x67: {  	_ =	shalt  }
0x68: {  	_ =	shalt  }
0x69: {  	_ =	shalt  }
0x6a: {  	_ =	shalt  }
0x6b: {  	_ =	shalt  }
0x6c: {  	_ =	shalt  }
0x6d: {  	_ =	shalt  }
0x6e: {  	_ =	shalt  }
0x6f: {  	_ =	shalt  }
0x70: {  	_ =	shalt  }
0x71: {  	_ =	shalt  }
0x72: {  	_ =	shalt  }
0x73: {  	_ =	shalt  }
0x74: {  	_ =	shalt  }
0x75: {  	_ =	shalt  }
0x76: {  	_ =	shalt  }
0x77: {  	_ =	shalt  }
0x78: {  	_ =	shalt  }
0x79: {  	_ =	shalt  }
0x7a: {  	_ =	shalt  }
0x7b: {  	_ =	shalt  }
0x7c: {  	_ =	shalt  }
0x7d: {  	_ =	shalt  }
0x7e: {  	_ =	shalt  }
0x7f: {  	_ =	shalt  }
0x80: {  	_ =	shalt  }
0x81: {  	_ =	shalt  }
0x82: {  	_ =	shalt  }
0x83: {  	_ =	shalt  }
0x84: {  	_ =	shalt  }
0x85: {  	_ =	shalt  }
0x86: {  	_ =	shalt  }
0x87: {  	_ =	shalt  }
.Lfunc_end0:
.L_simem_size_0:
called_computation_lowered:
.L_overlay_start_0:
0x88: {  	s2 =	sld [smem:$0x3FD9]  }
0x89: {  	s3 =	sld [smem:$0x3FFE];
	_ =	sdelay $0x1  }
0x8a: {  	s1 =	srdreg.scid  }
0x8b: {  	s0 =	sand.u32 $0x1, s1  }
0x8c: {  	s17 =	sshll.u32 s0, $0xA;
	s2 =	sadd.s32 s3, s2  }
0x8d: {  	s2 =	sadd.s32 s2, s17  }
0x8e: {  	[smem:$0x3FB5] =	sst s2  }
0x8f: {  	_ = 	snop  }
0x90: {  	(tm) =	ssettm $0x1  }
0x91: {  	s18 =	sld [smem:$0x3FFB];
	_ =	sdelay $0x3  }
0x92: {  	_ =	strace s18  }
0x93: {  	s2 =	sld [smem:$0x3FFC];
	_ =	sdelay $0x3  }
0x94: {  	_ =	strace s2  }
0x95: {  	s2 =	sld [smem:$0x3FFD];
	_ =	sdelay $0x3  }
0x96: {  	_ =	strace s2  }
0x97: {  	_ =	strace $0x8FFFFFFF  }
0x98: {  	s19 =	sld [smem:$0x3FDB];
	_ =	sdelay $0x1  }
0x99: {  	s20 =	simm.s32 $_scs_section_size  }
0x9a: {  	s4 =	simm.s32 $_size__tile_overlayer_lowered;
	s5 =	simm.s32 $_tile_overlayer_lowered  }
0x9b: {  	s6 =	simm.s32 $0x1BFF;
	s21 =	sshll.u32 s5, $0x1;
	s3 =	sadd.s32 s20, s19  }
0x9c: {  	s22 =	simm.s32 $0x0;
	s4 =	sshll.u32 s4, $0x1;
	s5 =	sadd.s32 s21, s3  }
0x9d: {  	[timem:s22], [sflag:s6] =	dma.local [hbm:s5], s4  }
0x9e: {  	_ =	swait.ge [sflag:s6], s4  }
0x9f: {  	s4 =	ssub.s32 $0x0, s4;
	[sflag:s6] =	ssyncset.done $0x0  }
0xa0: {  	[sflag:s6] =	ssyncadd.s32 s4;
	_ =	sdelay $0x1  }
0xa1: {  	s23 =	simm.s32 $0x1B8B  }
0xa2: {  	_ =	swait.ge [sflag:s23], $0x1  }
0xa3: {  	[sflag:s23] =	ssyncset.done $0x0  }
0xa4: {  	[sflag:s23] =	ssyncadd.s32 $0xFFFFFFFF  }
0xa5: {  	s4 =	sld [smem:$0x0]  }
0xa6: {  	s5 =	sand.u32 $0xFFFFFFFE, s1  }
0xa7: {  	p0 =	sne.s32 s1, s5  }
0xa8: {  	s5 =	sshll.u32 @p0 s5, $0xE  }
0xa9: {  	s5 =	sadd.s32 @p0 $0x11B8D, s5;
	s6 =	sshll.u32 @p0 s4, $0x11  }
0xaa: {  	s5 =	sor.u32 @p0 s6, s5  }
0xab: {  	[sflag:s5] =	ssyncadd.remote.s32 @p0 $0x1;
	_ =	sdelay $0x1  }
0xac: {  	s5 =	simm.s32 @p0 $0x1B8D  }
0xad: {  	_ =	swait.eq @p0 [sflag:s5], $0x1  }
0xae: {  	[sflag:s5] =	ssyncadd.s32 @p0 $0xFFFFFFFF  }
0xaf: {  	s6 =	sshll.u32 @!p0 s1, $0xE  }
0xb0: {  	s6 =	sor.u32 @!p0 $0x4000, s6;
	s5 =	simm.s32 @!p0 $0x1B8D  }
0xb1: {  	s4 =	sshll.u32 @!p0 s4, $0x11;
	s6 =	sadd.s32 @!p0 $0x11B8D, s6;
	_ =	swait.eq @!p0 [sflag:s5], $0x1  }
0xb2: {  	s4 =	sor.u32 @!p0 s4, s6;
	[sflag:s5] =	ssyncadd.s32 @!p0 $0xFFFFFFFF  }
0xb3: {  	s25 =	simm.s32 $0x1B8E;
	s24 =	sld [smem:$0x3FFE];
	[sflag:s4] =	ssyncadd.remote.s32 @!p0 $0x1  }
0xb4: {  	s26 =	simm.s32 $execute0_lowered;
	[smem:$0x3FD2] =	sst s25  }
0xb5: {  	s5 =	sshll.u32 s26, $0x1;
	_ =	strace $0x80000049;
	[dreg:$0x1] =	wrdreg $0xFFFFFFFF  }
0xb6: {  	s28 =	simm.s32 $_size_execute0_lowered;
	s3 =	sadd.s32 s3, s5;
	[dreg:$0x0] =	wrdreg $0x0  }
0xb7: {  	s5 =	sshll.u32 s28, $0x1;
	[dreg:$0x2] =	wrdreg s3  }
0xb8: {  	[dreg:$0x3] =	wrdreg s5  }
0xb9: {  	[dreg:$0x4] =	wrdreg $0xC0  }
0xba: {  	_ =	task [dreg:s22], $0x5FFFF  }
0xbb: {  	[dreg:$0x1] =	wrdreg $0xFFFFFFFF  }
0xbc: {  	[dreg:$0x0] =	wrdreg $0x60  }
0xbd: {  	[dreg:$0x2] =	wrdreg s24  }
0xbe: {  	[dreg:$0x3] =	wrdreg $0xA8000  }
0xbf: {  	[dreg:$0x4] =	wrdreg $0x9  }
0xc0: {  	_ =	task.clear_ibuf [dreg:s22], $0x5FFFF;
	_ =	strace $0x90000049  }
0xc1: {  	s29 =	simm.s32 $0x9;
	_ =	strace $0x8000004B  }
0xc2: {  	_ =	swait.ge [sflag:s29], $0x1  }
0xc3: {  	[sflag:s29] =	ssyncadd.s32 $0xFFFFFFFF  }
0xc4: {  	_ =	strace $0x9000004B  }
0xc5: {  	_ =	sfence  }
0xc6: {  	s30 =	sld [smem:$0x0];
	_ =	sdelay $0x2  }
0xc7: {  	s31 =	sshll.u32 s1, $0xD;
	s1 =	sshrl.u32 s1, $0x2  }
0xc8: {  	s4 =	sand.u32 $0x4000, s31;
	s1 =	sadd.s32 s1, s30  }
0xc9: {  	s0 =	sor.u32 s4, s0;
	s1 =	sshll.u32 s1, $0x11  }
0xca: {  	s0 =	sor.u32 s1, s0  }
0xcb: {  	s0 =	sadd.s32 $0x8F2B, s0  }
0xcc: {  	[sflag:s0] =	ssyncadd.remote.s32 $0x1  }
0xcd: {  	_ =	sfence.sel $0xFFFF  }
0xce: {  	[dreg:$0x0] =	wrdreg $0xFFFFFFFF;
	(pc) =	sbr.abs _section_cstart, $3  }
0xcf: {  	[dreg:$0x1] =	wrdreg $0xFFFFFFFF  }
0xd0: {  	_ =	task.clear_ibuf [dreg:s22], $0x2FFFF;
	_ =	strace $0x9FFFFFFF  }
0xd1: {  	(tm) =	ssettm $0x7FFFFFFF  }
tec
execute0_lowered:
.L_overlay_start_1:
0x0: {  	(tag) =	ssettag $0x1  }
0x1: {  	s6 =	rddreg [dreg:$0x0]  }
0x2: {  	s2 =	rddreg [dreg:$0x1]  }
0x3: {  	s0 =	rddreg [dreg:$0x2]  }
0x4: {  	s1 =	stileid.u32;
	s5 =	srdreg.scid  }
0x5: {  	s3 =	simm.s32 $0x0;
	s19 =	simm.s32 $0x6800;
	s20 =	simm.s32 $0x1  }
0x6: {  	s21 =	simm.s32 $0x2800;
	s22 =	simm.s32 $0x80;
	s4 =	smul.u32 $0x500, s1  }
0x7: {  	s23 =	simm.s32 $0x0;
	s12 =	sand.u32 $0x1, s5;
	s7 =	smul.u32 $0x280, s1  }
0x8: {  	[smem:$0x7FF] =	sst s3;
	s9 =	smul.u32 $0x50000, s1;
	s5 =	sadd.s32 $0xB3E00, s6  }
0x9: {  	s8 =	smul.u32 $0x2800, s12;
	_ =	strace $0x8000004A;
	s30 =	ssub.s32 $0x2, s12  }
0xa: {  	s12 =	sshll.u32 s12, $0x7;
	s11 =	sadd.s32 s4, s6;
	s4 =	sadd.s32 $0x63600, s6  }
0xb: {  	s9 =	sshrl.u32 s9, $0x2;
	s31 =	sshrl.u32 s30, $0x1;
	s7 =	sadd.s32 s7, s8  }
0xc: {  	s18 =	ssub.s32 s30, s31;
	s11 =	sadd.s32 $0xE600, s11;
	s7 =	sshll.u32 s7, $0x4  }
0xd: {  	s18 =	smax.u32 s18, $0x1;
	s17 =	sadd.s32 s7, s6;
	s6 =	sadd.s32 s9, s2  }
0xe: {  	s7 =	sadd.s32 $0x4000, s6;
	s8 =	sadd.s32 $0x8000, s6;
	s9 =	sadd.s32 $0xC000, s6  }
0xf: {  	s10 =	sadd.s32 $0x10000, s6;
	s13 =	sadd.s32 $0xB4600, s17;
	s14 =	sadd.s32 $0xB4E00, s17  }
0x10: {  	s15 =	sadd.s32 $0xB5600, s17;
	s16 =	sadd.s32 $0xB5E00, s17;
	s17 =	sadd.s32 $0xB6600, s17  }
.LBB2_1:
0x11: {  	[tilespmem:s19], [sflag:$0x1] =	stream.linear.gather [hbm4b:s4+s3], $0x4000, $0x38;
	[tilespmem:$0x1E800] =	vst v63  }
0x12: {  	_ =	swait.ge [sflag:s20], $0x4000  }
0x13: {  	[sflag:s20] =	ssyncset.done $0x0  }
0x14: {  	[sflag:s20] =	ssyncadd.s32 $0xFFFFC000  }
0x15: {  	[spmem:s6] =	stream.linear.scatter [tilespmem:s19], [sflag:$0x1], $0x4000, $0x38;
	[tilespmem:$0x1E800] =	vst v63  }
0x16: {  	_ =	swait.ge [sflag:s20], $0x4000  }
0x17: {  	[sflag:s20] =	ssyncset.done $0x0  }
0x18: {  	[sflag:s20] =	ssyncadd.s32 $0xFFFFC000  }
0x19: {  	[spmem:s7] =	stream.linear.scatter [tilespmem:s19], [sflag:$0x1], $0x4000, $0x38;
	[tilespmem:$0x1E800] =	vst v63  }
0x1a: {  	_ =	swait.ge [sflag:s20], $0x4000  }
0x1b: {  	[sflag:s20] =	ssyncset.done $0x0  }
0x1c: {  	[sflag:s20] =	ssyncadd.s32 $0xFFFFC000  }
0x1d: {  	[spmem:s8] =	stream.linear.scatter [tilespmem:s19], [sflag:$0x1], $0x4000, $0x38;
	[tilespmem:$0x1E800] =	vst v63  }
0x1e: {  	_ =	swait.ge [sflag:s20], $0x4000  }
0x1f: {  	[sflag:s20] =	ssyncset.done $0x0  }
0x20: {  	[sflag:s20] =	ssyncadd.s32 $0xFFFFC000  }
0x21: {  	[spmem:s9] =	stream.linear.scatter [tilespmem:s19], [sflag:$0x1], $0x4000, $0x38;
	[tilespmem:$0x1E800] =	vst v63  }
0x22: {  	_ =	swait.ge [sflag:s20], $0x4000  }
0x23: {  	[sflag:s20] =	ssyncset.done $0x0  }
0x24: {  	[sflag:s20] =	ssyncadd.s32 $0xFFFFC000  }
0x25: {  	[spmem:s10] =	stream.linear.scatter [tilespmem:s19], [sflag:$0x1], $0x4000, $0x38;
	[tilespmem:$0x1E800] =	vst v63  }
0x26: {  	_ =	swait.ge [sflag:s20], $0x4000  }
0x27: {  	[sflag:s20] =	ssyncset.done $0x0  }
0x28: {  	[sflag:s20] =	ssyncadd.s32 $0xFFFFC000  }
0x29: {  	[tilespmem:s21], [sflag:$0x1] =	stream.linear.gather [hbm4b:s5+s3], $0x4000, $0x38;
	[tilespmem:$0x1E800] =	vst v63  }
0x2a: {  	_ =	swait.ge [sflag:s20], $0x4000  }
0x2b: {  	[sflag:s20] =	ssyncset.done $0x0  }
0x2c: {  	[sflag:s20] =	ssyncadd.s32 $0xFFFFC000  }
0x2d: {  	[tilespmem:s3], [sflag:$0x1] =	stream.linear.gather [hbm4b:s11+s3], $0x2800, $0x38;
	[tilespmem:$0x1E800] =	vst v63  }
0x2e: {  	_ =	swait.ge [sflag:s20], $0x2800  }
0x2f: {  	[sflag:s20] =	ssyncset.done $0x0  }
0x30: {  	[sflag:s20] =	ssyncadd.s32 $0xFFFFD800  }
0x31: {  	s24 =	sadd.s32 $0x0, s12;
	[bflag:$0x0] =	sbarrier.arrive $0xFFFF  }
0x32: {  	[spmem:s2] =	stream.indirect.scatter.add.f32 [tilespmem:s21], [sflag:$0x1], $0x80, s24, s22, $0xb8;
	[tilespmem:$0x1E800] =	vst v63  }
0x33: {  	s24 =	simm.s32 $0x400;
	_ =	swait.ge [sflag:s20], $0x4000  }
.LBB2_2:
0x34: {  	s25 =	sshra.s32 s24, $0x2;
	[sflag:s20] =	ssyncset.done $0x0;
	p0 =	sne.s32 s24, $0x9C00  }
.Ltmp0:
0x35: {  	s25 =	sadd.s32 s25, s12;
	[sflag:s20] =	ssyncadd.s32 $0xFFFFC000;
	(pc) =	sbr.rel @p0 .LBB2_2-.Ltmp0, $3  }
0x36: {  	[spmem:s2] =	stream.indirect.scatter.add.f32 [tilespmem:s21], [sflag:$0x1], $0x80, s25, s22, $0xb8;
	[tilespmem:$0x1E800] =	vst v63  }
0x37: {  	s24 =	sadd.s32 $0x400, s24;
	_ =	sdelay $0x1  }
0x38: {  	_ =	swait.ge [sflag:s20], $0x4000  }
0x39: {  	[sflag:s20] =	ssyncset.done $0x0  }
0x3a: {  	[sflag:s20] =	ssyncadd.s32 $0xFFFFC000  }
0x3b: {  	[bflag:$0x0] =	sbarrier.arrive $0xFFFF  }
0x3c: {  	[tilespmem:s19], [sflag:$0x1] =	stream.linear.gather [spmem:s6], $0x4000, $0x38;
	[tilespmem:$0x1E800] =	vst v63  }
0x3d: {  	_ =	swait.ge [sflag:s20], $0x4000  }
0x3e: {  	[sflag:s20] =	ssyncset.done $0x0  }
0x3f: {  	[sflag:s20] =	ssyncadd.s32 $0xFFFFC000  }
0x40: {  	[hbm4b:s13+s3] =	stream.linear.scatter [tilespmem:s19], [sflag:$0x1], $0x4000, $0x38;
	[tilespmem:$0x1E800] =	vst v63  }
0x41: {  	_ =	swait.ge [sflag:s20], $0x4000  }
0x42: {  	[sflag:s20] =	ssyncset.done $0x0  }
0x43: {  	[sflag:s20] =	ssyncadd.s32 $0xFFFFC000  }
0x44: {  	[tilespmem:s19], [sflag:$0x1] =	stream.linear.gather [spmem:s7], $0x4000, $0x38;
	[tilespmem:$0x1E800] =	vst v63  }
0x45: {  	_ =	swait.ge [sflag:s20], $0x4000  }
0x46: {  	[sflag:s20] =	ssyncset.done $0x0  }
0x47: {  	[sflag:s20] =	ssyncadd.s32 $0xFFFFC000  }
0x48: {  	[hbm4b:s14+s3] =	stream.linear.scatter [tilespmem:s19], [sflag:$0x1], $0x4000, $0x38;
	[tilespmem:$0x1E800] =	vst v63  }
0x49: {  	_ =	swait.ge [sflag:s20], $0x4000  }
0x4a: {  	[sflag:s20] =	ssyncset.done $0x0  }
0x4b: {  	[sflag:s20] =	ssyncadd.s32 $0xFFFFC000  }
0x4c: {  	[tilespmem:s19], [sflag:$0x1] =	stream.linear.gather [spmem:s8], $0x4000, $0x38;
	[tilespmem:$0x1E800] =	vst v63  }
0x4d: {  	_ =	swait.ge [sflag:s20], $0x4000  }
0x4e: {  	[sflag:s20] =	ssyncset.done $0x0  }
0x4f: {  	[sflag:s20] =	ssyncadd.s32 $0xFFFFC000  }
0x50: {  	[hbm4b:s15+s3] =	stream.linear.scatter [tilespmem:s19], [sflag:$0x1], $0x4000, $0x38;
	[tilespmem:$0x1E800] =	vst v63  }
0x51: {  	_ =	swait.ge [sflag:s20], $0x4000  }
0x52: {  	[sflag:s20] =	ssyncset.done $0x0  }
0x53: {  	[sflag:s20] =	ssyncadd.s32 $0xFFFFC000  }
0x54: {  	[tilespmem:s19], [sflag:$0x1] =	stream.linear.gather [spmem:s9], $0x4000, $0x38;
	[tilespmem:$0x1E800] =	vst v63  }
0x55: {  	_ =	swait.ge [sflag:s20], $0x4000  }
0x56: {  	[sflag:s20] =	ssyncset.done $0x0  }
0x57: {  	[sflag:s20] =	ssyncadd.s32 $0xFFFFC000  }
0x58: {  	[hbm4b:s16+s3] =	stream.linear.scatter [tilespmem:s19], [sflag:$0x1], $0x4000, $0x38;
	[tilespmem:$0x1E800] =	vst v63  }
0x59: {  	_ =	swait.ge [sflag:s20], $0x4000  }
0x5a: {  	[sflag:s20] =	ssyncset.done $0x0  }
0x5b: {  	[sflag:s20] =	ssyncadd.s32 $0xFFFFC000  }
0x5c: {  	[tilespmem:s19], [sflag:$0x1] =	stream.linear.gather [spmem:s10], $0x4000, $0x38;
	[tilespmem:$0x1E800] =	vst v63  }
0x5d: {  	s23 =	sadd.s32 $0x1, s23;
	_ =	swait.ge [sflag:s20], $0x4000  }
0x5e: {  	p0 =	sne.s32 s23, s18;
	[sflag:s20] =	ssyncset.done $0x0  }
.Ltmp1:
0x5f: {  	[sflag:s20] =	ssyncadd.s32 $0xFFFFC000;
	(pc) =	sbr.rel @p0 .LBB2_1-.Ltmp1, $4  }
0x60: {  	[hbm4b:s17+s3] =	stream.linear.scatter [tilespmem:s19], [sflag:$0x1], $0x4000, $0x38;
	[tilespmem:$0x1E800] =	vst v63  }
0x61: {  	_ =	swait.ge [sflag:s20], $0x4000  }
0x62: {  	[sflag:s20] =	ssyncset.done $0x0  }
0x63: {  	[sflag:s20] =	ssyncadd.s32 $0xFFFFC000  }
0x64: {  	_ =	sfence.sel $0x180000  }
0x65: {  	[bflag:$0x0] =	sbarrier.arrive $0xFFFF  }
0x66: {  	p0 =	sne.s32 s1, $0x0;
	_ =	strace $0x9000004A  }
0x67: {  	s0 =	sadd.s32 @!p0 $0x100000, s0;
	[bflag:$0x2] =	sbarrier.arrive $0xFFFF  }
0x68: {  	[sflag:s0] =	ssyncadd.tile.s32 @!p0 $0x1;
	_ =	shalt  }
.Lfunc_end2:
_tile_overlayer_lowered:
.L_overlay_start_2:
0x69: {  	(tag) =	ssettag $0x2  }
0x6a: {  	s0 =	rddreg [dreg:$0x0];
	s2 =	stileid.u32  }
0x6b: {  	s1 =	rddreg [dreg:$0x1];
	p0 =	sne.s32 s2, $0x0  }
0x6c: {  	s3 =	rddreg [dreg:$0x2];
	[bflag:$0x3] =	sbarrier.arrive $0xFFFF;
	s2 =	simm.s32 @!p0 $0x1C01  }
0x6d: {  	[timem:s3], [sflag:s2] =	dma.local @!p0 [hbm:s0], s1  }
0x6e: {  	s0 =	simm.s32 @!p0 $0x1  }
0x6f: {  	_ =	swait.ge @!p0 [sflag:s0], s1  }
0x70: {  	s1 =	ssub.s32 @!p0 $0x0, s1;
	[sflag:s0] =	ssyncset.done @!p0 $0x0  }
0x71: {  	[sflag:s0] =	ssyncadd.s32 @!p0 s1  }
0x72: {  	[bflag:$0x3] =	sbarrier.arrive $0xFFFF  }
0x73: {  	_ =	shalt  }

// kernel: kernel.13.cloned.1.call-start
scs
__scs_entry_jumppad:
0x0: {  	(pc) =	sbr.rel $0x88, $3  }
0x1: {  	(tag) =	ssettag $0x0;
	lr =	simm.s32 $0x1  }
0x2: {  	[smem:$0x3F8E] =	sst lr;
	_ =	strace $0xD0000000  }
0x3: {  	_ = 	snop  }
0x4: {  	_ = 	snop  }
0x5: {  	_ = 	snop  }
0x6: {  	_ = 	snop  }
0x7: {  	_ = 	snop  }
__scs_overlays_trampoline_lowered:
0x8: {  	[smem:$0x3F9D] =	sst s0  }
0x9: {  	[smem:$0x3F9E] =	sst s1  }
0xa: {  	[smem:$0x3F9F] =	sst s2  }
0xb: {  	[smem:$0x3FA0] =	sst s3  }
0xc: {  	[smem:$0x3FA1] =	sst s4  }
0xd: {  	[smem:$0x3FA2] =	sst s5  }
0xe: {  	[smem:$0x3FA3] =	sst s6  }
0xf: {  	[smem:$0x3FA4] =	sst s7  }
0x10: {  	[smem:$0x3FA5] =	sst s8  }
0x11: {  	[smem:$0x3FA6] =	sst s9;
	s0 =	simm.s32 @!p0 $0x0  }
0x12: {  	s1 =	sld [smem:$0x3F8C];
	s0 =	simm.s32 @p0 $0x1  }
0x13: {  	[smem:$0x3FA7] =	sst s0;
	s0 =	simm.s32 @!p1 $0x0  }
0x14: {  	s2 =	sld [smem:$0x3F8B];
	s0 =	simm.s32 @p1 $0x1  }
0x15: {  	[smem:$0x3FA8] =	sst s0;
	s0 =	simm.s32 @!p2 $0x0  }
0x16: {  	s3 =	sld [smem:$0x3FDB];
	s0 =	simm.s32 @p2 $0x1  }
0x17: {  	s4 =	simm.s32 $0x1BF5;
	[smem:$0x3FAA] =	sst s0  }
0x18: {  	s0 =	sld [smem:$0x3F8D];
	_ =	swait.ge [sflag:s4], $0x0  }
0x19: {  	s7 =	sld [smem:$0x3F8E]  }
0x1a: {  	s8 =	sadd.s32 $0xFFFFE003, lr  }
0x1b: {  	s9 =	sadd.s32 $0xFFFFFEF7, lr;
	s5 =	simm.s32 $0xFFFFFFFF;
	p2 =	slt.u32 s8, $0xFFFFF086  }
0x1c: {  	p1 =	slt.u32 s9, $0xF7A;
	s5 =	simm.s32 @!p2 $0x0  }
0x1d: {  	s5 =	simm.s32 @p1 $0x1;
	p0 =	seq.s32 s7, s2  }
0x1e: {  	s7 =	smul.u32 @!p0 $0xF7A, s2;
	p2 =	seq.s32 @!p0 s5, $0x0  }
0x1f: {  	s9 =	smul.u32 $0xF7A, s1;
	s8 =	simm.s32 @!p0 $0x1BF5;
	p2 =	por !p2, p0  }
0x20: {  	[sflag:s8] =	ssyncset.s32 @!p0 $0xFFFFF086;
	s6 =	sadd.s32 @!p0 s3, s7;
	s7 =	simm.s32 @!p0 $0x108  }
0x21: {  	s3 =	sadd.s32 s3, s9;
	s6 =	sadd.s32 @!p0 $0x88, s6;
	s7 =	simm.s32 @p2 $0x1082  }
0x22: {  	[simem:s7], [sflag:s8] =	dma.local @!p0 [hbm:s6], $0xF7A  }
0x23: {  	s9 =	sor.u32 $0xD0000000, s2;
	s6 =	simm.s32 $0x108;
	_ =	swait.ge @!p0 [sflag:s8], $0x0  }
0x24: {  	s3 =	sadd.s32 $0x88, s3;
	s6 =	simm.s32 @!p1 $0x1082;
	[sflag:s4] =	ssyncset.s32 $0xFFFFF086  }
0x25: {  	[simem:s6], [sflag:s4] =	dma.local [hbm:s3], $0xF7A  }
0x26: {  	[smem:$0x3F8E] =	sst s1;
	(tag) =	ssettag s2;
	_ =	strace s9  }
0x27: {  	s1 =	sld [smem:$0x3F9E]  }
0x28: {  	s2 =	sld [smem:$0x3F9F]  }
0x29: {  	s4 =	sld [smem:$0x3FA1]  }
0x2a: {  	p0 =	seq.s32 s5, $0x0;
	s5 =	sld [smem:$0x3FA2]  }
0x2b: {  	s6 =	sld [smem:$0x3FA3]  }
0x2c: {  	s7 =	sld [smem:$0x3FA4]  }
0x2d: {  	s3 =	simm.s32 $0x108;
	s8 =	sld [smem:$0x3FA5]  }
0x2e: {  	s3 =	simm.s32 @!p0 $0x1082;
	s9 =	sld [smem:$0x3FA6]  }
0x2f: {  	lr =	sadd.s32 s0, s3;
	s0 =	sld [smem:$0x3F9D]  }
0x30: {  	s3 =	sld [smem:$0x3FA0]  }
0x31: {  	[smem:$0x3FA9] =	sst s10  }
0x32: {  	s10 =	sld [smem:$0x3FA7];
	_ =	sdelay $0x3  }
0x33: {  	p0 =	seq.s32 s10, $0x1;
	s10 =	sld [smem:$0x3FA9];
	_ =	sdelay $0x3  }
0x34: {  	[smem:$0x3FA9] =	sst s10  }
0x35: {  	s10 =	sld [smem:$0x3FA8];
	_ =	sdelay $0x3  }
0x36: {  	p1 =	seq.s32 s10, $0x1;
	s10 =	sld [smem:$0x3FA9];
	_ =	sdelay $0x3  }
0x37: {  	[smem:$0x3FA9] =	sst s10  }
0x38: {  	s10 =	sld [smem:$0x3FAA]  }
0x39: {  	_ = 	snop;
	(pc) =	sbr.ind lr, $3  }
0x3a: {  	_ = 	snop  }
0x3b: {  	_ = 	snop  }
0x3c: {  	p2 =	seq.s32 s10, $0x1;
	s10 =	sld [smem:$0x3FA9]  }
0x3d: {  	_ =	shalt  }
0x3e: {  	_ =	shalt  }
0x3f: {  	_ =	shalt  }
0x40: {  	_ =	shalt  }
0x41: {  	_ =	shalt  }
0x42: {  	_ =	shalt  }
0x43: {  	_ =	shalt  }
0x44: {  	_ =	shalt  }
0x45: {  	_ =	shalt  }
0x46: {  	_ =	shalt  }
0x47: {  	_ =	shalt  }
0x48: {  	_ =	shalt  }
0x49: {  	_ =	shalt  }
0x4a: {  	_ =	shalt  }
0x4b: {  	_ =	shalt  }
0x4c: {  	_ =	shalt  }
0x4d: {  	_ =	shalt  }
0x4e: {  	_ =	shalt  }
0x4f: {  	_ =	shalt  }
0x50: {  	_ =	shalt  }
0x51: {  	_ =	shalt  }
0x52: {  	_ =	shalt  }
0x53: {  	_ =	shalt  }
0x54: {  	_ =	shalt  }
0x55: {  	_ =	shalt  }
0x56: {  	_ =	shalt  }
0x57: {  	_ =	shalt  }
0x58: {  	_ =	shalt  }
0x59: {  	_ =	shalt  }
0x5a: {  	_ =	shalt  }
0x5b: {  	_ =	shalt  }
0x5c: {  	_ =	shalt  }
0x5d: {  	_ =	shalt  }
0x5e: {  	_ =	shalt  }
0x5f: {  	_ =	shalt  }
0x60: {  	_ =	shalt  }
0x61: {  	_ =	shalt  }
0x62: {  	_ =	shalt  }
0x63: {  	_ =	shalt  }
0x64: {  	_ =	shalt  }
0x65: {  	_ =	shalt  }
0x66: {  	_ =	shalt  }
0x67: {  	_ =	shalt  }
0x68: {  	_ =	shalt  }
0x69: {  	_ =	shalt  }
0x6a: {  	_ =	shalt  }
0x6b: {  	_ =	shalt  }
0x6c: {  	_ =	shalt  }
0x6d: {  	_ =	shalt  }
0x6e: {  	_ =	shalt  }
0x6f: {  	_ =	shalt  }
0x70: {  	_ =	shalt  }
0x71: {  	_ =	shalt  }
0x72: {  	_ =	shalt  }
0x73: {  	_ =	shalt  }
0x74: {  	_ =	shalt  }
0x75: {  	_ =	shalt  }
0x76: {  	_ =	shalt  }
0x77: {  	_ =	shalt  }
0x78: {  	_ =	shalt  }
0x79: {  	_ =	shalt  }
0x7a: {  	_ =	shalt  }
0x7b: {  	_ =	shalt  }
0x7c: {  	_ =	shalt  }
0x7d: {  	_ =	shalt  }
0x7e: {  	_ =	shalt  }
0x7f: {  	_ =	shalt  }
0x80: {  	_ =	shalt  }
0x81: {  	_ =	shalt  }
0x82: {  	_ =	shalt  }
0x83: {  	_ =	shalt  }
0x84: {  	_ =	shalt  }
0x85: {  	_ =	shalt  }
0x86: {  	_ =	shalt  }
0x87: {  	_ =	shalt  }
.Lfunc_end0:
.L_simem_size_0:
called_computation.1_lowered:
.L_overlay_start_0:
0x88: {  	s2 =	sld [smem:$0x3FD9]  }
0x89: {  	s3 =	sld [smem:$0x3FFE];
	_ =	sdelay $0x1  }
0x8a: {  	s1 =	srdreg.scid  }
0x8b: {  	s0 =	sand.u32 $0x1, s1  }
0x8c: {  	s16 =	sshll.u32 s0, $0xA;
	s2 =	sadd.s32 s3, s2  }
0x8d: {  	s2 =	sadd.s32 s2, s16  }
0x8e: {  	[smem:$0x3FB5] =	sst s2  }
0x8f: {  	_ = 	snop  }
0x90: {  	(tm) =	ssettm $0x1  }
0x91: {  	s17 =	sld [smem:$0x3FFB];
	_ =	sdelay $0x3  }
0x92: {  	_ =	strace s17  }
0x93: {  	s2 =	sld [smem:$0x3FFC];
	_ =	sdelay $0x3  }
0x94: {  	_ =	strace s2  }
0x95: {  	s2 =	sld [smem:$0x3FFD];
	_ =	sdelay $0x3  }
0x96: {  	_ =	strace s2  }
0x97: {  	_ =	strace $0x8FFFFFFF  }
0x98: {  	s18 =	sld [smem:$0x3FDB];
	_ =	sdelay $0x1  }
0x99: {  	s19 =	simm.s32 $_scs_section_size  }
0x9a: {  	s4 =	simm.s32 $_size__tile_overlayer_lowered;
	s5 =	simm.s32 $_tile_overlayer_lowered  }
0x9b: {  	s22 =	simm.s32 $0x1BFF;
	s21 =	sshll.u32 s5, $0x1;
	s2 =	sadd.s32 s19, s18  }
0x9c: {  	s6 =	simm.s32 $0x0;
	s20 =	sshll.u32 s4, $0x1;
	s4 =	sadd.s32 s21, s2  }
0x9d: {  	[timem:s6], [sflag:s22] =	dma.local [hbm:s4], s20  }
0x9e: {  	_ =	swait.ge [sflag:s22], s20  }
0x9f: {  	s3 =	ssub.s32 $0x0, s20;
	[sflag:s22] =	ssyncset.done $0x0  }
0xa0: {  	[sflag:s22] =	ssyncadd.s32 s3;
	_ =	sdelay $0x1  }
0xa1: {  	s23 =	simm.s32 $0x1B8B  }
0xa2: {  	_ =	swait.ge [sflag:s23], $0x1  }
0xa3: {  	[sflag:s23] =	ssyncset.done $0x0  }
0xa4: {  	s25 =	simm.s32 $0x1B8E;
	s24 =	sld [smem:$0x3FFE];
	[sflag:s23] =	ssyncadd.s32 $0xFFFFFFFF  }
0xa5: {  	s26 =	simm.s32 $execute0_lowered;
	[smem:$0x3FD2] =	sst s25  }
0xa6: {  	s4 =	sshll.u32 s26, $0x1;
	_ =	strace $0x80000046;
	[dreg:$0x1] =	wrdreg $0xFFFFFFFF  }
0xa7: {  	s28 =	simm.s32 $_size_execute0_lowered;
	s2 =	sadd.s32 s2, s4;
	[dreg:$0x0] =	wrdreg $0x0  }
0xa8: {  	s4 =	sshll.u32 s28, $0x1;
	[dreg:$0x2] =	wrdreg s2  }
0xa9: {  	[dreg:$0x3] =	wrdreg s4  }
0xaa: {  	[dreg:$0x4] =	wrdreg $0xC0  }
0xab: {  	_ =	task [dreg:s6], $0x5FFFF  }
0xac: {  	[dreg:$0x1] =	wrdreg $0xFFFFFFFF  }
0xad: {  	[dreg:$0x0] =	wrdreg $0x60  }
0xae: {  	[dreg:$0x2] =	wrdreg s24  }
0xaf: {  	[dreg:$0x3] =	wrdreg $0xAA000  }
0xb0: {  	[dreg:$0x4] =	wrdreg $0xA  }
0xb1: {  	_ =	task.clear_ibuf [dreg:s6], $0x5FFFF;
	_ =	strace $0x90000046  }
0xb2: {  	s29 =	simm.s32 $0xA;
	_ =	strace $0x80000048  }
0xb3: {  	_ =	swait.ge [sflag:s29], $0x1  }
0xb4: {  	[sflag:s29] =	ssyncadd.s32 $0xFFFFFFFF  }
0xb5: {  	_ =	strace $0x90000048  }
0xb6: {  	_ =	sfence  }
0xb7: {  	s30 =	sld [smem:$0x0];
	_ =	sdelay $0x2  }
0xb8: {  	s31 =	sshll.u32 s1, $0xD;
	s1 =	sshrl.u32 s1, $0x2  }
0xb9: {  	s3 =	sand.u32 $0x4000, s31;
	s1 =	sadd.s32 s1, s30  }
0xba: {  	s0 =	sor.u32 s3, s0;
	s1 =	sshll.u32 s1, $0x11  }
0xbb: {  	s0 =	sor.u32 s1, s0  }
0xbc: {  	s0 =	sadd.s32 $0x8F2B, s0  }
0xbd: {  	[sflag:s0] =	ssyncadd.remote.s32 $0x1  }
0xbe: {  	_ =	sfence.sel $0xFFFF  }
0xbf: {  	[dreg:$0x0] =	wrdreg $0xFFFFFFFF;
	(pc) =	sbr.abs _section_cstart, $3  }
0xc0: {  	[dreg:$0x1] =	wrdreg $0xFFFFFFFF  }
0xc1: {  	_ =	task.clear_ibuf [dreg:s6], $0x2FFFF;
	_ =	strace $0x9FFFFFFF  }
0xc2: {  	(tm) =	ssettm $0x7FFFFFFF  }
0xc3: {  	_ =	shalt  }
tec
execute0_lowered:
.L_overlay_start_1:
0x0: {  	(tag) =	ssettag $0x1  }
0x1: {  	s0 =	srdreg.scid  }
0x2: {  	s1 =	rddreg [dreg:$0x0];
	s9 =	stileid.u32  }
0x3: {  	s2 =	rddreg [dreg:$0x1];
	s19 =	simm.s32 $0x2A00;
	s20 =	simm.s32 $0x5  }
0x4: {  	s22 =	simm.s32 $0x80;
	s28 =	simm.s32 $0x2980;
	s29 =	simm.s32 $0x3  }
0x5: {  	s30 =	simm.s32 $0x4;
	s31 =	simm.s32 $0x0;
	s6 =	smul.u32 $0x500, s9  }
0x6: {  	s0 =	sand.u32 $0x1, s0;
	s5 =	sshll.u32 s9, $0x7;
	s7 =	smul.u32 $0x280, s9  }
0x7: {  	s23 =	smul.u32 $0x50000, s9;
	s24 =	sadd.s32 $0x63600, s1;
	s3 =	sshll.u32 s0, $0x4  }
0x8: {  	s5 =	sand.u32 $0x380, s5;
	s8 =	smul.u32 $0x2800, s0;
	s0 =	ssub.s32 $0x2, s0  }
0x9: {  	s3 =	sor.u32 s9, s3;
	s18 =	sadd.s32 s6, s1;
	s25 =	sshrl.u32 s0, $0x1  }
0xa: {  	s6 =	sshrl.u32 s23, $0x2;
	s23 =	simm.s32 $0x6A00;
	s4 =	sshrl.u32 s3, $0x3  }
0xb: {  	s3 =	simm.s32 $0x0;
	s7 =	sadd.s32 s7, s8;
	s0 =	ssub.s32 s0, s25  }
0xc: {  	s6 =	sadd.s32 s6, s2;
	s18 =	sadd.s32 $0xE600, s18;
	s25 =	simm.s32 $0x1  }
0xd: {  	s4 =	smul.u32 $0x14800, s4;
	[smem:$0x7FF] =	sst s3;
	s7 =	sshll.u32 s7, $0x4  }
0xe: {  	s8 =	sadd.s32 $0x8000, s6;
	s9 =	sadd.s32 $0xC000, s6;
	s10 =	sadd.s32 $0x10000, s6  }
0xf: {  	s17 =	smax.u32 s0, $0x1;
	_ =	strace $0x80000047;
	s5 =	sor.u32 s5, s4  }
0x10: {  	[dreg:$0x3] =	wrdreg s24;
	s24 =	simm.s32 $0x2900;
	s5 =	sshrl.u32 s5, $0x3  }
0x11: {  	s4 =	sadd.s32 $0x13600, s1;
	s11 =	sadd.s32 s5, s1;
	s1 =	sadd.s32 s7, s1  }
0x12: {  	s7 =	sadd.s32 $0x4000, s6;
	s26 =	sadd.s32 $0x4200, s11;
	s12 =	sadd.s32 $0x63E00, s1  }
0x13: {  	s13 =	sadd.s32 $0x64600, s1;
	s14 =	sadd.s32 $0x64E00, s1;
	s15 =	sadd.s32 $0x65600, s1  }
0x14: {  	s16 =	sadd.s32 $0x65E00, s1;
	[dreg:$0x4] =	wrdreg s26;
	s26 =	simm.s32 $0x2  }
.LBB2_1:
0x15: {  	s0 =	rddreg [dreg:$0x3]  }
0x16: {  	[tilespmem:s19], [sflag:$0x5] =	stream.linear.gather [hbm4b:s0+s3], $0x4000, $0x38;
	[tilespmem:$0x1EA00] =	vst v63  }
0x17: {  	_ =	swait.ge [sflag:s20], $0x4000  }
0x18: {  	[sflag:s20] =	ssyncset.done $0x0  }
0x19: {  	[sflag:s20] =	ssyncadd.s32 $0xFFFFC000  }
0x1a: {  	[spmem:s6] =	stream.linear.scatter [tilespmem:s19], [sflag:$0x5], $0x4000, $0x38;
	[tilespmem:$0x1EA00] =	vst v63  }
0x1b: {  	_ =	swait.ge [sflag:s20], $0x4000  }
0x1c: {  	[sflag:s20] =	ssyncset.done $0x0  }
0x1d: {  	[sflag:s20] =	ssyncadd.s32 $0xFFFFC000  }
0x1e: {  	[spmem:s7] =	stream.linear.scatter [tilespmem:s19], [sflag:$0x5], $0x4000, $0x38;
	[tilespmem:$0x1EA00] =	vst v63  }
0x1f: {  	_ =	swait.ge [sflag:s20], $0x4000  }
0x20: {  	[sflag:s20] =	ssyncset.done $0x0  }
0x21: {  	[sflag:s20] =	ssyncadd.s32 $0xFFFFC000  }
0x22: {  	[spmem:s8] =	stream.linear.scatter [tilespmem:s19], [sflag:$0x5], $0x4000, $0x38;
	[tilespmem:$0x1EA00] =	vst v63  }
0x23: {  	_ =	swait.ge [sflag:s20], $0x4000  }
0x24: {  	[sflag:s20] =	ssyncset.done $0x0  }
0x25: {  	[sflag:s20] =	ssyncadd.s32 $0xFFFFC000  }
0x26: {  	[spmem:s9] =	stream.linear.scatter [tilespmem:s19], [sflag:$0x5], $0x4000, $0x38;
	[tilespmem:$0x1EA00] =	vst v63  }
0x27: {  	_ =	swait.ge [sflag:s20], $0x4000  }
0x28: {  	[sflag:s20] =	ssyncset.done $0x0  }
0x29: {  	[sflag:s20] =	ssyncadd.s32 $0xFFFFC000  }
0x2a: {  	[spmem:s10] =	stream.linear.scatter [tilespmem:s19], [sflag:$0x5], $0x4000, $0x38;
	[tilespmem:$0x1EA00] =	vst v63  }
0x2b: {  	_ =	swait.ge [sflag:s20], $0x4000  }
0x2c: {  	[sflag:s20] =	ssyncset.done $0x0  }
0x2d: {  	s1 =	simm.s32 $0x400;
	s5 =	rddreg [dreg:$0x4];
	[sflag:s20] =	ssyncadd.s32 $0xFFFFC000  }
0x2e: {  	[tilespmem:s3], [sflag:$0x5] =	stream.strided.gather [hbm4b:s5+s22], $0x2900, s1, s22, $0x38;
	[tilespmem:$0x1EA00] =	vst v63  }
0x2f: {  	_ =	swait.ge [sflag:s20], $0x2900  }
0x30: {  	[sflag:s20] =	ssyncset.done $0x0  }
0x31: {  	[sflag:s20] =	ssyncadd.s32 $0xFFFFD700  }
0x32: {  	s11 =	simm.s32 $0x0;
	[bflag:$0x0] =	sbarrier.arrive $0xFFFF  }
0x33: {  	[tilespmem:s19], [sflag:$0x1] =	stream.indirect.gather [hbm4b:s4+s22], $0x80, s11, s22, $0xb8;
	[tilespmem:$0x1EA00] =	vst v63  }
0x34: {  	_ = 	snop  }
0x35: {  	[tilespmem:s23], [sflag:$0x2] =	stream.indirect.gather [hbm4b:s4+s22], $0x80, s22, s22, $0xb8;
	[tilespmem:$0x1EA00] =	vst v63  }
0x36: {  	s21 =	sadd.s32 $0x0, s18  }
0x37: {  	[tilespmem:s24], [sflag:$0x5] =	stream.linear.gather [hbm4b:s21+s3], $0x100, $0x38;
	[tilespmem:$0x1EA00] =	vst v63  }
0x38: {  	_ =	swait.ge [sflag:s20], $0x100  }
0x39: {  	[sflag:s20] =	ssyncset.done $0x0  }
0x3a: {  	[sflag:s20] =	ssyncadd.s32 $0xFFFFFF00  }
0x3b: {  	_ =	swait.ge [sflag:s25], $0x4000  }
0x3c: {  	[sflag:s25] =	ssyncset.done $0x0  }
0x3d: {  	[sflag:s25] =	ssyncadd.s32 $0xFFFFC000  }
0x3e: {  	[spmem:s2] =	stream.indirect.scatter.add.f32 [tilespmem:s19], [sflag:$0x3], $0x80, s24, s22, $0xb8;
	[tilespmem:$0x1EA00] =	vst v63  }
0x3f: {  	_ =	swait.ge [sflag:s26], $0x4000  }
0x40: {  	[sflag:s26] =	ssyncset.done $0x0  }
0x41: {  	[sflag:s26] =	ssyncadd.s32 $0xFFFFC000  }
0x42: {  	[spmem:s2] =	stream.indirect.scatter.add.f32 [tilespmem:s23], [sflag:$0x4], $0x80, s28, s22, $0xb8;
	[tilespmem:$0x1EA00] =	vst v63  }
0x43: {  	_ =	swait.ge [sflag:s29], $0x4000  }
0x44: {  	[sflag:s29] =	ssyncset.done $0x0  }
0x45: {  	[sflag:s29] =	ssyncadd.s32 $0xFFFFC000  }
0x46: {  	s0 =	simm.s32 $0x180;
	_ =	swait.ge [sflag:s30], $0x4000  }
0x47: {  	s1 =	simm.s32 $0x20;
	s21 =	simm.s32 $0x40;
	[sflag:s30] =	ssyncset.done $0x0  }
.LBB2_2:
0x48: {  	p0 =	sne.s32 s21, $0x4E0;
	s5 =	sadd.s32 $0xFFFFFF80, s0;
	[sflag:s30] =	ssyncadd.s32 $0xFFFFC000  }
0x49: {  	[tilespmem:s19], [sflag:$0x1] =	stream.indirect.gather [hbm4b:s4+s22], $0x80, s5, s22, $0xb8;
	[tilespmem:$0x1EA00] =	vst v63  }
0x4a: {  	s5 =	smov.u32 s21;
	s21 =	sadd.s32 $0x20, s21  }
0x4b: {  	[tilespmem:s23], [sflag:$0x2] =	stream.indirect.gather [hbm4b:s4+s22], $0x80, s0, s22, $0xb8;
	[tilespmem:$0x1EA00] =	vst v63  }
0x4c: {  	s11 =	sadd.s32 s1, s18;
	s1 =	smov.u32 s5  }
0x4d: {  	[tilespmem:s24], [sflag:$0x5] =	stream.linear.gather [hbm4b:s11+s3], $0x100, $0x38;
	[tilespmem:$0x1EA00] =	vst v63  }
0x4e: {  	_ =	swait.ge [sflag:s20], $0x100  }
0x4f: {  	[sflag:s20] =	ssyncset.done $0x0  }
0x50: {  	[sflag:s20] =	ssyncadd.s32 $0xFFFFFF00  }
0x51: {  	_ =	swait.ge [sflag:s25], $0x4000  }
0x52: {  	[sflag:s25] =	ssyncset.done $0x0  }
0x53: {  	[sflag:s25] =	ssyncadd.s32 $0xFFFFC000  }
0x54: {  	[spmem:s2] =	stream.indirect.scatter.add.f32 [tilespmem:s19], [sflag:$0x3], $0x80, s24, s22, $0xb8;
	[tilespmem:$0x1EA00] =	vst v63  }
0x55: {  	_ =	swait.ge [sflag:s26], $0x4000  }
0x56: {  	[sflag:s26] =	ssyncset.done $0x0  }
0x57: {  	[sflag:s26] =	ssyncadd.s32 $0xFFFFC000  }
0x58: {  	[spmem:s2] =	stream.indirect.scatter.add.f32 [tilespmem:s23], [sflag:$0x4], $0x80, s28, s22, $0xb8;
	[tilespmem:$0x1EA00] =	vst v63  }
.Ltmp0:
0x59: {  	_ =	swait.ge [sflag:s29], $0x4000;
	(pc) =	sbr.rel @p0 .LBB2_2-.Ltmp0, $4  }
0x5a: {  	[sflag:s29] =	ssyncset.done $0x0  }
0x5b: {  	[sflag:s29] =	ssyncadd.s32 $0xFFFFC000  }
0x5c: {  	_ =	swait.ge [sflag:s30], $0x4000  }
0x5d: {  	s0 =	sadd.s32 $0x100, s0;
	[sflag:s30] =	ssyncset.done $0x0  }
0x5e: {  	s5 =	sadd.s32 $0xFFFFFF80, s0;
	[sflag:s30] =	ssyncadd.s32 $0xFFFFC000  }
0x5f: {  	[tilespmem:s19], [sflag:$0x1] =	stream.indirect.gather [hbm4b:s4+s22], $0x80, s5, s22, $0xb8;
	[tilespmem:$0x1EA00] =	vst v63  }
0x60: {  	_ = 	snop  }
0x61: {  	[tilespmem:s23], [sflag:$0x2] =	stream.indirect.gather [hbm4b:s4+s22], $0x80, s0, s22, $0xb8;
	[tilespmem:$0x1EA00] =	vst v63  }
0x62: {  	s21 =	sadd.s32 s1, s18  }
0x63: {  	[tilespmem:s24], [sflag:$0x5] =	stream.linear.gather [hbm4b:s21+s3], $0x100, $0x38;
	[tilespmem:$0x1EA00] =	vst v63  }
0x64: {  	_ =	swait.ge [sflag:s20], $0x100  }
0x65: {  	[sflag:s20] =	ssyncset.done $0x0  }
0x66: {  	[sflag:s20] =	ssyncadd.s32 $0xFFFFFF00  }
0x67: {  	_ =	swait.ge [sflag:s25], $0x4000  }
0x68: {  	[sflag:s25] =	ssyncset.done $0x0  }
0x69: {  	[sflag:s25] =	ssyncadd.s32 $0xFFFFC000  }
0x6a: {  	[spmem:s2] =	stream.indirect.scatter.add.f32 [tilespmem:s19], [sflag:$0x3], $0x80, s24, s22, $0xb8;
	[tilespmem:$0x1EA00] =	vst v63  }
0x6b: {  	_ =	swait.ge [sflag:s26], $0x4000  }
0x6c: {  	[sflag:s26] =	ssyncset.done $0x0  }
0x6d: {  	[sflag:s26] =	ssyncadd.s32 $0xFFFFC000  }
0x6e: {  	[spmem:s2] =	stream.indirect.scatter.add.f32 [tilespmem:s23], [sflag:$0x4], $0x80, s28, s22, $0xb8;
	[tilespmem:$0x1EA00] =	vst v63  }
0x6f: {  	_ =	swait.ge [sflag:s29], $0x4000  }
0x70: {  	[sflag:s29] =	ssyncset.done $0x0  }
0x71: {  	[sflag:s29] =	ssyncadd.s32 $0xFFFFC000  }
0x72: {  	_ =	swait.ge [sflag:s30], $0x4000  }
0x73: {  	[sflag:s30] =	ssyncset.done $0x0  }
0x74: {  	[sflag:s30] =	ssyncadd.s32 $0xFFFFC000  }
0x75: {  	[bflag:$0x0] =	sbarrier.arrive $0xFFFF  }
0x76: {  	[tilespmem:s19], [sflag:$0x5] =	stream.linear.gather [spmem:s6], $0x4000, $0x38;
	[tilespmem:$0x1EA00] =	vst v63  }
0x77: {  	_ =	swait.ge [sflag:s20], $0x4000  }
0x78: {  	[sflag:s20] =	ssyncset.done $0x0  }
0x79: {  	[sflag:s20] =	ssyncadd.s32 $0xFFFFC000  }
0x7a: {  	[hbm4b:s12+s3] =	stream.linear.scatter [tilespmem:s19], [sflag:$0x5], $0x4000, $0x38;
	[tilespmem:$0x1EA00] =	vst v63  }
0x7b: {  	_ =	swait.ge [sflag:s20], $0x4000  }
0x7c: {  	[sflag:s20] =	ssyncset.done $0x0  }
0x7d: {  	[sflag:s20] =	ssyncadd.s32 $0xFFFFC000  }
0x7e: {  	[tilespmem:s19], [sflag:$0x5] =	stream.linear.gather [spmem:s7], $0x4000, $0x38;
	[tilespmem:$0x1EA00] =	vst v63  }
0x7f: {  	_ =	swait.ge [sflag:s20], $0x4000  }
0x80: {  	[sflag:s20] =	ssyncset.done $0x0  }
0x81: {  	[sflag:s20] =	ssyncadd.s32 $0xFFFFC000  }
0x82: {  	[hbm4b:s13+s3] =	stream.linear.scatter [tilespmem:s19], [sflag:$0x5], $0x4000, $0x38;
	[tilespmem:$0x1EA00] =	vst v63  }
0x83: {  	_ =	swait.ge [sflag:s20], $0x4000  }
0x84: {  	[sflag:s20] =	ssyncset.done $0x0  }
0x85: {  	[sflag:s20] =	ssyncadd.s32 $0xFFFFC000  }
0x86: {  	[tilespmem:s19], [sflag:$0x5] =	stream.linear.gather [spmem:s8], $0x4000, $0x38;
	[tilespmem:$0x1EA00] =	vst v63  }
0x87: {  	_ =	swait.ge [sflag:s20], $0x4000  }
0x88: {  	[sflag:s20] =	ssyncset.done $0x0  }
0x89: {  	[sflag:s20] =	ssyncadd.s32 $0xFFFFC000  }
0x8a: {  	[hbm4b:s14+s3] =	stream.linear.scatter [tilespmem:s19], [sflag:$0x5], $0x4000, $0x38;
	[tilespmem:$0x1EA00] =	vst v63  }
0x8b: {  	_ =	swait.ge [sflag:s20], $0x4000  }
0x8c: {  	[sflag:s20] =	ssyncset.done $0x0  }
0x8d: {  	[sflag:s20] =	ssyncadd.s32 $0xFFFFC000  }
0x8e: {  	[tilespmem:s19], [sflag:$0x5] =	stream.linear.gather [spmem:s9], $0x4000, $0x38;
	[tilespmem:$0x1EA00] =	vst v63  }
0x8f: {  	_ =	swait.ge [sflag:s20], $0x4000  }
0x90: {  	[sflag:s20] =	ssyncset.done $0x0  }
0x91: {  	[sflag:s20] =	ssyncadd.s32 $0xFFFFC000  }
0x92: {  	[hbm4b:s15+s3] =	stream.linear.scatter [tilespmem:s19], [sflag:$0x5], $0x4000, $0x38;
	[tilespmem:$0x1EA00] =	vst v63  }
0x93: {  	_ =	swait.ge [sflag:s20], $0x4000  }
0x94: {  	[sflag:s20] =	ssyncset.done $0x0  }
0x95: {  	[sflag:s20] =	ssyncadd.s32 $0xFFFFC000  }
0x96: {  	[tilespmem:s19], [sflag:$0x5] =	stream.linear.gather [spmem:s10], $0x4000, $0x38;
	[tilespmem:$0x1EA00] =	vst v63  }
0x97: {  	s31 =	sadd.s32 $0x1, s31;
	_ =	swait.ge [sflag:s20], $0x4000  }
0x98: {  	p0 =	sne.s32 s31, s17;
	[sflag:s20] =	ssyncset.done $0x0  }
.Ltmp1:
0x99: {  	[sflag:s20] =	ssyncadd.s32 $0xFFFFC000;
	(pc) =	sbr.rel @p0 .LBB2_1-.Ltmp1, $4  }
0x9a: {  	[hbm4b:s16+s3] =	stream.linear.scatter [tilespmem:s19], [sflag:$0x5], $0x4000, $0x38;
	[tilespmem:$0x1EA00] =	vst v63  }
0x9b: {  	_ =	swait.ge [sflag:s20], $0x4000  }
0x9c: {  	[sflag:s20] =	ssyncset.done $0x0  }
0x9d: {  	[sflag:s20] =	ssyncadd.s32 $0xFFFFC000  }
0x9e: {  	_ =	sfence.sel $0x180000  }
0x9f: {  	[bflag:$0x0] =	sbarrier.arrive $0xFFFF  }
0xa0: {  	_ =	strace $0x90000047  }
0xa1: {  	s0 =	stileid.u32;
	[bflag:$0x2] =	sbarrier.arrive $0xFFFF  }
0xa2: {  	p0 =	sne.s32 s0, $0x0;
	s0 =	rddreg [dreg:$0x2]  }
0xa3: {  	s0 =	sadd.s32 @!p0 $0x100000, s0  }
0xa4: {  	[sflag:s0] =	ssyncadd.tile.s32 @!p0 $0x1;
	_ =	shalt  }
.Lfunc_end2:
_tile_overlayer_lowered:
.L_overlay_start_2:
0xa5: {  	(tag) =	ssettag $0x2  }
0xa6: {  	s0 =	rddreg [dreg:$0x0];
	s2 =	stileid.u32  }
0xa7: {  	s1 =	rddreg [dreg:$0x1];
	p0 =	sne.s32 s2, $0x0  }
0xa8: {  	s3 =	rddreg [dreg:$0x2];
	[bflag:$0x3] =	sbarrier.arrive $0xFFFF;
	s2 =	simm.s32 @!p0 $0x1C05  }
0xa9: {  	[timem:s3], [sflag:s2] =	dma.local @!p0 [hbm:s0], s1  }
0xaa: {  	s0 =	simm.s32 @!p0 $0x5  }
0xab: {  	_ =	swait.ge @!p0 [sflag:s0], s1  }
0xac: {  	s1 =	ssub.s32 @!p0 $0x0, s1;
	[sflag:s0] =	ssyncset.done @!p0 $0x0  }
0xad: {  	[sflag:s0] =	ssyncadd.s32 @!p0 s1  }
0xae: {  	[bflag:$0x3] =	sbarrier.arrive $0xFFFF  }
0xaf: {  	_ =	shalt  }

// kernel: kernel.16.cloned.1.call-start
scs
__scs_entry_jumppad:
0x0: {  	(pc) =	sbr.rel $0x88, $3  }
0x1: {  	(tag) =	ssettag $0x0;
	lr =	simm.s32 $0x1  }
0x2: {  	[smem:$0x3F8E] =	sst lr;
	_ =	strace $0xD0000000  }
0x3: {  	_ = 	snop  }
0x4: {  	_ = 	snop  }
0x5: {  	_ = 	snop  }
0x6: {  	_ = 	snop  }
0x7: {  	_ = 	snop  }
__scs_overlays_trampoline_lowered:
0x8: {  	[smem:$0x3F9D] =	sst s0  }
0x9: {  	[smem:$0x3F9E] =	sst s1  }
0xa: {  	[smem:$0x3F9F] =	sst s2  }
0xb: {  	[smem:$0x3FA0] =	sst s3  }
0xc: {  	[smem:$0x3FA1] =	sst s4  }
0xd: {  	[smem:$0x3FA2] =	sst s5  }
0xe: {  	[smem:$0x3FA3] =	sst s6  }
0xf: {  	[smem:$0x3FA4] =	sst s7  }
0x10: {  	[smem:$0x3FA5] =	sst s8  }
0x11: {  	[smem:$0x3FA6] =	sst s9;
	s0 =	simm.s32 @!p0 $0x0  }
0x12: {  	s1 =	sld [smem:$0x3F8C];
	s0 =	simm.s32 @p0 $0x1  }
0x13: {  	[smem:$0x3FA7] =	sst s0;
	s0 =	simm.s32 @!p1 $0x0  }
0x14: {  	s2 =	sld [smem:$0x3F8B];
	s0 =	simm.s32 @p1 $0x1  }
0x15: {  	[smem:$0x3FA8] =	sst s0;
	s0 =	simm.s32 @!p2 $0x0  }
0x16: {  	s3 =	sld [smem:$0x3FDB];
	s0 =	simm.s32 @p2 $0x1  }
0x17: {  	s4 =	simm.s32 $0x1BF5;
	[smem:$0x3FAA] =	sst s0  }
0x18: {  	s0 =	sld [smem:$0x3F8D];
	_ =	swait.ge [sflag:s4], $0x0  }
0x19: {  	s7 =	sld [smem:$0x3F8E]  }
0x1a: {  	s8 =	sadd.s32 $0xFFFFE003, lr  }
0x1b: {  	s9 =	sadd.s32 $0xFFFFFEF7, lr;
	s5 =	simm.s32 $0xFFFFFFFF;
	p2 =	slt.u32 s8, $0xFFFFF086  }
0x1c: {  	p1 =	slt.u32 s9, $0xF7A;
	s5 =	simm.s32 @!p2 $0x0  }
0x1d: {  	s5 =	simm.s32 @p1 $0x1;
	p0 =	seq.s32 s7, s2  }
0x1e: {  	s7 =	smul.u32 @!p0 $0xF7A, s2;
	p2 =	seq.s32 @!p0 s5, $0x0  }
0x1f: {  	s9 =	smul.u32 $0xF7A, s1;
	s8 =	simm.s32 @!p0 $0x1BF5;
	p2 =	por !p2, p0  }
0x20: {  	[sflag:s8] =	ssyncset.s32 @!p0 $0xFFFFF086;
	s6 =	sadd.s32 @!p0 s3, s7;
	s7 =	simm.s32 @!p0 $0x108  }
0x21: {  	s3 =	sadd.s32 s3, s9;
	s6 =	sadd.s32 @!p0 $0x88, s6;
	s7 =	simm.s32 @p2 $0x1082  }
0x22: {  	[simem:s7], [sflag:s8] =	dma.local @!p0 [hbm:s6], $0xF7A  }
0x23: {  	s9 =	sor.u32 $0xD0000000, s2;
	s6 =	simm.s32 $0x108;
	_ =	swait.ge @!p0 [sflag:s8], $0x0  }
0x24: {  	s3 =	sadd.s32 $0x88, s3;
	s6 =	simm.s32 @!p1 $0x1082;
	[sflag:s4] =	ssyncset.s32 $0xFFFFF086  }
0x25: {  	[simem:s6], [sflag:s4] =	dma.local [hbm:s3], $0xF7A  }
0x26: {  	[smem:$0x3F8E] =	sst s1;
	(tag) =	ssettag s2;
	_ =	strace s9  }
0x27: {  	s1 =	sld [smem:$0x3F9E]  }
0x28: {  	s2 =	sld [smem:$0x3F9F]  }
0x29: {  	s4 =	sld [smem:$0x3FA1]  }
0x2a: {  	p0 =	seq.s32 s5, $0x0;
	s5 =	sld [smem:$0x3FA2]  }
0x2b: {  	s6 =	sld [smem:$0x3FA3]  }
0x2c: {  	s7 =	sld [smem:$0x3FA4]  }
0x2d: {  	s3 =	simm.s32 $0x108;
	s8 =	sld [smem:$0x3FA5]  }
0x2e: {  	s3 =	simm.s32 @!p0 $0x1082;
	s9 =	sld [smem:$0x3FA6]  }
0x2f: {  	lr =	sadd.s32 s0, s3;
	s0 =	sld [smem:$0x3F9D]  }
0x30: {  	s3 =	sld [smem:$0x3FA0]  }
0x31: {  	[smem:$0x3FA9] =	sst s10  }
0x32: {  	s10 =	sld [smem:$0x3FA7];
	_ =	sdelay $0x3  }
0x33: {  	p0 =	seq.s32 s10, $0x1;
	s10 =	sld [smem:$0x3FA9];
	_ =	sdelay $0x3  }
0x34: {  	[smem:$0x3FA9] =	sst s10  }
0x35: {  	s10 =	sld [smem:$0x3FA8];
	_ =	sdelay $0x3  }
0x36: {  	p1 =	seq.s32 s10, $0x1;
	s10 =	sld [smem:$0x3FA9];
	_ =	sdelay $0x3  }
0x37: {  	[smem:$0x3FA9] =	sst s10  }
0x38: {  	s10 =	sld [smem:$0x3FAA]  }
0x39: {  	_ = 	snop;
	(pc) =	sbr.ind lr, $3  }
0x3a: {  	_ = 	snop  }
0x3b: {  	_ = 	snop  }
0x3c: {  	p2 =	seq.s32 s10, $0x1;
	s10 =	sld [smem:$0x3FA9]  }
0x3d: {  	_ =	shalt  }
0x3e: {  	_ =	shalt  }
0x3f: {  	_ =	shalt  }
0x40: {  	_ =	shalt  }
0x41: {  	_ =	shalt  }
0x42: {  	_ =	shalt  }
0x43: {  	_ =	shalt  }
0x44: {  	_ =	shalt  }
0x45: {  	_ =	shalt  }
0x46: {  	_ =	shalt  }
0x47: {  	_ =	shalt  }
0x48: {  	_ =	shalt  }
0x49: {  	_ =	shalt  }
0x4a: {  	_ =	shalt  }
0x4b: {  	_ =	shalt  }
0x4c: {  	_ =	shalt  }
0x4d: {  	_ =	shalt  }
0x4e: {  	_ =	shalt  }
0x4f: {  	_ =	shalt  }
0x50: {  	_ =	shalt  }
0x51: {  	_ =	shalt  }
0x52: {  	_ =	shalt  }
0x53: {  	_ =	shalt  }
0x54: {  	_ =	shalt  }
0x55: {  	_ =	shalt  }
0x56: {  	_ =	shalt  }
0x57: {  	_ =	shalt  }
0x58: {  	_ =	shalt  }
0x59: {  	_ =	shalt  }
0x5a: {  	_ =	shalt  }
0x5b: {  	_ =	shalt  }
0x5c: {  	_ =	shalt  }
0x5d: {  	_ =	shalt  }
0x5e: {  	_ =	shalt  }
0x5f: {  	_ =	shalt  }
0x60: {  	_ =	shalt  }
0x61: {  	_ =	shalt  }
0x62: {  	_ =	shalt  }
0x63: {  	_ =	shalt  }
0x64: {  	_ =	shalt  }
0x65: {  	_ =	shalt  }
0x66: {  	_ =	shalt  }
0x67: {  	_ =	shalt  }
0x68: {  	_ =	shalt  }
0x69: {  	_ =	shalt  }
0x6a: {  	_ =	shalt  }
0x6b: {  	_ =	shalt  }
0x6c: {  	_ =	shalt  }
0x6d: {  	_ =	shalt  }
0x6e: {  	_ =	shalt  }
0x6f: {  	_ =	shalt  }
0x70: {  	_ =	shalt  }
0x71: {  	_ =	shalt  }
0x72: {  	_ =	shalt  }
0x73: {  	_ =	shalt  }
0x74: {  	_ =	shalt  }
0x75: {  	_ =	shalt  }
0x76: {  	_ =	shalt  }
0x77: {  	_ =	shalt  }
0x78: {  	_ =	shalt  }
0x79: {  	_ =	shalt  }
0x7a: {  	_ =	shalt  }
0x7b: {  	_ =	shalt  }
0x7c: {  	_ =	shalt  }
0x7d: {  	_ =	shalt  }
0x7e: {  	_ =	shalt  }
0x7f: {  	_ =	shalt  }
0x80: {  	_ =	shalt  }
0x81: {  	_ =	shalt  }
0x82: {  	_ =	shalt  }
0x83: {  	_ =	shalt  }
0x84: {  	_ =	shalt  }
0x85: {  	_ =	shalt  }
0x86: {  	_ =	shalt  }
0x87: {  	_ =	shalt  }
.Lfunc_end0:
.L_simem_size_0:
called_computation.2_lowered:
.L_overlay_start_0:
0x88: {  	s2 =	sld [smem:$0x3FD9]  }
0x89: {  	s3 =	sld [smem:$0x3FFE];
	_ =	sdelay $0x1  }
0x8a: {  	s1 =	srdreg.scid  }
0x8b: {  	s0 =	sand.u32 $0x1, s1  }
0x8c: {  	s16 =	sshll.u32 s0, $0xA;
	s2 =	sadd.s32 s3, s2  }
0x8d: {  	s2 =	sadd.s32 s2, s16  }
0x8e: {  	[smem:$0x3FB5] =	sst s2  }
0x8f: {  	_ = 	snop  }
0x90: {  	(tm) =	ssettm $0x1  }
0x91: {  	s17 =	sld [smem:$0x3FFB];
	_ =	sdelay $0x3  }
0x92: {  	_ =	strace s17  }
0x93: {  	s2 =	sld [smem:$0x3FFC];
	_ =	sdelay $0x3  }
0x94: {  	_ =	strace s2  }
0x95: {  	s2 =	sld [smem:$0x3FFD];
	_ =	sdelay $0x3  }
0x96: {  	_ =	strace s2  }
0x97: {  	_ =	strace $0x8FFFFFFF  }
0x98: {  	s18 =	sld [smem:$0x3FDB];
	_ =	sdelay $0x1  }
0x99: {  	s19 =	simm.s32 $_scs_section_size  }
0x9a: {  	s4 =	simm.s32 $_size__tile_overlayer_lowered;
	s5 =	simm.s32 $_tile_overlayer_lowered  }
0x9b: {  	s22 =	simm.s32 $0x1BFF;
	s21 =	sshll.u32 s5, $0x1;
	s2 =	sadd.s32 s19, s18  }
0x9c: {  	s6 =	simm.s32 $0x0;
	s20 =	sshll.u32 s4, $0x1;
	s4 =	sadd.s32 s21, s2  }
0x9d: {  	[timem:s6], [sflag:s22] =	dma.local [hbm:s4], s20  }
0x9e: {  	_ =	swait.ge [sflag:s22], s20  }
0x9f: {  	s3 =	ssub.s32 $0x0, s20;
	[sflag:s22] =	ssyncset.done $0x0  }
0xa0: {  	[sflag:s22] =	ssyncadd.s32 s3;
	_ =	sdelay $0x1  }
0xa1: {  	s23 =	simm.s32 $0x1B8B  }
0xa2: {  	_ =	swait.ge [sflag:s23], $0x1  }
0xa3: {  	[sflag:s23] =	ssyncset.done $0x0  }
0xa4: {  	s25 =	simm.s32 $0x1B8E;
	s24 =	sld [smem:$0x3FFE];
	[sflag:s23] =	ssyncadd.s32 $0xFFFFFFFF  }
0xa5: {  	s26 =	simm.s32 $execute0_lowered;
	[smem:$0x3FD2] =	sst s25  }
0xa6: {  	s4 =	sshll.u32 s26, $0x1;
	_ =	strace $0x8000004C;
	[dreg:$0x1] =	wrdreg $0xFFFFFFFF  }
0xa7: {  	s28 =	simm.s32 $_size_execute0_lowered;
	s2 =	sadd.s32 s2, s4;
	[dreg:$0x0] =	wrdreg $0x0  }
0xa8: {  	s4 =	sshll.u32 s28, $0x1;
	[dreg:$0x2] =	wrdreg s2  }
0xa9: {  	[dreg:$0x3] =	wrdreg s4  }
0xaa: {  	[dreg:$0x4] =	wrdreg $0xC0  }
0xab: {  	_ =	task [dreg:s6], $0x5FFFF  }
0xac: {  	[dreg:$0x1] =	wrdreg $0xFFFFFFFF  }
0xad: {  	[dreg:$0x0] =	wrdreg $0x60  }
0xae: {  	[dreg:$0x2] =	wrdreg s24  }
0xaf: {  	[dreg:$0x3] =	wrdreg $0xAA000  }
0xb0: {  	[dreg:$0x4] =	wrdreg $0x9  }
0xb1: {  	_ =	task.clear_ibuf [dreg:s6], $0x5FFFF;
	_ =	strace $0x9000004C  }
0xb2: {  	s29 =	simm.s32 $0x9;
	_ =	strace $0x8000004E  }
0xb3: {  	_ =	swait.ge [sflag:s29], $0x1  }
0xb4: {  	[sflag:s29] =	ssyncadd.s32 $0xFFFFFFFF  }
0xb5: {  	_ =	strace $0x9000004E  }
0xb6: {  	_ =	sfence  }
0xb7: {  	s30 =	sld [smem:$0x0];
	_ =	sdelay $0x2  }
0xb8: {  	s31 =	sshll.u32 s1, $0xD;
	s1 =	sshrl.u32 s1, $0x2  }
0xb9: {  	s3 =	sand.u32 $0x4000, s31;
	s1 =	sadd.s32 s1, s30  }
0xba: {  	s0 =	sor.u32 s3, s0;
	s1 =	sshll.u32 s1, $0x11  }
0xbb: {  	s0 =	sor.u32 s1, s0  }
0xbc: {  	s0 =	sadd.s32 $0x8F2B, s0  }
0xbd: {  	[sflag:s0] =	ssyncadd.remote.s32 $0x1  }
0xbe: {  	_ =	sfence.sel $0xFFFF  }
0xbf: {  	[dreg:$0x0] =	wrdreg $0xFFFFFFFF;
	(pc) =	sbr.abs _section_cstart, $3  }
0xc0: {  	[dreg:$0x1] =	wrdreg $0xFFFFFFFF  }
0xc1: {  	_ =	task.clear_ibuf [dreg:s6], $0x2FFFF;
	_ =	strace $0x9FFFFFFF  }
0xc2: {  	(tm) =	ssettm $0x7FFFFFFF  }
0xc3: {  	_ =	shalt  }
tec
execute0_lowered:
.L_overlay_start_1:
0x0: {  	(tag) =	ssettag $0x1  }
0x1: {  	s0 =	srdreg.scid  }
0x2: {  	s1 =	rddreg [dreg:$0x0];
	s9 =	stileid.u32  }
0x3: {  	s2 =	rddreg [dreg:$0x1];
	s19 =	simm.s32 $0x2A00;
	s20 =	simm.s32 $0x5  }
0x4: {  	s22 =	simm.s32 $0x80;
	s28 =	simm.s32 $0x2980;
	s29 =	simm.s32 $0x3  }
0x5: {  	s30 =	simm.s32 $0x4;
	s31 =	simm.s32 $0x0;
	s6 =	smul.u32 $0x500, s9  }
0x6: {  	s0 =	sand.u32 $0x1, s0;
	s5 =	sshll.u32 s9, $0x7;
	s7 =	smul.u32 $0x280, s9  }
0x7: {  	s23 =	smul.u32 $0x50000, s9;
	s24 =	sadd.s32 $0x63600, s1;
	s3 =	sshll.u32 s0, $0x4  }
0x8: {  	s5 =	sand.u32 $0x380, s5;
	s8 =	smul.u32 $0x2800, s0;
	s0 =	ssub.s32 $0x2, s0  }
0x9: {  	s3 =	sor.u32 s9, s3;
	s18 =	sadd.s32 s6, s1;
	s25 =	sshrl.u32 s0, $0x1  }
0xa: {  	s6 =	sshrl.u32 s23, $0x2;
	s23 =	simm.s32 $0x6A00;
	s4 =	sshrl.u32 s3, $0x3  }
0xb: {  	s3 =	simm.s32 $0x0;
	s7 =	sadd.s32 s7, s8;
	s0 =	ssub.s32 s0, s25  }
0xc: {  	s6 =	sadd.s32 s6, s2;
	s18 =	sadd.s32 $0xE600, s18;
	s25 =	simm.s32 $0x1  }
0xd: {  	s4 =	smul.u32 $0x14800, s4;
	[smem:$0x7FF] =	sst s3;
	s7 =	sshll.u32 s7, $0x4  }
0xe: {  	s8 =	sadd.s32 $0x8000, s6;
	s9 =	sadd.s32 $0xC000, s6;
	s10 =	sadd.s32 $0x10000, s6  }
0xf: {  	s17 =	smax.u32 s0, $0x1;
	_ =	strace $0x8000004D;
	s5 =	sor.u32 s5, s4  }
0x10: {  	[dreg:$0x3] =	wrdreg s24;
	s24 =	simm.s32 $0x2900;
	s5 =	sshrl.u32 s5, $0x3  }
0x11: {  	s4 =	sadd.s32 $0x13600, s1;
	s11 =	sadd.s32 s5, s1;
	s1 =	sadd.s32 s7, s1  }
0x12: {  	s7 =	sadd.s32 $0x4000, s6;
	s26 =	sadd.s32 $0x4200, s11;
	s12 =	sadd.s32 $0x63E00, s1  }
0x13: {  	s13 =	sadd.s32 $0x64600, s1;
	s14 =	sadd.s32 $0x64E00, s1;
	s15 =	sadd.s32 $0x65600, s1  }
0x14: {  	s16 =	sadd.s32 $0x65E00, s1;
	[dreg:$0x4] =	wrdreg s26;
	s26 =	simm.s32 $0x2  }
.LBB2_1:
0x15: {  	s0 =	rddreg [dreg:$0x3]  }
0x16: {  	[tilespmem:s19], [sflag:$0x5] =	stream.linear.gather [hbm4b:s0+s3], $0x4000, $0x38;
	[tilespmem:$0x1EA00] =	vst v63  }
0x17: {  	_ =	swait.ge [sflag:s20], $0x4000  }
0x18: {  	[sflag:s20] =	ssyncset.done $0x0  }
0x19: {  	[sflag:s20] =	ssyncadd.s32 $0xFFFFC000  }
0x1a: {  	[spmem:s6] =	stream.linear.scatter [tilespmem:s19], [sflag:$0x5], $0x4000, $0x38;
	[tilespmem:$0x1EA00] =	vst v63  }
0x1b: {  	_ =	swait.ge [sflag:s20], $0x4000  }
0x1c: {  	[sflag:s20] =	ssyncset.done $0x0  }
0x1d: {  	[sflag:s20] =	ssyncadd.s32 $0xFFFFC000  }
0x1e: {  	[spmem:s7] =	stream.linear.scatter [tilespmem:s19], [sflag:$0x5], $0x4000, $0x38;
	[tilespmem:$0x1EA00] =	vst v63  }
0x1f: {  	_ =	swait.ge [sflag:s20], $0x4000  }
0x20: {  	[sflag:s20] =	ssyncset.done $0x0  }
0x21: {  	[sflag:s20] =	ssyncadd.s32 $0xFFFFC000  }
0x22: {  	[spmem:s8] =	stream.linear.scatter [tilespmem:s19], [sflag:$0x5], $0x4000, $0x38;
	[tilespmem:$0x1EA00] =	vst v63  }
0x23: {  	_ =	swait.ge [sflag:s20], $0x4000  }
0x24: {  	[sflag:s20] =	ssyncset.done $0x0  }
0x25: {  	[sflag:s20] =	ssyncadd.s32 $0xFFFFC000  }
0x26: {  	[spmem:s9] =	stream.linear.scatter [tilespmem:s19], [sflag:$0x5], $0x4000, $0x38;
	[tilespmem:$0x1EA00] =	vst v63  }
0x27: {  	_ =	swait.ge [sflag:s20], $0x4000  }
0x28: {  	[sflag:s20] =	ssyncset.done $0x0  }
0x29: {  	[sflag:s20] =	ssyncadd.s32 $0xFFFFC000  }
0x2a: {  	[spmem:s10] =	stream.linear.scatter [tilespmem:s19], [sflag:$0x5], $0x4000, $0x38;
	[tilespmem:$0x1EA00] =	vst v63  }
0x2b: {  	_ =	swait.ge [sflag:s20], $0x4000  }
0x2c: {  	[sflag:s20] =	ssyncset.done $0x0  }
0x2d: {  	s1 =	simm.s32 $0x400;
	s5 =	rddreg [dreg:$0x4];
	[sflag:s20] =	ssyncadd.s32 $0xFFFFC000  }
0x2e: {  	[tilespmem:s3], [sflag:$0x5] =	stream.strided.gather [hbm4b:s5+s22], $0x2900, s1, s22, $0x38;
	[tilespmem:$0x1EA00] =	vst v63  }
0x2f: {  	_ =	swait.ge [sflag:s20], $0x2900  }
0x30: {  	[sflag:s20] =	ssyncset.done $0x0  }
0x31: {  	[sflag:s20] =	ssyncadd.s32 $0xFFFFD700  }
0x32: {  	s11 =	simm.s32 $0x0;
	[bflag:$0x0] =	sbarrier.arrive $0xFFFF  }
0x33: {  	[tilespmem:s19], [sflag:$0x1] =	stream.indirect.gather [hbm4b:s4+s22], $0x80, s11, s22, $0xb8;
	[tilespmem:$0x1EA00] =	vst v63  }
0x34: {  	_ = 	snop  }
0x35: {  	[tilespmem:s23], [sflag:$0x2] =	stream.indirect.gather [hbm4b:s4+s22], $0x80, s22, s22, $0xb8;
	[tilespmem:$0x1EA00] =	vst v63  }
0x36: {  	s21 =	sadd.s32 $0x0, s18  }
0x37: {  	[tilespmem:s24], [sflag:$0x5] =	stream.linear.gather [hbm4b:s21+s3], $0x100, $0x38;
	[tilespmem:$0x1EA00] =	vst v63  }
0x38: {  	_ =	swait.ge [sflag:s20], $0x100  }
0x39: {  	[sflag:s20] =	ssyncset.done $0x0  }
0x3a: {  	[sflag:s20] =	ssyncadd.s32 $0xFFFFFF00  }
0x3b: {  	_ =	swait.ge [sflag:s25], $0x4000  }
0x3c: {  	[sflag:s25] =	ssyncset.done $0x0  }
0x3d: {  	[sflag:s25] =	ssyncadd.s32 $0xFFFFC000  }
0x3e: {  	[spmem:s2] =	stream.indirect.scatter.add.f32 [tilespmem:s19], [sflag:$0x3], $0x80, s24, s22, $0xb8;
	[tilespmem:$0x1EA00] =	vst v63  }
0x3f: {  	_ =	swait.ge [sflag:s26], $0x4000  }
0x40: {  	[sflag:s26] =	ssyncset.done $0x0  }
0x41: {  	[sflag:s26] =	ssyncadd.s32 $0xFFFFC000  }
0x42: {  	[spmem:s2] =	stream.indirect.scatter.add.f32 [tilespmem:s23], [sflag:$0x4], $0x80, s28, s22, $0xb8;
	[tilespmem:$0x1EA00] =	vst v63  }
0x43: {  	_ =	swait.ge [sflag:s29], $0x4000  }
0x44: {  	[sflag:s29] =	ssyncset.done $0x0  }
0x45: {  	[sflag:s29] =	ssyncadd.s32 $0xFFFFC000  }
0x46: {  	s0 =	simm.s32 $0x180;
	_ =	swait.ge [sflag:s30], $0x4000  }
0x47: {  	s1 =	simm.s32 $0x20;
	s21 =	simm.s32 $0x40;
	[sflag:s30] =	ssyncset.done $0x0  }
.LBB2_2:
0x48: {  	p0 =	sne.s32 s21, $0x4E0;
	s5 =	sadd.s32 $0xFFFFFF80, s0;
	[sflag:s30] =	ssyncadd.s32 $0xFFFFC000  }
0x49: {  	[tilespmem:s19], [sflag:$0x1] =	stream.indirect.gather [hbm4b:s4+s22], $0x80, s5, s22, $0xb8;
	[tilespmem:$0x1EA00] =	vst v63  }
0x4a: {  	s5 =	smov.u32 s21;
	s21 =	sadd.s32 $0x20, s21  }
0x4b: {  	[tilespmem:s23], [sflag:$0x2] =	stream.indirect.gather [hbm4b:s4+s22], $0x80, s0, s22, $0xb8;
	[tilespmem:$0x1EA00] =	vst v63  }
0x4c: {  	s11 =	sadd.s32 s1, s18;
	s1 =	smov.u32 s5  }
0x4d: {  	[tilespmem:s24], [sflag:$0x5] =	stream.linear.gather [hbm4b:s11+s3], $0x100, $0x38;
	[tilespmem:$0x1EA00] =	vst v63  }
0x4e: {  	_ =	swait.ge [sflag:s20], $0x100  }
0x4f: {  	[sflag:s20] =	ssyncset.done $0x0  }
0x50: {  	[sflag:s20] =	ssyncadd.s32 $0xFFFFFF00  }
0x51: {  	_ =	swait.ge [sflag:s25], $0x4000  }
0x52: {  	[sflag:s25] =	ssyncset.done $0x0  }
0x53: {  	[sflag:s25] =	ssyncadd.s32 $0xFFFFC000  }
0x54: {  	[spmem:s2] =	stream.indirect.scatter.add.f32 [tilespmem:s19], [sflag:$0x3], $0x80, s24, s22, $0xb8;
	[tilespmem:$0x1EA00] =	vst v63  }
0x55: {  	_ =	swait.ge [sflag:s26], $0x4000  }
0x56: {  	[sflag:s26] =	ssyncset.done $0x0  }
0x57: {  	[sflag:s26] =	ssyncadd.s32 $0xFFFFC000  }
0x58: {  	[spmem:s2] =	stream.indirect.scatter.add.f32 [tilespmem:s23], [sflag:$0x4], $0x80, s28, s22, $0xb8;
	[tilespmem:$0x1EA00] =	vst v63  }
.Ltmp0:
0x59: {  	_ =	swait.ge [sflag:s29], $0x4000;
	(pc) =	sbr.rel @p0 .LBB2_2-.Ltmp0, $4  }
0x5a: {  	[sflag:s29] =	ssyncset.done $0x0  }
0x5b: {  	[sflag:s29] =	ssyncadd.s32 $0xFFFFC000  }
0x5c: {  	_ =	swait.ge [sflag:s30], $0x4000  }
0x5d: {  	s0 =	sadd.s32 $0x100, s0;
	[sflag:s30] =	ssyncset.done $0x0  }
0x5e: {  	s5 =	sadd.s32 $0xFFFFFF80, s0;
	[sflag:s30] =	ssyncadd.s32 $0xFFFFC000  }
0x5f: {  	[tilespmem:s19], [sflag:$0x1] =	stream.indirect.gather [hbm4b:s4+s22], $0x80, s5, s22, $0xb8;
	[tilespmem:$0x1EA00] =	vst v63  }
0x60: {  	_ = 	snop  }
0x61: {  	[tilespmem:s23], [sflag:$0x2] =	stream.indirect.gather [hbm4b:s4+s22], $0x80, s0, s22, $0xb8;
	[tilespmem:$0x1EA00] =	vst v63  }
0x62: {  	s21 =	sadd.s32 s1, s18  }
0x63: {  	[tilespmem:s24], [sflag:$0x5] =	stream.linear.gather [hbm4b:s21+s3], $0x100, $0x38;
	[tilespmem:$0x1EA00] =	vst v63  }
0x64: {  	_ =	swait.ge [sflag:s20], $0x100  }
0x65: {  	[sflag:s20] =	ssyncset.done $0x0  }
0x66: {  	[sflag:s20] =	ssyncadd.s32 $0xFFFFFF00  }
0x67: {  	_ =	swait.ge [sflag:s25], $0x4000  }
0x68: {  	[sflag:s25] =	ssyncset.done $0x0  }
0x69: {  	[sflag:s25] =	ssyncadd.s32 $0xFFFFC000  }
0x6a: {  	[spmem:s2] =	stream.indirect.scatter.add.f32 [tilespmem:s19], [sflag:$0x3], $0x80, s24, s22, $0xb8;
	[tilespmem:$0x1EA00] =	vst v63  }
0x6b: {  	_ =	swait.ge [sflag:s26], $0x4000  }
0x6c: {  	[sflag:s26] =	ssyncset.done $0x0  }
0x6d: {  	[sflag:s26] =	ssyncadd.s32 $0xFFFFC000  }
0x6e: {  	[spmem:s2] =	stream.indirect.scatter.add.f32 [tilespmem:s23], [sflag:$0x4], $0x80, s28, s22, $0xb8;
	[tilespmem:$0x1EA00] =	vst v63  }
0x6f: {  	_ =	swait.ge [sflag:s29], $0x4000  }
0x70: {  	[sflag:s29] =	ssyncset.done $0x0  }
0x71: {  	[sflag:s29] =	ssyncadd.s32 $0xFFFFC000  }
0x72: {  	_ =	swait.ge [sflag:s30], $0x4000  }
0x73: {  	[sflag:s30] =	ssyncset.done $0x0  }
0x74: {  	[sflag:s30] =	ssyncadd.s32 $0xFFFFC000  }
0x75: {  	[bflag:$0x0] =	sbarrier.arrive $0xFFFF  }
0x76: {  	[tilespmem:s19], [sflag:$0x5] =	stream.linear.gather [spmem:s6], $0x4000, $0x38;
	[tilespmem:$0x1EA00] =	vst v63  }
0x77: {  	_ =	swait.ge [sflag:s20], $0x4000  }
0x78: {  	[sflag:s20] =	ssyncset.done $0x0  }
0x79: {  	[sflag:s20] =	ssyncadd.s32 $0xFFFFC000  }
0x7a: {  	[hbm4b:s12+s3] =	stream.linear.scatter [tilespmem:s19], [sflag:$0x5], $0x4000, $0x38;
	[tilespmem:$0x1EA00] =	vst v63  }
0x7b: {  	_ =	swait.ge [sflag:s20], $0x4000  }
0x7c: {  	[sflag:s20] =	ssyncset.done $0x0  }
0x7d: {  	[sflag:s20] =	ssyncadd.s32 $0xFFFFC000  }
0x7e: {  	[tilespmem:s19], [sflag:$0x5] =	stream.linear.gather [spmem:s7], $0x4000, $0x38;
	[tilespmem:$0x1EA00] =	vst v63  }
0x7f: {  	_ =	swait.ge [sflag:s20], $0x4000  }
0x80: {  	[sflag:s20] =	ssyncset.done $0x0  }
0x81: {  	[sflag:s20] =	ssyncadd.s32 $0xFFFFC000  }
0x82: {  	[hbm4b:s13+s3] =	stream.linear.scatter [tilespmem:s19], [sflag:$0x5], $0x4000, $0x38;
	[tilespmem:$0x1EA00] =	vst v63  }
0x83: {  	_ =	swait.ge [sflag:s20], $0x4000  }
0x84: {  	[sflag:s20] =	ssyncset.done $0x0  }
0x85: {  	[sflag:s20] =	ssyncadd.s32 $0xFFFFC000  }
0x86: {  	[tilespmem:s19], [sflag:$0x5] =	stream.linear.gather [spmem:s8], $0x4000, $0x38;
	[tilespmem:$0x1EA00] =	vst v63  }
0x87: {  	_ =	swait.ge [sflag:s20], $0x4000  }
0x88: {  	[sflag:s20] =	ssyncset.done $0x0  }
0x89: {  	[sflag:s20] =	ssyncadd.s32 $0xFFFFC000  }
0x8a: {  	[hbm4b:s14+s3] =	stream.linear.scatter [tilespmem:s19], [sflag:$0x5], $0x4000, $0x38;
	[tilespmem:$0x1EA00] =	vst v63  }
0x8b: {  	_ =	swait.ge [sflag:s20], $0x4000  }
0x8c: {  	[sflag:s20] =	ssyncset.done $0x0  }
0x8d: {  	[sflag:s20] =	ssyncadd.s32 $0xFFFFC000  }
0x8e: {  	[tilespmem:s19], [sflag:$0x5] =	stream.linear.gather [spmem:s9], $0x4000, $0x38;
	[tilespmem:$0x1EA00] =	vst v63  }
0x8f: {  	_ =	swait.ge [sflag:s20], $0x4000  }
0x90: {  	[sflag:s20] =	ssyncset.done $0x0  }
0x91: {  	[sflag:s20] =	ssyncadd.s32 $0xFFFFC000  }
0x92: {  	[hbm4b:s15+s3] =	stream.linear.scatter [tilespmem:s19], [sflag:$0x5], $0x4000, $0x38;
	[tilespmem:$0x1EA00] =	vst v63  }
0x93: {  	_ =	swait.ge [sflag:s20], $0x4000  }
0x94: {  	[sflag:s20] =	ssyncset.done $0x0  }
0x95: {  	[sflag:s20] =	ssyncadd.s32 $0xFFFFC000  }
0x96: {  	[tilespmem:s19], [sflag:$0x5] =	stream.linear.gather [spmem:s10], $0x4000, $0x38;
	[tilespmem:$0x1EA00] =	vst v63  }
0x97: {  	s31 =	sadd.s32 $0x1, s31;
	_ =	swait.ge [sflag:s20], $0x4000  }
0x98: {  	p0 =	sne.s32 s31, s17;
	[sflag:s20] =	ssyncset.done $0x0  }
.Ltmp1:
0x99: {  	[sflag:s20] =	ssyncadd.s32 $0xFFFFC000;
	(pc) =	sbr.rel @p0 .LBB2_1-.Ltmp1, $4  }
0x9a: {  	[hbm4b:s16+s3] =	stream.linear.scatter [tilespmem:s19], [sflag:$0x5], $0x4000, $0x38;
	[tilespmem:$0x1EA00] =	vst v63  }
0x9b: {  	_ =	swait.ge [sflag:s20], $0x4000  }
0x9c: {  	[sflag:s20] =	ssyncset.done $0x0  }
0x9d: {  	[sflag:s20] =	ssyncadd.s32 $0xFFFFC000  }
0x9e: {  	_ =	sfence.sel $0x180000  }
0x9f: {  	[bflag:$0x0] =	sbarrier.arrive $0xFFFF  }
0xa0: {  	_ =	strace $0x9000004D  }
0xa1: {  	s0 =	stileid.u32;
	[bflag:$0x2] =	sbarrier.arrive $0xFFFF  }
0xa2: {  	p0 =	sne.s32 s0, $0x0;
	s0 =	rddreg [dreg:$0x2]  }
0xa3: {  	s0 =	sadd.s32 @!p0 $0x100000, s0  }
0xa4: {  	[sflag:s0] =	ssyncadd.tile.s32 @!p0 $0x1;
	_ =	shalt  }
.Lfunc_end2:
_tile_overlayer_lowered:
.L_overlay_start_2:
0xa5: {  	(tag) =	ssettag $0x2  }
0xa6: {  	s0 =	rddreg [dreg:$0x0];
	s2 =	stileid.u32  }
0xa7: {  	s1 =	rddreg [dreg:$0x1];
	p0 =	sne.s32 s2, $0x0  }
0xa8: {  	s3 =	rddreg [dreg:$0x2];
	[bflag:$0x3] =	sbarrier.arrive $0xFFFF;
	s2 =	simm.s32 @!p0 $0x1C05  }
0xa9: {  	[timem:s3], [sflag:s2] =	dma.local @!p0 [hbm:s0], s1  }
0xaa: {  	s0 =	simm.s32 @!p0 $0x5  }
0xab: {  	_ =	swait.ge @!p0 [sflag:s0], s1  }
0xac: {  	s1 =	ssub.s32 @!p0 $0x0, s1;
	[sflag:s0] =	ssyncset.done @!p0 $0x0  }
0xad: {  	[sflag:s0] =	ssyncadd.s32 @!p0 s1  }
0xae: {  	[bflag:$0x3] =	sbarrier.arrive $0xFFFF  }
0xaf: {  	_ =	shalt  }

// kernel: kernel.19.cloned.1.call-start
scs
__scs_entry_jumppad:
0x0: {  	(pc) =	sbr.rel $0x88, $3  }
0x1: {  	(tag) =	ssettag $0x0;
	lr =	simm.s32 $0x1  }
0x2: {  	[smem:$0x3F8E] =	sst lr;
	_ =	strace $0xD0000000  }
0x3: {  	_ = 	snop  }
0x4: {  	_ = 	snop  }
0x5: {  	_ = 	snop  }
0x6: {  	_ = 	snop  }
0x7: {  	_ = 	snop  }
__scs_overlays_trampoline_lowered:
0x8: {  	[smem:$0x3F9D] =	sst s0  }
0x9: {  	[smem:$0x3F9E] =	sst s1  }
0xa: {  	[smem:$0x3F9F] =	sst s2  }
0xb: {  	[smem:$0x3FA0] =	sst s3  }
0xc: {  	[smem:$0x3FA1] =	sst s4  }
0xd: {  	[smem:$0x3FA2] =	sst s5  }
0xe: {  	[smem:$0x3FA3] =	sst s6  }
0xf: {  	[smem:$0x3FA4] =	sst s7  }
0x10: {  	[smem:$0x3FA5] =	sst s8  }
0x11: {  	[smem:$0x3FA6] =	sst s9;
	s0 =	simm.s32 @!p0 $0x0  }
0x12: {  	s1 =	sld [smem:$0x3F8C];
	s0 =	simm.s32 @p0 $0x1  }
0x13: {  	[smem:$0x3FA7] =	sst s0;
	s0 =	simm.s32 @!p1 $0x0  }
0x14: {  	s2 =	sld [smem:$0x3F8B];
	s0 =	simm.s32 @p1 $0x1  }
0x15: {  	[smem:$0x3FA8] =	sst s0;
	s0 =	simm.s32 @!p2 $0x0  }
0x16: {  	s3 =	sld [smem:$0x3FDB];
	s0 =	simm.s32 @p2 $0x1  }
0x17: {  	s4 =	simm.s32 $0x1BF5;
	[smem:$0x3FAA] =	sst s0  }
0x18: {  	s0 =	sld [smem:$0x3F8D];
	_ =	swait.ge [sflag:s4], $0x0  }
0x19: {  	s7 =	sld [smem:$0x3F8E]  }
0x1a: {  	s8 =	sadd.s32 $0xFFFFE003, lr  }
0x1b: {  	s9 =	sadd.s32 $0xFFFFFEF7, lr;
	s5 =	simm.s32 $0xFFFFFFFF;
	p2 =	slt.u32 s8, $0xFFFFF086  }
0x1c: {  	p1 =	slt.u32 s9, $0xF7A;
	s5 =	simm.s32 @!p2 $0x0  }
0x1d: {  	s5 =	simm.s32 @p1 $0x1;
	p0 =	seq.s32 s7, s2  }
0x1e: {  	s7 =	smul.u32 @!p0 $0xF7A, s2;
	p2 =	seq.s32 @!p0 s5, $0x0  }
0x1f: {  	s9 =	smul.u32 $0xF7A, s1;
	s8 =	simm.s32 @!p0 $0x1BF5;
	p2 =	por !p2, p0  }
0x20: {  	[sflag:s8] =	ssyncset.s32 @!p0 $0xFFFFF086;
	s6 =	sadd.s32 @!p0 s3, s7;
	s7 =	simm.s32 @!p0 $0x108  }
0x21: {  	s3 =	sadd.s32 s3, s9;
	s6 =	sadd.s32 @!p0 $0x88, s6;
	s7 =	simm.s32 @p2 $0x1082  }
0x22: {  	[simem:s7], [sflag:s8] =	dma.local @!p0 [hbm:s6], $0xF7A  }
0x23: {  	s9 =	sor.u32 $0xD0000000, s2;
	s6 =	simm.s32 $0x108;
	_ =	swait.ge @!p0 [sflag:s8], $0x0  }
0x24: {  	s3 =	sadd.s32 $0x88, s3;
	s6 =	simm.s32 @!p1 $0x1082;
	[sflag:s4] =	ssyncset.s32 $0xFFFFF086  }
0x25: {  	[simem:s6], [sflag:s4] =	dma.local [hbm:s3], $0xF7A  }
0x26: {  	[smem:$0x3F8E] =	sst s1;
	(tag) =	ssettag s2;
	_ =	strace s9  }
0x27: {  	s1 =	sld [smem:$0x3F9E]  }
0x28: {  	s2 =	sld [smem:$0x3F9F]  }
0x29: {  	s4 =	sld [smem:$0x3FA1]  }
0x2a: {  	p0 =	seq.s32 s5, $0x0;
	s5 =	sld [smem:$0x3FA2]  }
0x2b: {  	s6 =	sld [smem:$0x3FA3]  }
0x2c: {  	s7 =	sld [smem:$0x3FA4]  }
0x2d: {  	s3 =	simm.s32 $0x108;
	s8 =	sld [smem:$0x3FA5]  }
0x2e: {  	s3 =	simm.s32 @!p0 $0x1082;
	s9 =	sld [smem:$0x3FA6]  }
0x2f: {  	lr =	sadd.s32 s0, s3;
	s0 =	sld [smem:$0x3F9D]  }
0x30: {  	s3 =	sld [smem:$0x3FA0]  }
0x31: {  	[smem:$0x3FA9] =	sst s10  }
0x32: {  	s10 =	sld [smem:$0x3FA7];
	_ =	sdelay $0x3  }
0x33: {  	p0 =	seq.s32 s10, $0x1;
	s10 =	sld [smem:$0x3FA9];
	_ =	sdelay $0x3  }
0x34: {  	[smem:$0x3FA9] =	sst s10  }
0x35: {  	s10 =	sld [smem:$0x3FA8];
	_ =	sdelay $0x3  }
0x36: {  	p1 =	seq.s32 s10, $0x1;
	s10 =	sld [smem:$0x3FA9];
	_ =	sdelay $0x3  }
0x37: {  	[smem:$0x3FA9] =	sst s10  }
0x38: {  	s10 =	sld [smem:$0x3FAA]  }
0x39: {  	_ = 	snop;
	(pc) =	sbr.ind lr, $3  }
0x3a: {  	_ = 	snop  }
0x3b: {  	_ = 	snop  }
0x3c: {  	p2 =	seq.s32 s10, $0x1;
	s10 =	sld [smem:$0x3FA9]  }
0x3d: {  	_ =	shalt  }
0x3e: {  	_ =	shalt  }
0x3f: {  	_ =	shalt  }
0x40: {  	_ =	shalt  }
0x41: {  	_ =	shalt  }
0x42: {  	_ =	shalt  }
0x43: {  	_ =	shalt  }
0x44: {  	_ =	shalt  }
0x45: {  	_ =	shalt  }
0x46: {  	_ =	shalt  }
0x47: {  	_ =	shalt  }
0x48: {  	_ =	shalt  }
0x49: {  	_ =	shalt  }
0x4a: {  	_ =	shalt  }
0x4b: {  	_ =	shalt  }
0x4c: {  	_ =	shalt  }
0x4d: {  	_ =	shalt  }
0x4e: {  	_ =	shalt  }
0x4f: {  	_ =	shalt  }
0x50: {  	_ =	shalt  }
0x51: {  	_ =	shalt  }
0x52: {  	_ =	shalt  }
0x53: {  	_ =	shalt  }
0x54: {  	_ =	shalt  }
0x55: {  	_ =	shalt  }
0x56: {  	_ =	shalt  }
0x57: {  	_ =	shalt  }
0x58: {  	_ =	shalt  }
0x59: {  	_ =	shalt  }
0x5a: {  	_ =	shalt  }
0x5b: {  	_ =	shalt  }
0x5c: {  	_ =	shalt  }
0x5d: {  	_ =	shalt  }
0x5e: {  	_ =	shalt  }
0x5f: {  	_ =	shalt  }
0x60: {  	_ =	shalt  }
0x61: {  	_ =	shalt  }
0x62: {  	_ =	shalt  }
0x63: {  	_ =	shalt  }
0x64: {  	_ =	shalt  }
0x65: {  	_ =	shalt  }
0x66: {  	_ =	shalt  }
0x67: {  	_ =	shalt  }
0x68: {  	_ =	shalt  }
0x69: {  	_ =	shalt  }
0x6a: {  	_ =	shalt  }
0x6b: {  	_ =	shalt  }
0x6c: {  	_ =	shalt  }
0x6d: {  	_ =	shalt  }
0x6e: {  	_ =	shalt  }
0x6f: {  	_ =	shalt  }
0x70: {  	_ =	shalt  }
0x71: {  	_ =	shalt  }
0x72: {  	_ =	shalt  }
0x73: {  	_ =	shalt  }
0x74: {  	_ =	shalt  }
0x75: {  	_ =	shalt  }
0x76: {  	_ =	shalt  }
0x77: {  	_ =	shalt  }
0x78: {  	_ =	shalt  }
0x79: {  	_ =	shalt  }
0x7a: {  	_ =	shalt  }
0x7b: {  	_ =	shalt  }
0x7c: {  	_ =	shalt  }
0x7d: {  	_ =	shalt  }
0x7e: {  	_ =	shalt  }
0x7f: {  	_ =	shalt  }
0x80: {  	_ =	shalt  }
0x81: {  	_ =	shalt  }
0x82: {  	_ =	shalt  }
0x83: {  	_ =	shalt  }
0x84: {  	_ =	shalt  }
0x85: {  	_ =	shalt  }
0x86: {  	_ =	shalt  }
0x87: {  	_ =	shalt  }
.Lfunc_end0:
.L_simem_size_0:
called_computation.3_lowered:
.L_overlay_start_0:
0x88: {  	s2 =	sld [smem:$0x3FD9]  }
0x89: {  	s3 =	sld [smem:$0x3FFE];
	_ =	sdelay $0x1  }
0x8a: {  	s1 =	srdreg.scid  }
0x8b: {  	s0 =	sand.u32 $0x1, s1  }
0x8c: {  	s16 =	sshll.u32 s0, $0xA;
	s2 =	sadd.s32 s3, s2  }
0x8d: {  	s2 =	sadd.s32 s2, s16  }
0x8e: {  	[smem:$0x3FB5] =	sst s2  }
0x8f: {  	_ = 	snop  }
0x90: {  	(tm) =	ssettm $0x1  }
0x91: {  	s17 =	sld [smem:$0x3FFB];
	_ =	sdelay $0x3  }
0x92: {  	_ =	strace s17  }
0x93: {  	s2 =	sld [smem:$0x3FFC];
	_ =	sdelay $0x3  }
0x94: {  	_ =	strace s2  }
0x95: {  	s2 =	sld [smem:$0x3FFD];
	_ =	sdelay $0x3  }
0x96: {  	_ =	strace s2  }
0x97: {  	_ =	strace $0x8FFFFFFF  }
0x98: {  	s18 =	sld [smem:$0x3FDB];
	_ =	sdelay $0x1  }
0x99: {  	s19 =	simm.s32 $_scs_section_size  }
0x9a: {  	s4 =	simm.s32 $_size__tile_overlayer_lowered;
	s5 =	simm.s32 $_tile_overlayer_lowered  }
0x9b: {  	s22 =	simm.s32 $0x1BFF;
	s21 =	sshll.u32 s5, $0x1;
	s2 =	sadd.s32 s19, s18  }
0x9c: {  	s6 =	simm.s32 $0x0;
	s20 =	sshll.u32 s4, $0x1;
	s4 =	sadd.s32 s21, s2  }
0x9d: {  	[timem:s6], [sflag:s22] =	dma.local [hbm:s4], s20  }
0x9e: {  	_ =	swait.ge [sflag:s22], s20  }
0x9f: {  	s3 =	ssub.s32 $0x0, s20;
	[sflag:s22] =	ssyncset.done $0x0  }
0xa0: {  	[sflag:s22] =	ssyncadd.s32 s3;
	_ =	sdelay $0x1  }
0xa1: {  	s23 =	simm.s32 $0x1B8B  }
0xa2: {  	_ =	swait.ge [sflag:s23], $0x1  }
0xa3: {  	[sflag:s23] =	ssyncset.done $0x0  }
0xa4: {  	s25 =	simm.s32 $0x1B8E;
	s24 =	sld [smem:$0x3FFE];
	[sflag:s23] =	ssyncadd.s32 $0xFFFFFFFF  }
0xa5: {  	s26 =	simm.s32 $execute0_lowered;
	[smem:$0x3FD2] =	sst s25  }
0xa6: {  	s4 =	sshll.u32 s26, $0x1;
	_ =	strace $0x8000004F;
	[dreg:$0x1] =	wrdreg $0xFFFFFFFF  }
0xa7: {  	s28 =	simm.s32 $_size_execute0_lowered;
	s2 =	sadd.s32 s2, s4;
	[dreg:$0x0] =	wrdreg $0x0  }
0xa8: {  	s4 =	sshll.u32 s28, $0x1;
	[dreg:$0x2] =	wrdreg s2  }
0xa9: {  	[dreg:$0x3] =	wrdreg s4  }
0xaa: {  	[dreg:$0x4] =	wrdreg $0xC0  }
0xab: {  	_ =	task [dreg:s6], $0x5FFFF  }
0xac: {  	[dreg:$0x1] =	wrdreg $0xFFFFFFFF  }
0xad: {  	[dreg:$0x0] =	wrdreg $0x60  }
0xae: {  	[dreg:$0x2] =	wrdreg s24  }
0xaf: {  	[dreg:$0x3] =	wrdreg $0xAA000  }
0xb0: {  	[dreg:$0x4] =	wrdreg $0x9  }
0xb1: {  	_ =	task.clear_ibuf [dreg:s6], $0x5FFFF;
	_ =	strace $0x9000004F  }
0xb2: {  	s29 =	simm.s32 $0x9;
	_ =	strace $0x80000051  }
0xb3: {  	_ =	swait.ge [sflag:s29], $0x1  }
0xb4: {  	[sflag:s29] =	ssyncadd.s32 $0xFFFFFFFF  }
0xb5: {  	_ =	strace $0x90000051  }
0xb6: {  	_ =	sfence  }
0xb7: {  	s30 =	sld [smem:$0x0];
	_ =	sdelay $0x2  }
0xb8: {  	s31 =	sshll.u32 s1, $0xD;
	s1 =	sshrl.u32 s1, $0x2  }
0xb9: {  	s3 =	sand.u32 $0x4000, s31;
	s1 =	sadd.s32 s1, s30  }
0xba: {  	s0 =	sor.u32 s3, s0;
	s1 =	sshll.u32 s1, $0x11  }
0xbb: {  	s0 =	sor.u32 s1, s0  }
0xbc: {  	s0 =	sadd.s32 $0x8F2B, s0  }
0xbd: {  	[sflag:s0] =	ssyncadd.remote.s32 $0x1  }
0xbe: {  	_ =	sfence.sel $0xFFFF  }
0xbf: {  	[dreg:$0x0] =	wrdreg $0xFFFFFFFF;
	(pc) =	sbr.abs _section_cstart, $3  }
0xc0: {  	[dreg:$0x1] =	wrdreg $0xFFFFFFFF  }
0xc1: {  	_ =	task.clear_ibuf [dreg:s6], $0x2FFFF;
	_ =	strace $0x9FFFFFFF  }
0xc2: {  	(tm) =	ssettm $0x7FFFFFFF  }
0xc3: {  	_ =	shalt  }
tec
execute0_lowered:
.L_overlay_start_1:
0x0: {  	(tag) =	ssettag $0x1  }
0x1: {  	s0 =	srdreg.scid  }
0x2: {  	s1 =	rddreg [dreg:$0x0];
	s9 =	stileid.u32  }
0x3: {  	s2 =	rddreg [dreg:$0x1];
	s19 =	simm.s32 $0x2A00;
	s20 =	simm.s32 $0x5  }
0x4: {  	s22 =	simm.s32 $0x80;
	s28 =	simm.s32 $0x2980;
	s29 =	simm.s32 $0x3  }
0x5: {  	s30 =	simm.s32 $0x4;
	s31 =	simm.s32 $0x0;
	s6 =	smul.u32 $0x500, s9  }
0x6: {  	s0 =	sand.u32 $0x1, s0;
	s5 =	sshll.u32 s9, $0x7;
	s7 =	smul.u32 $0x280, s9  }
0x7: {  	s23 =	smul.u32 $0x50000, s9;
	s24 =	sadd.s32 $0x63600, s1;
	s3 =	sshll.u32 s0, $0x4  }
0x8: {  	s5 =	sand.u32 $0x380, s5;
	s8 =	smul.u32 $0x2800, s0;
	s0 =	ssub.s32 $0x2, s0  }
0x9: {  	s3 =	sor.u32 s9, s3;
	s18 =	sadd.s32 s6, s1;
	s25 =	sshrl.u32 s0, $0x1  }
0xa: {  	s6 =	sshrl.u32 s23, $0x2;
	s23 =	simm.s32 $0x6A00;
	s4 =	sshrl.u32 s3, $0x3  }
0xb: {  	s3 =	simm.s32 $0x0;
	s7 =	sadd.s32 s7, s8;
	s0 =	ssub.s32 s0, s25  }
0xc: {  	s6 =	sadd.s32 s6, s2;
	s18 =	sadd.s32 $0xE600, s18;
	s25 =	simm.s32 $0x1  }
0xd: {  	s4 =	smul.u32 $0x14800, s4;
	[smem:$0x7FF] =	sst s3;
	s7 =	sshll.u32 s7, $0x4  }
0xe: {  	s8 =	sadd.s32 $0x8000, s6;
	s9 =	sadd.s32 $0xC000, s6;
	s10 =	sadd.s32 $0x10000, s6  }
0xf: {  	s17 =	smax.u32 s0, $0x1;
	_ =	strace $0x80000050;
	s5 =	sor.u32 s5, s4  }
0x10: {  	[dreg:$0x3] =	wrdreg s24;
	s24 =	simm.s32 $0x2900;
	s5 =	sshrl.u32 s5, $0x3  }
0x11: {  	s4 =	sadd.s32 $0x13600, s1;
	s11 =	sadd.s32 s5, s1;
	s1 =	sadd.s32 s7, s1  }
0x12: {  	s7 =	sadd.s32 $0x4000, s6;
	s26 =	sadd.s32 $0x4200, s11;
	s12 =	sadd.s32 $0x63E00, s1  }
0x13: {  	s13 =	sadd.s32 $0x64600, s1;
	s14 =	sadd.s32 $0x64E00, s1;
	s15 =	sadd.s32 $0x65600, s1  }
0x14: {  	s16 =	sadd.s32 $0x65E00, s1;
	[dreg:$0x4] =	wrdreg s26;
	s26 =	simm.s32 $0x2  }
.LBB2_1:
0x15: {  	s0 =	rddreg [dreg:$0x3]  }
0x16: {  	[tilespmem:s19], [sflag:$0x5] =	stream.linear.gather [hbm4b:s0+s3], $0x4000, $0x38;
	[tilespmem:$0x1EA00] =	vst v63  }
0x17: {  	_ =	swait.ge [sflag:s20], $0x4000  }
0x18: {  	[sflag:s20] =	ssyncset.done $0x0  }
0x19: {  	[sflag:s20] =	ssyncadd.s32 $0xFFFFC000  }
0x1a: {  	[spmem:s6] =	stream.linear.scatter [tilespmem:s19], [sflag:$0x5], $0x4000, $0x38;
	[tilespmem:$0x1EA00] =	vst v63  }
0x1b: {  	_ =	swait.ge [sflag:s20], $0x4000  }
0x1c: {  	[sflag:s20] =	ssyncset.done $0x0  }
0x1d: {  	[sflag:s20] =	ssyncadd.s32 $0xFFFFC000  }
0x1e: {  	[spmem:s7] =	stream.linear.scatter [tilespmem:s19], [sflag:$0x5], $0x4000, $0x38;
	[tilespmem:$0x1EA00] =	vst v63  }
0x1f: {  	_ =	swait.ge [sflag:s20], $0x4000  }
0x20: {  	[sflag:s20] =	ssyncset.done $0x0  }
0x21: {  	[sflag:s20] =	ssyncadd.s32 $0xFFFFC000  }
0x22: {  	[spmem:s8] =	stream.linear.scatter [tilespmem:s19], [sflag:$0x5], $0x4000, $0x38;
	[tilespmem:$0x1EA00] =	vst v63  }
0x23: {  	_ =	swait.ge [sflag:s20], $0x4000  }
0x24: {  	[sflag:s20] =	ssyncset.done $0x0  }
0x25: {  	[sflag:s20] =	ssyncadd.s32 $0xFFFFC000  }
0x26: {  	[spmem:s9] =	stream.linear.scatter [tilespmem:s19], [sflag:$0x5], $0x4000, $0x38;
	[tilespmem:$0x1EA00] =	vst v63  }
0x27: {  	_ =	swait.ge [sflag:s20], $0x4000  }
0x28: {  	[sflag:s20] =	ssyncset.done $0x0  }
0x29: {  	[sflag:s20] =	ssyncadd.s32 $0xFFFFC000  }
0x2a: {  	[spmem:s10] =	stream.linear.scatter [tilespmem:s19], [sflag:$0x5], $0x4000, $0x38;
	[tilespmem:$0x1EA00] =	vst v63  }
0x2b: {  	_ =	swait.ge [sflag:s20], $0x4000  }
0x2c: {  	[sflag:s20] =	ssyncset.done $0x0  }
0x2d: {  	s1 =	simm.s32 $0x400;
	s5 =	rddreg [dreg:$0x4];
	[sflag:s20] =	ssyncadd.s32 $0xFFFFC000  }
0x2e: {  	[tilespmem:s3], [sflag:$0x5] =	stream.strided.gather [hbm4b:s5+s22], $0x2900, s1, s22, $0x38;
	[tilespmem:$0x1EA00] =	vst v63  }
0x2f: {  	_ =	swait.ge [sflag:s20], $0x2900  }
0x30: {  	[sflag:s20] =	ssyncset.done $0x0  }
0x31: {  	[sflag:s20] =	ssyncadd.s32 $0xFFFFD700  }
0x32: {  	s11 =	simm.s32 $0x0;
	[bflag:$0x0] =	sbarrier.arrive $0xFFFF  }
0x33: {  	[tilespmem:s19], [sflag:$0x1] =	stream.indirect.gather [hbm4b:s4+s22], $0x80, s11, s22, $0xb8;
	[tilespmem:$0x1EA00] =	vst v63  }
0x34: {  	_ = 	snop  }
0x35: {  	[tilespmem:s23], [sflag:$0x2] =	stream.indirect.gather [hbm4b:s4+s22], $0x80, s22, s22, $0xb8;
	[tilespmem:$0x1EA00] =	vst v63  }
0x36: {  	s21 =	sadd.s32 $0x0, s18  }
0x37: {  	[tilespmem:s24], [sflag:$0x5] =	stream.linear.gather [hbm4b:s21+s3], $0x100, $0x38;
	[tilespmem:$0x1EA00] =	vst v63  }
0x38: {  	_ =	swait.ge [sflag:s20], $0x100  }
0x39: {  	[sflag:s20] =	ssyncset.done $0x0  }
0x3a: {  	[sflag:s20] =	ssyncadd.s32 $0xFFFFFF00  }
0x3b: {  	_ =	swait.ge [sflag:s25], $0x4000  }
0x3c: {  	[sflag:s25] =	ssyncset.done $0x0  }
0x3d: {  	[sflag:s25] =	ssyncadd.s32 $0xFFFFC000  }
0x3e: {  	[spmem:s2] =	stream.indirect.scatter.add.f32 [tilespmem:s19], [sflag:$0x3], $0x80, s24, s22, $0xb8;
	[tilespmem:$0x1EA00] =	vst v63  }
0x3f: {  	_ =	swait.ge [sflag:s26], $0x4000  }
0x40: {  	[sflag:s26] =	ssyncset.done $0x0  }
0x41: {  	[sflag:s26] =	ssyncadd.s32 $0xFFFFC000  }
0x42: {  	[spmem:s2] =	stream.indirect.scatter.add.f32 [tilespmem:s23], [sflag:$0x4], $0x80, s28, s22, $0xb8;
	[tilespmem:$0x1EA00] =	vst v63  }
0x43: {  	_ =	swait.ge [sflag:s29], $0x4000  }
0x44: {  	[sflag:s29] =	ssyncset.done $0x0  }
0x45: {  	[sflag:s29] =	ssyncadd.s32 $0xFFFFC000  }
0x46: {  	s0 =	simm.s32 $0x180;
	_ =	swait.ge [sflag:s30], $0x4000  }
0x47: {  	s1 =	simm.s32 $0x20;
	s21 =	simm.s32 $0x40;
	[sflag:s30] =	ssyncset.done $0x0  }
.LBB2_2:
0x48: {  	p0 =	sne.s32 s21, $0x4E0;
	s5 =	sadd.s32 $0xFFFFFF80, s0;
	[sflag:s30] =	ssyncadd.s32 $0xFFFFC000  }
0x49: {  	[tilespmem:s19], [sflag:$0x1] =	stream.indirect.gather [hbm4b:s4+s22], $0x80, s5, s22, $0xb8;
	[tilespmem:$0x1EA00] =	vst v63  }
0x4a: {  	s5 =	smov.u32 s21;
	s21 =	sadd.s32 $0x20, s21  }
0x4b: {  	[tilespmem:s23], [sflag:$0x2] =	stream.indirect.gather [hbm4b:s4+s22], $0x80, s0, s22, $0xb8;
	[tilespmem:$0x1EA00] =	vst v63  }
0x4c: {  	s11 =	sadd.s32 s1, s18;
	s1 =	smov.u32 s5  }
0x4d: {  	[tilespmem:s24], [sflag:$0x5] =	stream.linear.gather [hbm4b:s11+s3], $0x100, $0x38;
	[tilespmem:$0x1EA00] =	vst v63  }
0x4e: {  	_ =	swait.ge [sflag:s20], $0x100  }
0x4f: {  	[sflag:s20] =	ssyncset.done $0x0  }
0x50: {  	[sflag:s20] =	ssyncadd.s32 $0xFFFFFF00  }
0x51: {  	_ =	swait.ge [sflag:s25], $0x4000  }
0x52: {  	[sflag:s25] =	ssyncset.done $0x0  }
0x53: {  	[sflag:s25] =	ssyncadd.s32 $0xFFFFC000  }
0x54: {  	[spmem:s2] =	stream.indirect.scatter.add.f32 [tilespmem:s19], [sflag:$0x3], $0x80, s24, s22, $0xb8;
	[tilespmem:$0x1EA00] =	vst v63  }
0x55: {  	_ =	swait.ge [sflag:s26], $0x4000  }
0x56: {  	[sflag:s26] =	ssyncset.done $0x0  }
0x57: {  	[sflag:s26] =	ssyncadd.s32 $0xFFFFC000  }
0x58: {  	[spmem:s2] =	stream.indirect.scatter.add.f32 [tilespmem:s23], [sflag:$0x4], $0x80, s28, s22, $0xb8;
	[tilespmem:$0x1EA00] =	vst v63  }
.Ltmp0:
0x59: {  	_ =	swait.ge [sflag:s29], $0x4000;
	(pc) =	sbr.rel @p0 .LBB2_2-.Ltmp0, $4  }
0x5a: {  	[sflag:s29] =	ssyncset.done $0x0  }
0x5b: {  	[sflag:s29] =	ssyncadd.s32 $0xFFFFC000  }
0x5c: {  	_ =	swait.ge [sflag:s30], $0x4000  }
0x5d: {  	s0 =	sadd.s32 $0x100, s0;
	[sflag:s30] =	ssyncset.done $0x0  }
0x5e: {  	s5 =	sadd.s32 $0xFFFFFF80, s0;
	[sflag:s30] =	ssyncadd.s32 $0xFFFFC000  }
0x5f: {  	[tilespmem:s19], [sflag:$0x1] =	stream.indirect.gather [hbm4b:s4+s22], $0x80, s5, s22, $0xb8;
	[tilespmem:$0x1EA00] =	vst v63  }
0x60: {  	_ = 	snop  }
0x61: {  	[tilespmem:s23], [sflag:$0x2] =	stream.indirect.gather [hbm4b:s4+s22], $0x80, s0, s22, $0xb8;
	[tilespmem:$0x1EA00] =	vst v63  }
0x62: {  	s21 =	sadd.s32 s1, s18  }
0x63: {  	[tilespmem:s24], [sflag:$0x5] =	stream.linear.gather [hbm4b:s21+s3], $0x100, $0x38;
	[tilespmem:$0x1EA00] =	vst v63  }
0x64: {  	_ =	swait.ge [sflag:s20], $0x100  }
0x65: {  	[sflag:s20] =	ssyncset.done $0x0  }
0x66: {  	[sflag:s20] =	ssyncadd.s32 $0xFFFFFF00  }
0x67: {  	_ =	swait.ge [sflag:s25], $0x4000  }
0x68: {  	[sflag:s25] =	ssyncset.done $0x0  }
0x69: {  	[sflag:s25] =	ssyncadd.s32 $0xFFFFC000  }
0x6a: {  	[spmem:s2] =	stream.indirect.scatter.add.f32 [tilespmem:s19], [sflag:$0x3], $0x80, s24, s22, $0xb8;
	[tilespmem:$0x1EA00] =	vst v63  }
0x6b: {  	_ =	swait.ge [sflag:s26], $0x4000  }
0x6c: {  	[sflag:s26] =	ssyncset.done $0x0  }
0x6d: {  	[sflag:s26] =	ssyncadd.s32 $0xFFFFC000  }
0x6e: {  	[spmem:s2] =	stream.indirect.scatter.add.f32 [tilespmem:s23], [sflag:$0x4], $0x80, s28, s22, $0xb8;
	[tilespmem:$0x1EA00] =	vst v63  }
0x6f: {  	_ =	swait.ge [sflag:s29], $0x4000  }
0x70: {  	[sflag:s29] =	ssyncset.done $0x0  }
0x71: {  	[sflag:s29] =	ssyncadd.s32 $0xFFFFC000  }
0x72: {  	_ =	swait.ge [sflag:s30], $0x4000  }
0x73: {  	[sflag:s30] =	ssyncset.done $0x0  }
0x74: {  	[sflag:s30] =	ssyncadd.s32 $0xFFFFC000  }
0x75: {  	[bflag:$0x0] =	sbarrier.arrive $0xFFFF  }
0x76: {  	[tilespmem:s19], [sflag:$0x5] =	stream.linear.gather [spmem:s6], $0x4000, $0x38;
	[tilespmem:$0x1EA00] =	vst v63  }
0x77: {  	_ =	swait.ge [sflag:s20], $0x4000  }
0x78: {  	[sflag:s20] =	ssyncset.done $0x0  }
0x79: {  	[sflag:s20] =	ssyncadd.s32 $0xFFFFC000  }
0x7a: {  	[hbm4b:s12+s3] =	stream.linear.scatter [tilespmem:s19], [sflag:$0x5], $0x4000, $0x38;
	[tilespmem:$0x1EA00] =	vst v63  }
0x7b: {  	_ =	swait.ge [sflag:s20], $0x4000  }
0x7c: {  	[sflag:s20] =	ssyncset.done $0x0  }
0x7d: {  	[sflag:s20] =	ssyncadd.s32 $0xFFFFC000  }
0x7e: {  	[tilespmem:s19], [sflag:$0x5] =	stream.linear.gather [spmem:s7], $0x4000, $0x38;
	[tilespmem:$0x1EA00] =	vst v63  }
0x7f: {  	_ =	swait.ge [sflag:s20], $0x4000  }
0x80: {  	[sflag:s20] =	ssyncset.done $0x0  }
0x81: {  	[sflag:s20] =	ssyncadd.s32 $0xFFFFC000  }
0x82: {  	[hbm4b:s13+s3] =	stream.linear.scatter [tilespmem:s19], [sflag:$0x5], $0x4000, $0x38;
	[tilespmem:$0x1EA00] =	vst v63  }
0x83: {  	_ =	swait.ge [sflag:s20], $0x4000  }
0x84: {  	[sflag:s20] =	ssyncset.done $0x0  }
0x85: {  	[sflag:s20] =	ssyncadd.s32 $0xFFFFC000  }
0x86: {  	[tilespmem:s19], [sflag:$0x5] =	stream.linear.gather [spmem:s8], $0x4000, $0x38;
	[tilespmem:$0x1EA00] =	vst v63  }
0x87: {  	_ =	swait.ge [sflag:s20], $0x4000  }
0x88: {  	[sflag:s20] =	ssyncset.done $0x0  }
0x89: {  	[sflag:s20] =	ssyncadd.s32 $0xFFFFC000  }
0x8a: {  	[hbm4b:s14+s3] =	stream.linear.scatter [tilespmem:s19], [sflag:$0x5], $0x4000, $0x38;
	[tilespmem:$0x1EA00] =	vst v63  }
0x8b: {  	_ =	swait.ge [sflag:s20], $0x4000  }
0x8c: {  	[sflag:s20] =	ssyncset.done $0x0  }
0x8d: {  	[sflag:s20] =	ssyncadd.s32 $0xFFFFC000  }
0x8e: {  	[tilespmem:s19], [sflag:$0x5] =	stream.linear.gather [spmem:s9], $0x4000, $0x38;
	[tilespmem:$0x1EA00] =	vst v63  }
0x8f: {  	_ =	swait.ge [sflag:s20], $0x4000  }
0x90: {  	[sflag:s20] =	ssyncset.done $0x0  }
0x91: {  	[sflag:s20] =	ssyncadd.s32 $0xFFFFC000  }
0x92: {  	[hbm4b:s15+s3] =	stream.linear.scatter [tilespmem:s19], [sflag:$0x5], $0x4000, $0x38;
	[tilespmem:$0x1EA00] =	vst v63  }
0x93: {  	_ =	swait.ge [sflag:s20], $0x4000  }
0x94: {  	[sflag:s20] =	ssyncset.done $0x0  }
0x95: {  	[sflag:s20] =	ssyncadd.s32 $0xFFFFC000  }
0x96: {  	[tilespmem:s19], [sflag:$0x5] =	stream.linear.gather [spmem:s10], $0x4000, $0x38;
	[tilespmem:$0x1EA00] =	vst v63  }
0x97: {  	s31 =	sadd.s32 $0x1, s31;
	_ =	swait.ge [sflag:s20], $0x4000  }
0x98: {  	p0 =	sne.s32 s31, s17;
	[sflag:s20] =	ssyncset.done $0x0  }
.Ltmp1:
0x99: {  	[sflag:s20] =	ssyncadd.s32 $0xFFFFC000;
	(pc) =	sbr.rel @p0 .LBB2_1-.Ltmp1, $4  }
0x9a: {  	[hbm4b:s16+s3] =	stream.linear.scatter [tilespmem:s19], [sflag:$0x5], $0x4000, $0x38;
	[tilespmem:$0x1EA00] =	vst v63  }
0x9b: {  	_ =	swait.ge [sflag:s20], $0x4000  }
0x9c: {  	[sflag:s20] =	ssyncset.done $0x0  }
0x9d: {  	[sflag:s20] =	ssyncadd.s32 $0xFFFFC000  }
0x9e: {  	_ =	sfence.sel $0x180000  }
0x9f: {  	[bflag:$0x0] =	sbarrier.arrive $0xFFFF  }
0xa0: {  	_ =	strace $0x90000050  }
0xa1: {  	s0 =	stileid.u32;
	[bflag:$0x2] =	sbarrier.arrive $0xFFFF  }
0xa2: {  	p0 =	sne.s32 s0, $0x0;
	s0 =	rddreg [dreg:$0x2]  }
0xa3: {  	s0 =	sadd.s32 @!p0 $0x100000, s0  }
0xa4: {  	[sflag:s0] =	ssyncadd.tile.s32 @!p0 $0x1;
	_ =	shalt  }
.Lfunc_end2:
_tile_overlayer_lowered:
.L_overlay_start_2:
0xa5: {  	(tag) =	ssettag $0x2  }
0xa6: {  	s0 =	rddreg [dreg:$0x0];
	s2 =	stileid.u32  }
0xa7: {  	s1 =	rddreg [dreg:$0x1];
	p0 =	sne.s32 s2, $0x0  }
0xa8: {  	s3 =	rddreg [dreg:$0x2];
	[bflag:$0x3] =	sbarrier.arrive $0xFFFF;
	s2 =	simm.s32 @!p0 $0x1C05  }
0xa9: {  	[timem:s3], [sflag:s2] =	dma.local @!p0 [hbm:s0], s1  }
0xaa: {  	s0 =	simm.s32 @!p0 $0x5  }
0xab: {  	_ =	swait.ge @!p0 [sflag:s0], s1  }
0xac: {  	s1 =	ssub.s32 @!p0 $0x0, s1;
	[sflag:s0] =	ssyncset.done @!p0 $0x0  }
0xad: {  	[sflag:s0] =	ssyncadd.s32 @!p0 s1  }
0xae: {  	[bflag:$0x3] =	sbarrier.arrive $0xFFFF  }
0xaf: {  	_ =	shalt  }

</sc_bundles>
